<compile_context>
chip_gen: v7x
topology: tpu7x:2x2x1
jax: 0.10.2.dev20260603
libtpu: 0.0.44.dev20260713+nightly
codegen_flags: <defaults>
</compile_context>

<pallas_src>
import functools

import jax
import jax.numpy as jnp
from jax import lax
from jax.experimental import pallas as pl
from jax.experimental.pallas import tpu as pltpu
from jax.experimental.pallas import tpu_sc as plsc

V_LIMIT = 25000
D = 128
B, L = 4096, 50
TOK = B * L
NW = 32
ROWS_PER_W = TOK // NW
TROWS = ROWS_PER_W // D
GB = 128
CH = 256
NG = CH // GB
NCHUNK = ROWS_PER_W // CH

_mesh = plsc.VectorSubcoreMesh(core_axis_name="c", subcore_axis_name="s")


@functools.partial(
    pl.kernel,
    mesh=_mesh,
    out_type=jax.ShapeDtypeStruct((TOK, D), jnp.float32),
    scratch_types=[
        pltpu.VMEM((TROWS, D), jnp.int32),
        pltpu.VMEM((ROWS_PER_W // GB, 1, GB), jnp.int32),
        pltpu.VMEM((2 * CH, D), jnp.float32),
        pltpu.SemaphoreType.DMA,
        pltpu.SemaphoreType.DMA,
    ],
)
def _emb(tok_hbm, tbl_hbm, out_hbm, tok_v, idx_v, rows_v, gsem, wsem):
    wid = lax.axis_index("s") * 2 + lax.axis_index("c")
    row_base = wid * ROWS_PER_W

    pltpu.sync_copy(tok_hbm.at[wid], tok_v)

    def mask_body(i, carry):
        for c in range(D // 16):
            t = tok_v[i, pl.ds(c * 16, 16)]
            idx_v[
                (D // GB) * i + (c * 16) // GB, 0, pl.ds((c * 16) % GB, 16)
            ] = jnp.where(t < V_LIMIT, t, t & 16383)
        return carry

    lax.fori_loop(0, TROWS, mask_body, 0)

    def fire_gathers(s):
        boff = (s & 1) * CH
        copies = []
        for j in range(NG):
            copies.append(
                pltpu.async_copy(
                    tbl_hbm.at[idx_v.at[NG * s + j, 0]],
                    rows_v.at[pl.ds(boff + j * GB, GB)],
                    gsem,
                )
            )
        return copies

    def wait_gathers(s):
        boff = (s & 1) * CH
        for j in range(NG):
            pltpu.make_async_copy(
                tbl_hbm.at[idx_v.at[NG * s + j, 0]],
                rows_v.at[pl.ds(boff + j * GB, GB)],
                gsem,
            ).wait()

    def fire_wb(s):
        boff = (s & 1) * CH
        return pltpu.async_copy(
            rows_v.at[pl.ds(boff, CH)],
            out_hbm.at[pl.ds(row_base + s * CH, CH)],
            wsem,
        )

    def wait_wb(s):
        boff = (s & 1) * CH
        pltpu.make_async_copy(
            rows_v.at[pl.ds(boff, CH)],
            out_hbm.at[pl.ds(row_base + s * CH, CH)],
            wsem,
        ).wait()

    fire_gathers(0)

    def chunk_body(s, carry):
        boff = (s & 1) * CH
        wait_gathers(s)
        @pl.when(s > 0)
        def _():
            wait_wb(s - 1)

        @pl.when(s + 1 < NCHUNK)
        def _():
            fire_gathers(s + 1)

        def blk_body(bi, carry2):
            trow = NG * s + bi // 8
            t16 = tok_v[trow, pl.ds((bi % 8) * 16, 16)]
            keep16 = jnp.where(
                (t16 - 1).astype(jnp.uint32) < jnp.uint32(V_LIMIT - 1),
                1.0,
                0.0,
            ).astype(jnp.float32)
            for k in range(16):
                keep = jnp.full((16,), keep16[k], jnp.float32)
                r = boff + bi * 16 + k
                for c in range(D // 16):
                    v = rows_v[r, pl.ds(c * 16, 16)]
                    rows_v[r, pl.ds(c * 16, 16)] = v * keep
            return carry2

        lax.fori_loop(0, CH // 16, blk_body, 0)

        fire_wb(s)
        return carry

    lax.fori_loop(0, NCHUNK, chunk_body, 0)
    wait_wb(NCHUNK - 1)


def kernel(tokens, table):
    tok3 = tokens.reshape(NW, TROWS, D)
    out = _emb(tok3, table)
    return out.reshape(B, L, D)

# --- scband reference (transcript-rebuilt; emitter-appended) ---
"""Pipeline reference for scband-parallel-embedding-64957085385353 (READ-ONLY COPY).

The authoritative reference and input builder live on the scoring server;
editing this copy changes nothing except your own understanding.
"""

import jax, jax.numpy as jnp
import numpy as np

VOCAB_SIZE = 100000
HIDDEN = 128
WORLD_SIZE = 4
RANK = 0
PAD_IDX = 0
VOCAB_PER_PART = VOCAB_SIZE // WORLD_SIZE  # 25000
VOCAB_START = RANK * VOCAB_PER_PART
VOCAB_END = VOCAB_START + VOCAB_PER_PART
B, L = 4096, 50


def setup_inputs(seed: int = 0) -> dict:
    key = jax.random.key(seed)
    k_tok, k_tab = jax.random.split(key)
    tokens = jax.random.randint(k_tok, (B, L), 0, VOCAB_SIZE, dtype=jnp.int32)
    table = jax.random.normal(k_tab, (VOCAB_PER_PART, HIDDEN), dtype=jnp.float32)
    return {"tokens": tokens, "table": table}


def reference(tokens, table):
    # mask tokens outside this rank's vocab partition
    mask = (tokens < VOCAB_START) | (tokens >= VOCAB_END)
    masked_tokens = jnp.where(mask, PAD_IDX, tokens - VOCAB_START)
    # nn.Embedding padding_idx semantics: padding row is zero
    tbl = table.at[PAD_IDX].set(0.0)
    partial = jnp.take(tbl, masked_tokens, axis=0)  # [B, L, HIDDEN]
    partial = jnp.where(mask[..., None], 0.0, partial)
    # dist.all_reduce over 1 simulated rank -> identity
    return partial

if __name__ == "__main__":
    import jax
    _d = setup_inputs()
    print(jax.jit(kernel)(*tuple(_d.values())))

</pallas_src>

<mosaic_0001>
#map = affine_map<(d0, d1) -> (0, 0, 0)>
#map1 = affine_map<(d0, d1) -> (0, 0)>
module attributes {stable_mosaic.version = 14 : i64} {
  func.func @_emb(%arg0: i32, %arg1: i32, %arg2: memref<32x50x128xi32, #tpu.memory_space<hbm>>, %arg3: memref<25000x128xf32, #tpu.memory_space<hbm>>, %arg4: memref<204800x128xf32, #tpu.memory_space<hbm>>, %arg5: memref<50x128xi32, #tpu.memory_space<vmem>>, %arg6: memref<50x1x128xi32, #tpu.memory_space<vmem>>, %arg7: memref<512x128xf32, #tpu.memory_space<vmem>>, %arg8: memref<!tpu.dma_semaphore, #tpu.memory_space<semaphore_mem>>, %arg9: memref<!tpu.dma_semaphore, #tpu.memory_space<semaphore_mem>>) attributes {dimension_semantics = [#tpu.dimension_semantics<core_parallel>, #tpu.dimension_semantics<subcore_parallel>], iteration_bounds = array<i64: 2, 16>, scalar_prefetch = 0 : i64, scratch_operands = 5 : i64, tpu.core_type = #tpu.core_type<sc_vector_subcore>, window_params = [{transform_indices = #map}, {transform_indices = #map1}, {transform_indices = #map1}]} {
    %mul3A = arith.constant 2 : i32
    %mul3A_0 = arith.muli %arg1, %mul3A : i32
    %add3A = arith.addi %mul3A_0, %arg0 : i32
    %mul3A_1 = arith.constant 6400 : i32
    %mul3A_2 = arith.muli %add3A, %mul3A_1 : i32
    "tpu.region"() ({
      %run_scoped3A = tpu.sem_alloc : memref<!tpu.dma_semaphore, #tpu.memory_space<semaphore_mem>>
      %dma_start3A_46 = arith.constant 0 : i32
      %dma_start3A_47 = arith.constant 0 : i32
      %dma_start3A_48 = tpu.memref_slice %arg2[%add3A, %dma_start3A_46, %dma_start3A_47] : memref<32x50x128xi32, #tpu.memory_space<hbm>> -> memref<1x50x128xi32, #tpu.memory_space<hbm>>
      %dma_start3A_49 = tpu.memref_squeeze %dma_start3A_48 : memref<1x50x128xi32, #tpu.memory_space<hbm>> -> memref<50x128xi32, #tpu.memory_space<hbm>>
      %dma_start3A_50 = arith.constant 0 : i32
      %dma_start3A_51 = arith.constant 0 : i32
      %dma_start3A_52 = tpu.memref_slice %arg2[%add3A, %dma_start3A_50, %dma_start3A_51] : memref<32x50x128xi32, #tpu.memory_space<hbm>> -> memref<1x50x128xi32, #tpu.memory_space<hbm>>
      %dma_start3A_53 = tpu.memref_squeeze %dma_start3A_52 : memref<1x50x128xi32, #tpu.memory_space<hbm>> -> memref<50x128xi32, #tpu.memory_space<hbm>>
      tpu.enqueue_dma source(%dma_start3A_53 : memref<50x128xi32, #tpu.memory_space<hbm>>) target(%arg5 : memref<50x128xi32, #tpu.memory_space<vmem>>) target_semaphore(%run_scoped3A : memref<!tpu.dma_semaphore, #tpu.memory_space<semaphore_mem>>)
      %dma_wait3A_54 = arith.constant 0 : i32
      %dma_wait3A_55 = arith.constant 0 : i32
      %dma_wait3A_56 = tpu.memref_slice %arg2[%add3A, %dma_wait3A_54, %dma_wait3A_55] : memref<32x50x128xi32, #tpu.memory_space<hbm>> -> memref<1x50x128xi32, #tpu.memory_space<hbm>>
      %dma_wait3A_57 = tpu.memref_squeeze %dma_wait3A_56 : memref<1x50x128xi32, #tpu.memory_space<hbm>> -> memref<50x128xi32, #tpu.memory_space<hbm>>
      %dma_wait3A_58 = arith.constant 0 : i32
      %dma_wait3A_59 = arith.constant 0 : i32
      %dma_wait3A_60 = tpu.memref_slice %arg2[%add3A, %dma_wait3A_58, %dma_wait3A_59] : memref<32x50x128xi32, #tpu.memory_space<hbm>> -> memref<1x50x128xi32, #tpu.memory_space<hbm>>
      %dma_wait3A_61 = tpu.memref_squeeze %dma_wait3A_60 : memref<1x50x128xi32, #tpu.memory_space<hbm>> -> memref<50x128xi32, #tpu.memory_space<hbm>>
      tpu.wait_dma2 semaphore(%run_scoped3A : memref<!tpu.dma_semaphore, #tpu.memory_space<semaphore_mem>>) src(%dma_wait3A_61 : memref<50x128xi32, #tpu.memory_space<hbm>>) dst(%arg5 : memref<50x128xi32, #tpu.memory_space<vmem>>)
      tpu.yield
    }) : () -> ()
    %scan3A = arith.constant 0 : i32
    %scan3A_3 = arith.constant 0 : i32
    %scan3A_4 = arith.constant 50 : i32
    %scan3A_5 = arith.addi %scan3A_3, %scan3A_4 : i32
    %scan3A_6 = arith.constant 1 : i32
    scf.for %scan3A_46 = %scan3A_3 to %scan3A_5 step %scan3A_6  : i32 {
      %get3A = arith.index_cast %scan3A_46 : i32 to index
      %get3A_47 = arith.constant 0 : index
      %get3A_48 = tpu.vector_load %arg5[%get3A, %get3A_47] {strides = array<i32>} : memref<50x128xi32, #tpu.memory_space<vmem>>, vector<1x16xi32>,
      %get3A_49 = vector.shape_cast %get3A_48 : vector<1x16xi32> to vector<16xi32>
      %lt3A = arith.constant 25000 : i32
      %lt3A_50 = vector.broadcast %lt3A : i32 to vector<16xi32>
      %lt3A_51 = arith.cmpi slt, %get3A_49, %lt3A_50 : vector<16xi32>
      %and3A = arith.constant 16383 : i32
      %and3A_52 = vector.broadcast %and3A : i32 to vector<16xi32>
      %and3A_53 = arith.andi %get3A_49, %and3A_52 : vector<16xi32>
      %select_n3A = arith.select %lt3A_51, %get3A_49, %and3A_53 : vector<16xi1>, vector<16xi32>
      %mul3A_54 = arith.constant 1 : i32
      %mul3A_55 = arith.muli %mul3A_54, %scan3A_46 : i32
      %add3A_56 = arith.constant 0 : i32
      %add3A_57 = arith.addi %mul3A_55, %add3A_56 : i32
      %swap3A = arith.constant 0 : i32
      %swap3A_58 = arith.index_cast %add3A_57 : i32 to index
      %swap3A_59 = arith.index_cast %swap3A : i32 to index
      %swap3A_60 = arith.constant 0 : index
      %swap3A_61 = tpu.vector_load %arg6[%swap3A_58, %swap3A_59, %swap3A_60] {strides = array<i32>} : memref<50x1x128xi32, #tpu.memory_space<vmem>>, vector<1x1x16xi32>,
      %swap3A_62 = vector.shape_cast %swap3A_61 : vector<1x1x16xi32> to vector<16xi32>
      %swap3A_63 = vector.shape_cast %select_n3A : vector<16xi32> to vector<1x1x16xi32>
      tpu.vector_store %arg6[%swap3A_58, %swap3A_59, %swap3A_60], %swap3A_63 {strides = array<i32>} : memref<50x1x128xi32, #tpu.memory_space<vmem>>, vector<1x1x16xi32>,
      %get3A_64 = arith.index_cast %scan3A_46 : i32 to index
      %get3A_65 = arith.constant 16 : index
      %get3A_66 = tpu.vector_load %arg5[%get3A_64, %get3A_65] {strides = array<i32>} : memref<50x128xi32, #tpu.memory_space<vmem>>, vector<1x16xi32>,
      %get3A_67 = vector.shape_cast %get3A_66 : vector<1x16xi32> to vector<16xi32>
      %lt3A_68 = arith.constant 25000 : i32
      %lt3A_69 = vector.broadcast %lt3A_68 : i32 to vector<16xi32>
      %lt3A_70 = arith.cmpi slt, %get3A_67, %lt3A_69 : vector<16xi32>
      %and3A_71 = arith.constant 16383 : i32
      %and3A_72 = vector.broadcast %and3A_71 : i32 to vector<16xi32>
      %and3A_73 = arith.andi %get3A_67, %and3A_72 : vector<16xi32>
      %select_n3A_74 = arith.select %lt3A_70, %get3A_67, %and3A_73 : vector<16xi1>, vector<16xi32>
      %mul3A_75 = arith.constant 1 : i32
      %mul3A_76 = arith.muli %mul3A_75, %scan3A_46 : i32
      %add3A_77 = arith.constant 0 : i32
      %add3A_78 = arith.addi %mul3A_76, %add3A_77 : i32
      %swap3A_79 = arith.constant 0 : i32
      %swap3A_80 = arith.index_cast %add3A_78 : i32 to index
      %swap3A_81 = arith.index_cast %swap3A_79 : i32 to index
      %swap3A_82 = arith.constant 16 : index
      %swap3A_83 = tpu.vector_load %arg6[%swap3A_80, %swap3A_81, %swap3A_82] {strides = array<i32>} : memref<50x1x128xi32, #tpu.memory_space<vmem>>, vector<1x1x16xi32>,
      %swap3A_84 = vector.shape_cast %swap3A_83 : vector<1x1x16xi32> to vector<16xi32>
      %swap3A_85 = vector.shape_cast %select_n3A_74 : vector<16xi32> to vector<1x1x16xi32>
      tpu.vector_store %arg6[%swap3A_80, %swap3A_81, %swap3A_82], %swap3A_85 {strides = array<i32>} : memref<50x1x128xi32, #tpu.memory_space<vmem>>, vector<1x1x16xi32>,
      %get3A_86 = arith.index_cast %scan3A_46 : i32 to index
      %get3A_87 = arith.constant 32 : index
      %get3A_88 = tpu.vector_load %arg5[%get3A_86, %get3A_87] {strides = array<i32>} : memref<50x128xi32, #tpu.memory_space<vmem>>, vector<1x16xi32>,
      %get3A_89 = vector.shape_cast %get3A_88 : vector<1x16xi32> to vector<16xi32>
      %lt3A_90 = arith.constant 25000 : i32
      %lt3A_91 = vector.broadcast %lt3A_90 : i32 to vector<16xi32>
      %lt3A_92 = arith.cmpi slt, %get3A_89, %lt3A_91 : vector<16xi32>
      %and3A_93 = arith.constant 16383 : i32
      %and3A_94 = vector.broadcast %and3A_93 : i32 to vector<16xi32>
      %and3A_95 = arith.andi %get3A_89, %and3A_94 : vector<16xi32>
      %select_n3A_96 = arith.select %lt3A_92, %get3A_89, %and3A_95 : vector<16xi1>, vector<16xi32>
      %mul3A_97 = arith.constant 1 : i32
      %mul3A_98 = arith.muli %mul3A_97, %scan3A_46 : i32
      %add3A_99 = arith.constant 0 : i32
      %add3A_100 = arith.addi %mul3A_98, %add3A_99 : i32
      %swap3A_101 = arith.constant 0 : i32
      %swap3A_102 = arith.index_cast %add3A_100 : i32 to index
      %swap3A_103 = arith.index_cast %swap3A_101 : i32 to index
      %swap3A_104 = arith.constant 32 : index
      %swap3A_105 = tpu.vector_load %arg6[%swap3A_102, %swap3A_103, %swap3A_104] {strides = array<i32>} : memref<50x1x128xi32, #tpu.memory_space<vmem>>, vector<1x1x16xi32>,
      %swap3A_106 = vector.shape_cast %swap3A_105 : vector<1x1x16xi32> to vector<16xi32>
      %swap3A_107 = vector.shape_cast %select_n3A_96 : vector<16xi32> to vector<1x1x16xi32>
      tpu.vector_store %arg6[%swap3A_102, %swap3A_103, %swap3A_104], %swap3A_107 {strides = array<i32>} : memref<50x1x128xi32, #tpu.memory_space<vmem>>, vector<1x1x16xi32>,
      %get3A_108 = arith.index_cast %scan3A_46 : i32 to index
      %get3A_109 = arith.constant 48 : index
      %get3A_110 = tpu.vector_load %arg5[%get3A_108, %get3A_109] {strides = array<i32>} : memref<50x128xi32, #tpu.memory_space<vmem>>, vector<1x16xi32>,
      %get3A_111 = vector.shape_cast %get3A_110 : vector<1x16xi32> to vector<16xi32>
      %lt3A_112 = arith.constant 25000 : i32
      %lt3A_113 = vector.broadcast %lt3A_112 : i32 to vector<16xi32>
      %lt3A_114 = arith.cmpi slt, %get3A_111, %lt3A_113 : vector<16xi32>
      %and3A_115 = arith.constant 16383 : i32
      %and3A_116 = vector.broadcast %and3A_115 : i32 to vector<16xi32>
      %and3A_117 = arith.andi %get3A_111, %and3A_116 : vector<16xi32>
      %select_n3A_118 = arith.select %lt3A_114, %get3A_111, %and3A_117 : vector<16xi1>, vector<16xi32>
      %mul3A_119 = arith.constant 1 : i32
      %mul3A_120 = arith.muli %mul3A_119, %scan3A_46 : i32
      %add3A_121 = arith.constant 0 : i32
      %add3A_122 = arith.addi %mul3A_120, %add3A_121 : i32
      %swap3A_123 = arith.constant 0 : i32
      %swap3A_124 = arith.index_cast %add3A_122 : i32 to index
      %swap3A_125 = arith.index_cast %swap3A_123 : i32 to index
      %swap3A_126 = arith.constant 48 : index
      %swap3A_127 = tpu.vector_load %arg6[%swap3A_124, %swap3A_125, %swap3A_126] {strides = array<i32>} : memref<50x1x128xi32, #tpu.memory_space<vmem>>, vector<1x1x16xi32>,
      %swap3A_128 = vector.shape_cast %swap3A_127 : vector<1x1x16xi32> to vector<16xi32>
      %swap3A_129 = vector.shape_cast %select_n3A_118 : vector<16xi32> to vector<1x1x16xi32>
      tpu.vector_store %arg6[%swap3A_124, %swap3A_125, %swap3A_126], %swap3A_129 {strides = array<i32>} : memref<50x1x128xi32, #tpu.memory_space<vmem>>, vector<1x1x16xi32>,
      %get3A_130 = arith.index_cast %scan3A_46 : i32 to index
      %get3A_131 = arith.constant 64 : index
      %get3A_132 = tpu.vector_load %arg5[%get3A_130, %get3A_131] {strides = array<i32>} : memref<50x128xi32, #tpu.memory_space<vmem>>, vector<1x16xi32>,
      %get3A_133 = vector.shape_cast %get3A_132 : vector<1x16xi32> to vector<16xi32>
      %lt3A_134 = arith.constant 25000 : i32
      %lt3A_135 = vector.broadcast %lt3A_134 : i32 to vector<16xi32>
      %lt3A_136 = arith.cmpi slt, %get3A_133, %lt3A_135 : vector<16xi32>
      %and3A_137 = arith.constant 16383 : i32
      %and3A_138 = vector.broadcast %and3A_137 : i32 to vector<16xi32>
      %and3A_139 = arith.andi %get3A_133, %and3A_138 : vector<16xi32>
      %select_n3A_140 = arith.select %lt3A_136, %get3A_133, %and3A_139 : vector<16xi1>, vector<16xi32>
      %mul3A_141 = arith.constant 1 : i32
      %mul3A_142 = arith.muli %mul3A_141, %scan3A_46 : i32
      %add3A_143 = arith.constant 0 : i32
      %add3A_144 = arith.addi %mul3A_142, %add3A_143 : i32
      %swap3A_145 = arith.constant 0 : i32
      %swap3A_146 = arith.index_cast %add3A_144 : i32 to index
      %swap3A_147 = arith.index_cast %swap3A_145 : i32 to index
      %swap3A_148 = arith.constant 64 : index
      %swap3A_149 = tpu.vector_load %arg6[%swap3A_146, %swap3A_147, %swap3A_148] {strides = array<i32>} : memref<50x1x128xi32, #tpu.memory_space<vmem>>, vector<1x1x16xi32>,
      %swap3A_150 = vector.shape_cast %swap3A_149 : vector<1x1x16xi32> to vector<16xi32>
      %swap3A_151 = vector.shape_cast %select_n3A_140 : vector<16xi32> to vector<1x1x16xi32>
      tpu.vector_store %arg6[%swap3A_146, %swap3A_147, %swap3A_148], %swap3A_151 {strides = array<i32>} : memref<50x1x128xi32, #tpu.memory_space<vmem>>, vector<1x1x16xi32>,
      %get3A_152 = arith.index_cast %scan3A_46 : i32 to index
      %get3A_153 = arith.constant 80 : index
      %get3A_154 = tpu.vector_load %arg5[%get3A_152, %get3A_153] {strides = array<i32>} : memref<50x128xi32, #tpu.memory_space<vmem>>, vector<1x16xi32>,
      %get3A_155 = vector.shape_cast %get3A_154 : vector<1x16xi32> to vector<16xi32>
      %lt3A_156 = arith.constant 25000 : i32
      %lt3A_157 = vector.broadcast %lt3A_156 : i32 to vector<16xi32>
      %lt3A_158 = arith.cmpi slt, %get3A_155, %lt3A_157 : vector<16xi32>
      %and3A_159 = arith.constant 16383 : i32
      %and3A_160 = vector.broadcast %and3A_159 : i32 to vector<16xi32>
      %and3A_161 = arith.andi %get3A_155, %and3A_160 : vector<16xi32>
      %select_n3A_162 = arith.select %lt3A_158, %get3A_155, %and3A_161 : vector<16xi1>, vector<16xi32>
      %mul3A_163 = arith.constant 1 : i32
      %mul3A_164 = arith.muli %mul3A_163, %scan3A_46 : i32
      %add3A_165 = arith.constant 0 : i32
      %add3A_166 = arith.addi %mul3A_164, %add3A_165 : i32
      %swap3A_167 = arith.constant 0 : i32
      %swap3A_168 = arith.index_cast %add3A_166 : i32 to index
      %swap3A_169 = arith.index_cast %swap3A_167 : i32 to index
      %swap3A_170 = arith.constant 80 : index
      %swap3A_171 = tpu.vector_load %arg6[%swap3A_168, %swap3A_169, %swap3A_170] {strides = array<i32>} : memref<50x1x128xi32, #tpu.memory_space<vmem>>, vector<1x1x16xi32>,
      %swap3A_172 = vector.shape_cast %swap3A_171 : vector<1x1x16xi32> to vector<16xi32>
      %swap3A_173 = vector.shape_cast %select_n3A_162 : vector<16xi32> to vector<1x1x16xi32>
      tpu.vector_store %arg6[%swap3A_168, %swap3A_169, %swap3A_170], %swap3A_173 {strides = array<i32>} : memref<50x1x128xi32, #tpu.memory_space<vmem>>, vector<1x1x16xi32>,
      %get3A_174 = arith.index_cast %scan3A_46 : i32 to index
      %get3A_175 = arith.constant 96 : index
      %get3A_176 = tpu.vector_load %arg5[%get3A_174, %get3A_175] {strides = array<i32>} : memref<50x128xi32, #tpu.memory_space<vmem>>, vector<1x16xi32>,
      %get3A_177 = vector.shape_cast %get3A_176 : vector<1x16xi32> to vector<16xi32>
      %lt3A_178 = arith.constant 25000 : i32
      %lt3A_179 = vector.broadcast %lt3A_178 : i32 to vector<16xi32>
      %lt3A_180 = arith.cmpi slt, %get3A_177, %lt3A_179 : vector<16xi32>
      %and3A_181 = arith.constant 16383 : i32
      %and3A_182 = vector.broadcast %and3A_181 : i32 to vector<16xi32>
      %and3A_183 = arith.andi %get3A_177, %and3A_182 : vector<16xi32>
      %select_n3A_184 = arith.select %lt3A_180, %get3A_177, %and3A_183 : vector<16xi1>, vector<16xi32>
      %mul3A_185 = arith.constant 1 : i32
      %mul3A_186 = arith.muli %mul3A_185, %scan3A_46 : i32
      %add3A_187 = arith.constant 0 : i32
      %add3A_188 = arith.addi %mul3A_186, %add3A_187 : i32
      %swap3A_189 = arith.constant 0 : i32
      %swap3A_190 = arith.index_cast %add3A_188 : i32 to index
      %swap3A_191 = arith.index_cast %swap3A_189 : i32 to index
      %swap3A_192 = arith.constant 96 : index
      %swap3A_193 = tpu.vector_load %arg6[%swap3A_190, %swap3A_191, %swap3A_192] {strides = array<i32>} : memref<50x1x128xi32, #tpu.memory_space<vmem>>, vector<1x1x16xi32>,
      %swap3A_194 = vector.shape_cast %swap3A_193 : vector<1x1x16xi32> to vector<16xi32>
      %swap3A_195 = vector.shape_cast %select_n3A_184 : vector<16xi32> to vector<1x1x16xi32>
      tpu.vector_store %arg6[%swap3A_190, %swap3A_191, %swap3A_192], %swap3A_195 {strides = array<i32>} : memref<50x1x128xi32, #tpu.memory_space<vmem>>, vector<1x1x16xi32>,
      %get3A_196 = arith.index_cast %scan3A_46 : i32 to index
      %get3A_197 = arith.constant 112 : index
      %get3A_198 = tpu.vector_load %arg5[%get3A_196, %get3A_197] {strides = array<i32>} : memref<50x128xi32, #tpu.memory_space<vmem>>, vector<1x16xi32>,
      %get3A_199 = vector.shape_cast %get3A_198 : vector<1x16xi32> to vector<16xi32>
      %lt3A_200 = arith.constant 25000 : i32
      %lt3A_201 = vector.broadcast %lt3A_200 : i32 to vector<16xi32>
      %lt3A_202 = arith.cmpi slt, %get3A_199, %lt3A_201 : vector<16xi32>
      %and3A_203 = arith.constant 16383 : i32
      %and3A_204 = vector.broadcast %and3A_203 : i32 to vector<16xi32>
      %and3A_205 = arith.andi %get3A_199, %and3A_204 : vector<16xi32>
      %select_n3A_206 = arith.select %lt3A_202, %get3A_199, %and3A_205 : vector<16xi1>, vector<16xi32>
      %mul3A_207 = arith.constant 1 : i32
      %mul3A_208 = arith.muli %mul3A_207, %scan3A_46 : i32
      %add3A_209 = arith.constant 0 : i32
      %add3A_210 = arith.addi %mul3A_208, %add3A_209 : i32
      %swap3A_211 = arith.constant 0 : i32
      %swap3A_212 = arith.index_cast %add3A_210 : i32 to index
      %swap3A_213 = arith.index_cast %swap3A_211 : i32 to index
      %swap3A_214 = arith.constant 112 : index
      %swap3A_215 = tpu.vector_load %arg6[%swap3A_212, %swap3A_213, %swap3A_214] {strides = array<i32>} : memref<50x1x128xi32, #tpu.memory_space<vmem>>, vector<1x1x16xi32>,
      %swap3A_216 = vector.shape_cast %swap3A_215 : vector<1x1x16xi32> to vector<16xi32>
      %swap3A_217 = vector.shape_cast %select_n3A_206 : vector<16xi32> to vector<1x1x16xi32>
      tpu.vector_store %arg6[%swap3A_212, %swap3A_213, %swap3A_214], %swap3A_217 {strides = array<i32>} : memref<50x1x128xi32, #tpu.memory_space<vmem>>, vector<1x1x16xi32>,
    }
    %scan3A_7 = arith.constant 50 : i32
    %dma_start3A = arith.constant 0 : i32
    %dma_start3A_8 = arith.constant 0 : i32
    %dma_start3A_9 = arith.constant 0 : i32
    %dma_start3A_10 = arith.constant 0 : i32
    %dma_start3A_11 = tpu.memref_slice %arg7[%dma_start3A_9, %dma_start3A_10] : memref<512x128xf32, #tpu.memory_space<vmem>> -> memref<128x128xf32, #tpu.memory_space<vmem>>
    %dma_start3A_12 = arith.constant 0 : i32
    %dma_start3A_13 = tpu.memref_slice %arg6[%dma_start3A, %dma_start3A_8, %dma_start3A_12] : memref<50x1x128xi32, #tpu.memory_space<vmem>> -> memref<1x1x128xi32, #tpu.memory_space<vmem>>
    %dma_start3A_14 = tpu.memref_squeeze %dma_start3A_13 : memref<1x1x128xi32, #tpu.memory_space<vmem>> -> memref<128xi32, #tpu.memory_space<vmem>>
    %dma_start3A_15 = arith.constant 0 : i32
    %dma_start3A_16 = arith.constant 0 : i32
    %dma_start3A_17 = tpu.memref_slice %arg3[%dma_start3A_15, %dma_start3A_16] : memref<25000x128xf32, #tpu.memory_space<hbm>> -> memref<25000x128xf32, #tpu.memory_space<hbm>>
    tpu.enqueue_indirect_dma source(%dma_start3A_17 : memref<25000x128xf32, #tpu.memory_space<hbm>>) target(%dma_start3A_11 : memref<128x128xf32, #tpu.memory_space<vmem>>) offsets(%dma_start3A_14 : memref<128xi32, #tpu.memory_space<vmem>>) semaphore(%arg8 : memref<!tpu.dma_semaphore, #tpu.memory_space<semaphore_mem>>)
    %dma_start3A_18 = arith.constant 1 : i32
    %dma_start3A_19 = arith.constant 0 : i32
    %dma_start3A_20 = arith.constant 128 : i32
    %dma_start3A_21 = arith.constant 0 : i32
    %dma_start3A_22 = tpu.memref_slice %arg7[%dma_start3A_20, %dma_start3A_21] : memref<512x128xf32, #tpu.memory_space<vmem>> -> memref<128x128xf32, #tpu.memory_space<vmem>>
    %dma_start3A_23 = arith.constant 0 : i32
    %dma_start3A_24 = tpu.memref_slice %arg6[%dma_start3A_18, %dma_start3A_19, %dma_start3A_23] : memref<50x1x128xi32, #tpu.memory_space<vmem>> -> memref<1x1x128xi32, #tpu.memory_space<vmem>>
    %dma_start3A_25 = tpu.memref_squeeze %dma_start3A_24 : memref<1x1x128xi32, #tpu.memory_space<vmem>> -> memref<128xi32, #tpu.memory_space<vmem>>
    %dma_start3A_26 = arith.constant 0 : i32
    %dma_start3A_27 = arith.constant 0 : i32
    %dma_start3A_28 = tpu.memref_slice %arg3[%dma_start3A_26, %dma_start3A_27] : memref<25000x128xf32, #tpu.memory_space<hbm>> -> memref<25000x128xf32, #tpu.memory_space<hbm>>
    tpu.enqueue_indirect_dma source(%dma_start3A_28 : memref<25000x128xf32, #tpu.memory_space<hbm>>) target(%dma_start3A_22 : memref<128x128xf32, #tpu.memory_space<vmem>>) offsets(%dma_start3A_25 : memref<128xi32, #tpu.memory_space<vmem>>) semaphore(%arg8 : memref<!tpu.dma_semaphore, #tpu.memory_space<semaphore_mem>>)
    %scan3A_29 = arith.constant 0 : i32
    %scan3A_30 = arith.constant 0 : i32
    %scan3A_31 = arith.constant 25 : i32
    %scan3A_32 = arith.addi %scan3A_30, %scan3A_31 : i32
    %scan3A_33 = arith.constant 1 : i32
    scf.for %scan3A_46 = %scan3A_30 to %scan3A_32 step %scan3A_33  : i32 {
      %and3A = arith.constant 1 : i32
      %and3A_47 = arith.andi %scan3A_46, %and3A : i32
      %mul3A_48 = arith.constant 256 : i32
      %mul3A_49 = arith.muli %and3A_47, %mul3A_48 : i32
      %and3A_50 = arith.constant 1 : i32
      %and3A_51 = arith.andi %scan3A_46, %and3A_50 : i32
      %mul3A_52 = arith.constant 256 : i32
      %mul3A_53 = arith.muli %and3A_51, %mul3A_52 : i32
      %mul3A_54 = arith.constant 2 : i32
      %mul3A_55 = arith.muli %mul3A_54, %scan3A_46 : i32
      %add3A_56 = arith.constant 0 : i32
      %add3A_57 = arith.addi %mul3A_55, %add3A_56 : i32
      %add3A_58 = arith.constant 0 : i32
      %add3A_59 = arith.addi %mul3A_53, %add3A_58 : i32
      %dma_wait3A_60 = arith.constant 0 : i32
      %dma_wait3A_61 = arith.constant 0 : i32
      %dma_wait3A_62 = tpu.memref_slice %arg7[%add3A_59, %dma_wait3A_61] : memref<512x128xf32, #tpu.memory_space<vmem>> -> memref<128x128xf32, #tpu.memory_space<vmem>>
      %dma_wait3A_63 = arith.constant 0 : i32
      %dma_wait3A_64 = tpu.memref_slice %arg6[%add3A_57, %dma_wait3A_60, %dma_wait3A_63] : memref<50x1x128xi32, #tpu.memory_space<vmem>> -> memref<1x1x128xi32, #tpu.memory_space<vmem>>
      %dma_wait3A_65 = tpu.memref_squeeze %dma_wait3A_64 : memref<1x1x128xi32, #tpu.memory_space<vmem>> -> memref<128xi32, #tpu.memory_space<vmem>>
      %dma_wait3A_66 = arith.constant 0 : i32
      %dma_wait3A_67 = arith.constant 0 : i32
      %dma_wait3A_68 = tpu.memref_slice %arg3[%dma_wait3A_66, %dma_wait3A_67] : memref<25000x128xf32, #tpu.memory_space<hbm>> -> memref<25000x128xf32, #tpu.memory_space<hbm>>
      tpu.wait_indirect_dma semaphore(%arg8 : memref<!tpu.dma_semaphore, #tpu.memory_space<semaphore_mem>>) src(%dma_wait3A_68 : memref<25000x128xf32, #tpu.memory_space<hbm>>) dst(%dma_wait3A_62 : memref<128x128xf32, #tpu.memory_space<vmem>>)
      %mul3A_69 = arith.constant 2 : i32
      %mul3A_70 = arith.muli %mul3A_69, %scan3A_46 : i32
      %add3A_71 = arith.constant 1 : i32
      %add3A_72 = arith.addi %mul3A_70, %add3A_71 : i32
      %add3A_73 = arith.constant 128 : i32
      %add3A_74 = arith.addi %mul3A_53, %add3A_73 : i32
      %dma_wait3A_75 = arith.constant 0 : i32
      %dma_wait3A_76 = arith.constant 0 : i32
      %dma_wait3A_77 = tpu.memref_slice %arg7[%add3A_74, %dma_wait3A_76] : memref<512x128xf32, #tpu.memory_space<vmem>> -> memref<128x128xf32, #tpu.memory_space<vmem>>
      %dma_wait3A_78 = arith.constant 0 : i32
      %dma_wait3A_79 = tpu.memref_slice %arg6[%add3A_72, %dma_wait3A_75, %dma_wait3A_78] : memref<50x1x128xi32, #tpu.memory_space<vmem>> -> memref<1x1x128xi32, #tpu.memory_space<vmem>>
      %dma_wait3A_80 = tpu.memref_squeeze %dma_wait3A_79 : memref<1x1x128xi32, #tpu.memory_space<vmem>> -> memref<128xi32, #tpu.memory_space<vmem>>
      %dma_wait3A_81 = arith.constant 0 : i32
      %dma_wait3A_82 = arith.constant 0 : i32
      %dma_wait3A_83 = tpu.memref_slice %arg3[%dma_wait3A_81, %dma_wait3A_82] : memref<25000x128xf32, #tpu.memory_space<hbm>> -> memref<25000x128xf32, #tpu.memory_space<hbm>>
      tpu.wait_indirect_dma semaphore(%arg8 : memref<!tpu.dma_semaphore, #tpu.memory_space<semaphore_mem>>) src(%dma_wait3A_83 : memref<25000x128xf32, #tpu.memory_space<hbm>>) dst(%dma_wait3A_77 : memref<128x128xf32, #tpu.memory_space<vmem>>)
      %gt3A = arith.constant 0 : i32
      %gt3A_84 = arith.cmpi sgt, %scan3A_46, %gt3A : i32
      %convert_element_type3A = arith.extui %gt3A_84 : i1 to i32
      %cond3A = arith.constant 0 : i32
      %cond3A_85 = arith.cmpi ne, %convert_element_type3A, %cond3A : i32
      scf.if %cond3A_85 {
        %sub3A = arith.constant 1 : i32
        %sub3A_113 = arith.subi %scan3A_46, %sub3A : i32
        %and3A_114 = arith.constant 1 : i32
        %and3A_115 = arith.andi %sub3A_113, %and3A_114 : i32
        %mul3A_116 = arith.constant 256 : i32
        %mul3A_117 = arith.muli %and3A_115, %mul3A_116 : i32
        %mul3A_118 = arith.constant 256 : i32
        %mul3A_119 = arith.muli %sub3A_113, %mul3A_118 : i32
        %add3A_120 = arith.addi %mul3A_2, %mul3A_119 : i32
        %dma_wait3A_121 = arith.constant 0 : i32
        %dma_wait3A_122 = tpu.memref_slice %arg7[%mul3A_117, %dma_wait3A_121] : memref<512x128xf32, #tpu.memory_space<vmem>> -> memref<256x128xf32, #tpu.memory_space<vmem>>
        %dma_wait3A_123 = arith.constant 0 : i32
        %dma_wait3A_124 = tpu.memref_slice %arg4[%add3A_120, %dma_wait3A_123] : memref<204800x128xf32, #tpu.memory_space<hbm>> -> memref<256x128xf32, #tpu.memory_space<hbm>>
        %dma_wait3A_125 = arith.constant 0 : i32
        %dma_wait3A_126 = tpu.memref_slice %arg4[%add3A_120, %dma_wait3A_125] : memref<204800x128xf32, #tpu.memory_space<hbm>> -> memref<256x128xf32, #tpu.memory_space<hbm>>
        %dma_wait3A_127 = arith.constant 0 : i32
        %dma_wait3A_128 = tpu.memref_slice %arg7[%mul3A_117, %dma_wait3A_127] : memref<512x128xf32, #tpu.memory_space<vmem>> -> memref<256x128xf32, #tpu.memory_space<vmem>>
        tpu.wait_dma2 semaphore(%arg9 : memref<!tpu.dma_semaphore, #tpu.memory_space<semaphore_mem>>) src(%dma_wait3A_128 : memref<256x128xf32, #tpu.memory_space<vmem>>) dst(%dma_wait3A_126 : memref<256x128xf32, #tpu.memory_space<hbm>>)
      } else {
      }
      %add3A_86 = arith.constant 1 : i32
      %add3A_87 = arith.addi %scan3A_46, %add3A_86 : i32
      %lt3A = arith.constant 25 : i32
      %lt3A_88 = arith.cmpi slt, %add3A_87, %lt3A : i32
      %convert_element_type3A_89 = arith.extui %lt3A_88 : i1 to i32
      %cond3A_90 = arith.constant 0 : i32
      %cond3A_91 = arith.cmpi ne, %convert_element_type3A_89, %cond3A_90 : i32
      scf.if %cond3A_91 {
        %add3A_113 = arith.constant 1 : i32
        %add3A_114 = arith.addi %scan3A_46, %add3A_113 : i32
        %and3A_115 = arith.constant 1 : i32
        %and3A_116 = arith.andi %add3A_114, %and3A_115 : i32
        %mul3A_117 = arith.constant 256 : i32
        %mul3A_118 = arith.muli %and3A_116, %mul3A_117 : i32
        %mul3A_119 = arith.constant 2 : i32
        %mul3A_120 = arith.muli %mul3A_119, %add3A_114 : i32
        %add3A_121 = arith.constant 0 : i32
        %add3A_122 = arith.addi %mul3A_120, %add3A_121 : i32
        %add3A_123 = arith.constant 0 : i32
        %add3A_124 = arith.addi %mul3A_118, %add3A_123 : i32
        %dma_start3A_125 = arith.constant 0 : i32
        %dma_start3A_126 = arith.constant 0 : i32
        %dma_start3A_127 = tpu.memref_slice %arg7[%add3A_124, %dma_start3A_126] : memref<512x128xf32, #tpu.memory_space<vmem>> -> memref<128x128xf32, #tpu.memory_space<vmem>>
        %dma_start3A_128 = arith.constant 0 : i32
        %dma_start3A_129 = tpu.memref_slice %arg6[%add3A_122, %dma_start3A_125, %dma_start3A_128] : memref<50x1x128xi32, #tpu.memory_space<vmem>> -> memref<1x1x128xi32, #tpu.memory_space<vmem>>
        %dma_start3A_130 = tpu.memref_squeeze %dma_start3A_129 : memref<1x1x128xi32, #tpu.memory_space<vmem>> -> memref<128xi32, #tpu.memory_space<vmem>>
        %dma_start3A_131 = arith.constant 0 : i32
        %dma_start3A_132 = arith.constant 0 : i32
        %dma_start3A_133 = tpu.memref_slice %arg3[%dma_start3A_131, %dma_start3A_132] : memref<25000x128xf32, #tpu.memory_space<hbm>> -> memref<25000x128xf32, #tpu.memory_space<hbm>>
        tpu.enqueue_indirect_dma source(%dma_start3A_133 : memref<25000x128xf32, #tpu.memory_space<hbm>>) target(%dma_start3A_127 : memref<128x128xf32, #tpu.memory_space<vmem>>) offsets(%dma_start3A_130 : memref<128xi32, #tpu.memory_space<vmem>>) semaphore(%arg8 : memref<!tpu.dma_semaphore, #tpu.memory_space<semaphore_mem>>)
        %mul3A_134 = arith.constant 2 : i32
        %mul3A_135 = arith.muli %mul3A_134, %add3A_114 : i32
        %add3A_136 = arith.constant 1 : i32
        %add3A_137 = arith.addi %mul3A_135, %add3A_136 : i32
        %add3A_138 = arith.constant 128 : i32
        %add3A_139 = arith.addi %mul3A_118, %add3A_138 : i32
        %dma_start3A_140 = arith.constant 0 : i32
        %dma_start3A_141 = arith.constant 0 : i32
        %dma_start3A_142 = tpu.memref_slice %arg7[%add3A_139, %dma_start3A_141] : memref<512x128xf32, #tpu.memory_space<vmem>> -> memref<128x128xf32, #tpu.memory_space<vmem>>
        %dma_start3A_143 = arith.constant 0 : i32
        %dma_start3A_144 = tpu.memref_slice %arg6[%add3A_137, %dma_start3A_140, %dma_start3A_143] : memref<50x1x128xi32, #tpu.memory_space<vmem>> -> memref<1x1x128xi32, #tpu.memory_space<vmem>>
        %dma_start3A_145 = tpu.memref_squeeze %dma_start3A_144 : memref<1x1x128xi32, #tpu.memory_space<vmem>> -> memref<128xi32, #tpu.memory_space<vmem>>
        %dma_start3A_146 = arith.constant 0 : i32
        %dma_start3A_147 = arith.constant 0 : i32
        %dma_start3A_148 = tpu.memref_slice %arg3[%dma_start3A_146, %dma_start3A_147] : memref<25000x128xf32, #tpu.memory_space<hbm>> -> memref<25000x128xf32, #tpu.memory_space<hbm>>
        tpu.enqueue_indirect_dma source(%dma_start3A_148 : memref<25000x128xf32, #tpu.memory_space<hbm>>) target(%dma_start3A_142 : memref<128x128xf32, #tpu.memory_space<vmem>>) offsets(%dma_start3A_145 : memref<128xi32, #tpu.memory_space<vmem>>) semaphore(%arg8 : memref<!tpu.dma_semaphore, #tpu.memory_space<semaphore_mem>>)
      } else {
      }
      %scan3A_92 = arith.constant 0 : i32
      %scan3A_93 = arith.constant 0 : i32
      %scan3A_94 = arith.constant 16 : i32
      %scan3A_95 = arith.addi %scan3A_93, %scan3A_94 : i32
      %scan3A_96 = arith.constant 1 : i32
      scf.for %scan3A_113 = %scan3A_93 to %scan3A_95 step %scan3A_96  : i32 {
        %mul3A_114 = arith.constant 2 : i32
        %mul3A_115 = arith.muli %mul3A_114, %scan3A_46 : i32
        %jit3A = arith.constant 8 : i32
        %div3A = arith.divsi %scan3A_113, %jit3A : i32
        %sign3A = arith.constant 0 : i32
        %sign3A_116 = arith.cmpi sgt, %scan3A_113, %sign3A : i32
        %sign3A_117 = arith.extui %sign3A_116 : i1 to i32
        %sign3A_118 = arith.constant 0 : i32
        %sign3A_119 = arith.cmpi slt, %scan3A_113, %sign3A_118 : i32
        %sign3A_120 = arith.extui %sign3A_119 : i1 to i32
        %sign3A_121 = arith.subi %sign3A_117, %sign3A_120 : i32
        %sign3A_122 = arith.constant 0 : i32
        %sign3A_123 = arith.cmpi sgt, %jit3A, %sign3A_122 : i32
        %sign3A_124 = arith.extui %sign3A_123 : i1 to i32
        %sign3A_125 = arith.constant 0 : i32
        %sign3A_126 = arith.cmpi slt, %jit3A, %sign3A_125 : i32
        %sign3A_127 = arith.extui %sign3A_126 : i1 to i32
        %sign3A_128 = arith.subi %sign3A_124, %sign3A_127 : i32
        %ne3A = arith.cmpi ne, %sign3A_121, %sign3A_128 : i32
        %rem3A = arith.remsi %scan3A_113, %jit3A : i32
        %ne3A_129 = arith.constant 0 : i32
        %ne3A_130 = arith.cmpi ne, %rem3A, %ne3A_129 : i32
        %and3A_131 = arith.andi %ne3A, %ne3A_130 : i1
        %sub3A = arith.constant 1 : i32
        %sub3A_132 = arith.subi %div3A, %sub3A : i32
        %select_n3A = arith.select %and3A_131, %sub3A_132, %div3A : i32
        %add3A_133 = arith.addi %mul3A_115, %select_n3A : i32
        %jit3A_134 = arith.constant 8 : i32
        %eq3A = arith.constant 0 : i32
        %eq3A_135 = arith.cmpi eq, %jit3A_134, %eq3A : i32
        %jit3A_136 = arith.constant 1 : i32
        %select_n3A_137 = arith.select %eq3A_135, %jit3A_136, %jit3A_134 : i32
        %rem3A_138 = arith.remsi %scan3A_113, %select_n3A_137 : i32
        %ne3A_139 = arith.constant 0 : i32
        %ne3A_140 = arith.cmpi ne, %rem3A_138, %ne3A_139 : i32
        %lt3A_141 = arith.constant 0 : i32
        %lt3A_142 = arith.cmpi slt, %rem3A_138, %lt3A_141 : i32
        %lt3A_143 = arith.constant 0 : i32
        %lt3A_144 = arith.cmpi slt, %select_n3A_137, %lt3A_143 : i32
        %ne3A_145 = arith.xori %lt3A_142, %lt3A_144 : i1
        %and3A_146 = arith.andi %ne3A_145, %ne3A_140 : i1
        %add3A_147 = arith.addi %rem3A_138, %select_n3A_137 : i32
        %select_n3A_148 = arith.select %and3A_146, %add3A_147, %rem3A_138 : i32
        %mul3A_149 = arith.constant 16 : i32
        %mul3A_150 = arith.muli %select_n3A_148, %mul3A_149 : i32
        %get3A = arith.index_cast %add3A_133 : i32 to index
        %get3A_151 = arith.index_cast %mul3A_150 : i32 to index
        %get3A_152 = tpu.vector_load %arg5[%get3A, %get3A_151] {strides = array<i32>} : memref<50x128xi32, #tpu.memory_space<vmem>>, vector<1x16xi32>,
        %get3A_153 = vector.shape_cast %get3A_152 : vector<1x16xi32> to vector<16xi32>
        %sub3A_154 = arith.constant 1 : i32
        %sub3A_155 = vector.broadcast %sub3A_154 : i32 to vector<16xi32>
        %sub3A_156 = arith.subi %get3A_153, %sub3A_155 : vector<16xi32>
        %lt3A_157 = arith.constant 24999 : i32
        %lt3A_158 = vector.broadcast %lt3A_157 : i32 to vector<16xi32>
        %lt3A_159 = arith.cmpi ult, %sub3A_156, %lt3A_158 : vector<16xi32>
        %jit3A_160 = arith.constant 1.000000e+00 : f32
        %jit3A_161 = arith.constant 0.000000e+00 : f32
        %broadcast_in_dim3A = vector.broadcast %jit3A_160 : f32 to vector<16xf32>
        %broadcast_in_dim3A_162 = vector.broadcast %jit3A_161 : f32 to vector<16xf32>
        %select_n3A_163 = arith.select %lt3A_159, %broadcast_in_dim3A, %broadcast_in_dim3A_162 : vector<16xi1>, vector<16xf32>
        %slice3A = vector.extract_strided_slice %select_n3A_163 {offsets = [0], sizes = [1], strides = [1]} : vector<16xf32> to vector<1xf32>
        %squeeze3A = vector.extract %slice3A[0] : f32 from vector<1xf32>
        %broadcast_in_dim3A_164 = vector.broadcast %squeeze3A : f32 to vector<16xf32>
        %mul3A_165 = arith.constant 16 : i32
        %mul3A_166 = arith.muli %scan3A_113, %mul3A_165 : i32
        %add3A_167 = arith.addi %mul3A_49, %mul3A_166 : i32
        %add3A_168 = arith.constant 0 : i32
        %add3A_169 = arith.addi %add3A_167, %add3A_168 : i32
        %get3A_170 = arith.index_cast %add3A_169 : i32 to index
        %get3A_171 = arith.constant 0 : index
        %get3A_172 = tpu.vector_load %arg7[%get3A_170, %get3A_171] {strides = array<i32>} : memref<512x128xf32, #tpu.memory_space<vmem>>, vector<1x16xf32>,
        %get3A_173 = vector.shape_cast %get3A_172 : vector<1x16xf32> to vector<16xf32>
        %mul3A_174 = arith.mulf %get3A_173, %broadcast_in_dim3A_164 : vector<16xf32>
        %swap3A = arith.index_cast %add3A_169 : i32 to index
        %swap3A_175 = arith.constant 0 : index
        %swap3A_176 = tpu.vector_load %arg7[%swap3A, %swap3A_175] {strides = array<i32>} : memref<512x128xf32, #tpu.memory_space<vmem>>, vector<1x16xf32>,
        %swap3A_177 = vector.shape_cast %swap3A_176 : vector<1x16xf32> to vector<16xf32>
        %swap3A_178 = vector.shape_cast %mul3A_174 : vector<16xf32> to vector<1x16xf32>
        tpu.vector_store %arg7[%swap3A, %swap3A_175], %swap3A_178 {strides = array<i32>} : memref<512x128xf32, #tpu.memory_space<vmem>>, vector<1x16xf32>,
        %get3A_179 = arith.index_cast %add3A_169 : i32 to index
        %get3A_180 = arith.constant 16 : index
        %get3A_181 = tpu.vector_load %arg7[%get3A_179, %get3A_180] {strides = array<i32>} : memref<512x128xf32, #tpu.memory_space<vmem>>, vector<1x16xf32>,
        %get3A_182 = vector.shape_cast %get3A_181 : vector<1x16xf32> to vector<16xf32>
        %mul3A_183 = arith.mulf %get3A_182, %broadcast_in_dim3A_164 : vector<16xf32>
        %swap3A_184 = arith.index_cast %add3A_169 : i32 to index
        %swap3A_185 = arith.constant 16 : index
        %swap3A_186 = tpu.vector_load %arg7[%swap3A_184, %swap3A_185] {strides = array<i32>} : memref<512x128xf32, #tpu.memory_space<vmem>>, vector<1x16xf32>,
        %swap3A_187 = vector.shape_cast %swap3A_186 : vector<1x16xf32> to vector<16xf32>
        %swap3A_188 = vector.shape_cast %mul3A_183 : vector<16xf32> to vector<1x16xf32>
        tpu.vector_store %arg7[%swap3A_184, %swap3A_185], %swap3A_188 {strides = array<i32>} : memref<512x128xf32, #tpu.memory_space<vmem>>, vector<1x16xf32>,
        %get3A_189 = arith.index_cast %add3A_169 : i32 to index
        %get3A_190 = arith.constant 32 : index
        %get3A_191 = tpu.vector_load %arg7[%get3A_189, %get3A_190] {strides = array<i32>} : memref<512x128xf32, #tpu.memory_space<vmem>>, vector<1x16xf32>,
        %get3A_192 = vector.shape_cast %get3A_191 : vector<1x16xf32> to vector<16xf32>
        %mul3A_193 = arith.mulf %get3A_192, %broadcast_in_dim3A_164 : vector<16xf32>
        %swap3A_194 = arith.index_cast %add3A_169 : i32 to index
        %swap3A_195 = arith.constant 32 : index
        %swap3A_196 = tpu.vector_load %arg7[%swap3A_194, %swap3A_195] {strides = array<i32>} : memref<512x128xf32, #tpu.memory_space<vmem>>, vector<1x16xf32>,
        %swap3A_197 = vector.shape_cast %swap3A_196 : vector<1x16xf32> to vector<16xf32>
        %swap3A_198 = vector.shape_cast %mul3A_193 : vector<16xf32> to vector<1x16xf32>
        tpu.vector_store %arg7[%swap3A_194, %swap3A_195], %swap3A_198 {strides = array<i32>} : memref<512x128xf32, #tpu.memory_space<vmem>>, vector<1x16xf32>,
        %get3A_199 = arith.index_cast %add3A_169 : i32 to index
        %get3A_200 = arith.constant 48 : index
        %get3A_201 = tpu.vector_load %arg7[%get3A_199, %get3A_200] {strides = array<i32>} : memref<512x128xf32, #tpu.memory_space<vmem>>, vector<1x16xf32>,
        %get3A_202 = vector.shape_cast %get3A_201 : vector<1x16xf32> to vector<16xf32>
        %mul3A_203 = arith.mulf %get3A_202, %broadcast_in_dim3A_164 : vector<16xf32>
        %swap3A_204 = arith.index_cast %add3A_169 : i32 to index
        %swap3A_205 = arith.constant 48 : index
        %swap3A_206 = tpu.vector_load %arg7[%swap3A_204, %swap3A_205] {strides = array<i32>} : memref<512x128xf32, #tpu.memory_space<vmem>>, vector<1x16xf32>,
        %swap3A_207 = vector.shape_cast %swap3A_206 : vector<1x16xf32> to vector<16xf32>
        %swap3A_208 = vector.shape_cast %mul3A_203 : vector<16xf32> to vector<1x16xf32>
        tpu.vector_store %arg7[%swap3A_204, %swap3A_205], %swap3A_208 {strides = array<i32>} : memref<512x128xf32, #tpu.memory_space<vmem>>, vector<1x16xf32>,
        %get3A_209 = arith.index_cast %add3A_169 : i32 to index
        %get3A_210 = arith.constant 64 : index
        %get3A_211 = tpu.vector_load %arg7[%get3A_209, %get3A_210] {strides = array<i32>} : memref<512x128xf32, #tpu.memory_space<vmem>>, vector<1x16xf32>,
        %get3A_212 = vector.shape_cast %get3A_211 : vector<1x16xf32> to vector<16xf32>
        %mul3A_213 = arith.mulf %get3A_212, %broadcast_in_dim3A_164 : vector<16xf32>
        %swap3A_214 = arith.index_cast %add3A_169 : i32 to index
        %swap3A_215 = arith.constant 64 : index
        %swap3A_216 = tpu.vector_load %arg7[%swap3A_214, %swap3A_215] {strides = array<i32>} : memref<512x128xf32, #tpu.memory_space<vmem>>, vector<1x16xf32>,
        %swap3A_217 = vector.shape_cast %swap3A_216 : vector<1x16xf32> to vector<16xf32>
        %swap3A_218 = vector.shape_cast %mul3A_213 : vector<16xf32> to vector<1x16xf32>
        tpu.vector_store %arg7[%swap3A_214, %swap3A_215], %swap3A_218 {strides = array<i32>} : memref<512x128xf32, #tpu.memory_space<vmem>>, vector<1x16xf32>,
        %get3A_219 = arith.index_cast %add3A_169 : i32 to index
        %get3A_220 = arith.constant 80 : index
        %get3A_221 = tpu.vector_load %arg7[%get3A_219, %get3A_220] {strides = array<i32>} : memref<512x128xf32, #tpu.memory_space<vmem>>, vector<1x16xf32>,
        %get3A_222 = vector.shape_cast %get3A_221 : vector<1x16xf32> to vector<16xf32>
        %mul3A_223 = arith.mulf %get3A_222, %broadcast_in_dim3A_164 : vector<16xf32>
        %swap3A_224 = arith.index_cast %add3A_169 : i32 to index
        %swap3A_225 = arith.constant 80 : index
        %swap3A_226 = tpu.vector_load %arg7[%swap3A_224, %swap3A_225] {strides = array<i32>} : memref<512x128xf32, #tpu.memory_space<vmem>>, vector<1x16xf32>,
        %swap3A_227 = vector.shape_cast %swap3A_226 : vector<1x16xf32> to vector<16xf32>
        %swap3A_228 = vector.shape_cast %mul3A_223 : vector<16xf32> to vector<1x16xf32>
        tpu.vector_store %arg7[%swap3A_224, %swap3A_225], %swap3A_228 {strides = array<i32>} : memref<512x128xf32, #tpu.memory_space<vmem>>, vector<1x16xf32>,
        %get3A_229 = arith.index_cast %add3A_169 : i32 to index
        %get3A_230 = arith.constant 96 : index
        %get3A_231 = tpu.vector_load %arg7[%get3A_229, %get3A_230] {strides = array<i32>} : memref<512x128xf32, #tpu.memory_space<vmem>>, vector<1x16xf32>,
        %get3A_232 = vector.shape_cast %get3A_231 : vector<1x16xf32> to vector<16xf32>
        %mul3A_233 = arith.mulf %get3A_232, %broadcast_in_dim3A_164 : vector<16xf32>
        %swap3A_234 = arith.index_cast %add3A_169 : i32 to index
        %swap3A_235 = arith.constant 96 : index
        %swap3A_236 = tpu.vector_load %arg7[%swap3A_234, %swap3A_235] {strides = array<i32>} : memref<512x128xf32, #tpu.memory_space<vmem>>, vector<1x16xf32>,
        %swap3A_237 = vector.shape_cast %swap3A_236 : vector<1x16xf32> to vector<16xf32>
        %swap3A_238 = vector.shape_cast %mul3A_233 : vector<16xf32> to vector<1x16xf32>
        tpu.vector_store %arg7[%swap3A_234, %swap3A_235], %swap3A_238 {strides = array<i32>} : memref<512x128xf32, #tpu.memory_space<vmem>>, vector<1x16xf32>,
        %get3A_239 = arith.index_cast %add3A_169 : i32 to index
        %get3A_240 = arith.constant 112 : index
        %get3A_241 = tpu.vector_load %arg7[%get3A_239, %get3A_240] {strides = array<i32>} : memref<512x128xf32, #tpu.memory_space<vmem>>, vector<1x16xf32>,
        %get3A_242 = vector.shape_cast %get3A_241 : vector<1x16xf32> to vector<16xf32>
        %mul3A_243 = arith.mulf %get3A_242, %broadcast_in_dim3A_164 : vector<16xf32>
        %swap3A_244 = arith.index_cast %add3A_169 : i32 to index
        %swap3A_245 = arith.constant 112 : index
        %swap3A_246 = tpu.vector_load %arg7[%swap3A_244, %swap3A_245] {strides = array<i32>} : memref<512x128xf32, #tpu.memory_space<vmem>>, vector<1x16xf32>,
        %swap3A_247 = vector.shape_cast %swap3A_246 : vector<1x16xf32> to vector<16xf32>
        %swap3A_248 = vector.shape_cast %mul3A_243 : vector<16xf32> to vector<1x16xf32>
        tpu.vector_store %arg7[%swap3A_244, %swap3A_245], %swap3A_248 {strides = array<i32>} : memref<512x128xf32, #tpu.memory_space<vmem>>, vector<1x16xf32>,
        %slice3A_249 = vector.extract_strided_slice %select_n3A_163 {offsets = [1], sizes = [1], strides = [1]} : vector<16xf32> to vector<1xf32>
        %squeeze3A_250 = vector.extract %slice3A_249[0] : f32 from vector<1xf32>
        %broadcast_in_dim3A_251 = vector.broadcast %squeeze3A_250 : f32 to vector<16xf32>
        %mul3A_252 = arith.constant 16 : i32
        %mul3A_253 = arith.muli %scan3A_113, %mul3A_252 : i32
        %add3A_254 = arith.addi %mul3A_49, %mul3A_253 : i32
        %add3A_255 = arith.constant 1 : i32
        %add3A_256 = arith.addi %add3A_254, %add3A_255 : i32
        %get3A_257 = arith.index_cast %add3A_256 : i32 to index
        %get3A_258 = arith.constant 0 : index
        %get3A_259 = tpu.vector_load %arg7[%get3A_257, %get3A_258] {strides = array<i32>} : memref<512x128xf32, #tpu.memory_space<vmem>>, vector<1x16xf32>,
        %get3A_260 = vector.shape_cast %get3A_259 : vector<1x16xf32> to vector<16xf32>
        %mul3A_261 = arith.mulf %get3A_260, %broadcast_in_dim3A_251 : vector<16xf32>
        %swap3A_262 = arith.index_cast %add3A_256 : i32 to index
        %swap3A_263 = arith.constant 0 : index
        %swap3A_264 = tpu.vector_load %arg7[%swap3A_262, %swap3A_263] {strides = array<i32>} : memref<512x128xf32, #tpu.memory_space<vmem>>, vector<1x16xf32>,
        %swap3A_265 = vector.shape_cast %swap3A_264 : vector<1x16xf32> to vector<16xf32>
        %swap3A_266 = vector.shape_cast %mul3A_261 : vector<16xf32> to vector<1x16xf32>
        tpu.vector_store %arg7[%swap3A_262, %swap3A_263], %swap3A_266 {strides = array<i32>} : memref<512x128xf32, #tpu.memory_space<vmem>>, vector<1x16xf32>,
        %get3A_267 = arith.index_cast %add3A_256 : i32 to index
        %get3A_268 = arith.constant 16 : index
        %get3A_269 = tpu.vector_load %arg7[%get3A_267, %get3A_268] {strides = array<i32>} : memref<512x128xf32, #tpu.memory_space<vmem>>, vector<1x16xf32>,
        %get3A_270 = vector.shape_cast %get3A_269 : vector<1x16xf32> to vector<16xf32>
        %mul3A_271 = arith.mulf %get3A_270, %broadcast_in_dim3A_251 : vector<16xf32>
        %swap3A_272 = arith.index_cast %add3A_256 : i32 to index
        %swap3A_273 = arith.constant 16 : index
        %swap3A_274 = tpu.vector_load %arg7[%swap3A_272, %swap3A_273] {strides = array<i32>} : memref<512x128xf32, #tpu.memory_space<vmem>>, vector<1x16xf32>,
        %swap3A_275 = vector.shape_cast %swap3A_274 : vector<1x16xf32> to vector<16xf32>
        %swap3A_276 = vector.shape_cast %mul3A_271 : vector<16xf32> to vector<1x16xf32>
        tpu.vector_store %arg7[%swap3A_272, %swap3A_273], %swap3A_276 {strides = array<i32>} : memref<512x128xf32, #tpu.memory_space<vmem>>, vector<1x16xf32>,
        %get3A_277 = arith.index_cast %add3A_256 : i32 to index
        %get3A_278 = arith.constant 32 : index
        %get3A_279 = tpu.vector_load %arg7[%get3A_277, %get3A_278] {strides = array<i32>} : memref<512x128xf32, #tpu.memory_space<vmem>>, vector<1x16xf32>,
        %get3A_280 = vector.shape_cast %get3A_279 : vector<1x16xf32> to vector<16xf32>
        %mul3A_281 = arith.mulf %get3A_280, %broadcast_in_dim3A_251 : vector<16xf32>
        %swap3A_282 = arith.index_cast %add3A_256 : i32 to index
        %swap3A_283 = arith.constant 32 : index
        %swap3A_284 = tpu.vector_load %arg7[%swap3A_282, %swap3A_283] {strides = array<i32>} : memref<512x128xf32, #tpu.memory_space<vmem>>, vector<1x16xf32>,
        %swap3A_285 = vector.shape_cast %swap3A_284 : vector<1x16xf32> to vector<16xf32>
        %swap3A_286 = vector.shape_cast %mul3A_281 : vector<16xf32> to vector<1x16xf32>
        tpu.vector_store %arg7[%swap3A_282, %swap3A_283], %swap3A_286 {strides = array<i32>} : memref<512x128xf32, #tpu.memory_space<vmem>>, vector<1x16xf32>,
        %get3A_287 = arith.index_cast %add3A_256 : i32 to index
        %get3A_288 = arith.constant 48 : index
        %get3A_289 = tpu.vector_load %arg7[%get3A_287, %get3A_288] {strides = array<i32>} : memref<512x128xf32, #tpu.memory_space<vmem>>, vector<1x16xf32>,
        %get3A_290 = vector.shape_cast %get3A_289 : vector<1x16xf32> to vector<16xf32>
        %mul3A_291 = arith.mulf %get3A_290, %broadcast_in_dim3A_251 : vector<16xf32>
        %swap3A_292 = arith.index_cast %add3A_256 : i32 to index
        %swap3A_293 = arith.constant 48 : index
        %swap3A_294 = tpu.vector_load %arg7[%swap3A_292, %swap3A_293] {strides = array<i32>} : memref<512x128xf32, #tpu.memory_space<vmem>>, vector<1x16xf32>,
        %swap3A_295 = vector.shape_cast %swap3A_294 : vector<1x16xf32> to vector<16xf32>
        %swap3A_296 = vector.shape_cast %mul3A_291 : vector<16xf32> to vector<1x16xf32>
        tpu.vector_store %arg7[%swap3A_292, %swap3A_293], %swap3A_296 {strides = array<i32>} : memref<512x128xf32, #tpu.memory_space<vmem>>, vector<1x16xf32>,
        %get3A_297 = arith.index_cast %add3A_256 : i32 to index
        %get3A_298 = arith.constant 64 : index
        %get3A_299 = tpu.vector_load %arg7[%get3A_297, %get3A_298] {strides = array<i32>} : memref<512x128xf32, #tpu.memory_space<vmem>>, vector<1x16xf32>,
        %get3A_300 = vector.shape_cast %get3A_299 : vector<1x16xf32> to vector<16xf32>
        %mul3A_301 = arith.mulf %get3A_300, %broadcast_in_dim3A_251 : vector<16xf32>
        %swap3A_302 = arith.index_cast %add3A_256 : i32 to index
        %swap3A_303 = arith.constant 64 : index
        %swap3A_304 = tpu.vector_load %arg7[%swap3A_302, %swap3A_303] {strides = array<i32>} : memref<512x128xf32, #tpu.memory_space<vmem>>, vector<1x16xf32>,
        %swap3A_305 = vector.shape_cast %swap3A_304 : vector<1x16xf32> to vector<16xf32>
        %swap3A_306 = vector.shape_cast %mul3A_301 : vector<16xf32> to vector<1x16xf32>
        tpu.vector_store %arg7[%swap3A_302, %swap3A_303], %swap3A_306 {strides = array<i32>} : memref<512x128xf32, #tpu.memory_space<vmem>>, vector<1x16xf32>,
        %get3A_307 = arith.index_cast %add3A_256 : i32 to index
        %get3A_308 = arith.constant 80 : index
        %get3A_309 = tpu.vector_load %arg7[%get3A_307, %get3A_308] {strides = array<i32>} : memref<512x128xf32, #tpu.memory_space<vmem>>, vector<1x16xf32>,
        %get3A_310 = vector.shape_cast %get3A_309 : vector<1x16xf32> to vector<16xf32>
        %mul3A_311 = arith.mulf %get3A_310, %broadcast_in_dim3A_251 : vector<16xf32>
        %swap3A_312 = arith.index_cast %add3A_256 : i32 to index
        %swap3A_313 = arith.constant 80 : index
        %swap3A_314 = tpu.vector_load %arg7[%swap3A_312, %swap3A_313] {strides = array<i32>} : memref<512x128xf32, #tpu.memory_space<vmem>>, vector<1x16xf32>,
        %swap3A_315 = vector.shape_cast %swap3A_314 : vector<1x16xf32> to vector<16xf32>
        %swap3A_316 = vector.shape_cast %mul3A_311 : vector<16xf32> to vector<1x16xf32>
        tpu.vector_store %arg7[%swap3A_312, %swap3A_313], %swap3A_316 {strides = array<i32>} : memref<512x128xf32, #tpu.memory_space<vmem>>, vector<1x16xf32>,
        %get3A_317 = arith.index_cast %add3A_256 : i32 to index
        %get3A_318 = arith.constant 96 : index
        %get3A_319 = tpu.vector_load %arg7[%get3A_317, %get3A_318] {strides = array<i32>} : memref<512x128xf32, #tpu.memory_space<vmem>>, vector<1x16xf32>,
        %get3A_320 = vector.shape_cast %get3A_319 : vector<1x16xf32> to vector<16xf32>
        %mul3A_321 = arith.mulf %get3A_320, %broadcast_in_dim3A_251 : vector<16xf32>
        %swap3A_322 = arith.index_cast %add3A_256 : i32 to index
        %swap3A_323 = arith.constant 96 : index
        %swap3A_324 = tpu.vector_load %arg7[%swap3A_322, %swap3A_323] {strides = array<i32>} : memref<512x128xf32, #tpu.memory_space<vmem>>, vector<1x16xf32>,
        %swap3A_325 = vector.shape_cast %swap3A_324 : vector<1x16xf32> to vector<16xf32>
        %swap3A_326 = vector.shape_cast %mul3A_321 : vector<16xf32> to vector<1x16xf32>
        tpu.vector_store %arg7[%swap3A_322, %swap3A_323], %swap3A_326 {strides = array<i32>} : memref<512x128xf32, #tpu.memory_space<vmem>>, vector<1x16xf32>,
        %get3A_327 = arith.index_cast %add3A_256 : i32 to index
        %get3A_328 = arith.constant 112 : index
        %get3A_329 = tpu.vector_load %arg7[%get3A_327, %get3A_328] {strides = array<i32>} : memref<512x128xf32, #tpu.memory_space<vmem>>, vector<1x16xf32>,
        %get3A_330 = vector.shape_cast %get3A_329 : vector<1x16xf32> to vector<16xf32>
        %mul3A_331 = arith.mulf %get3A_330, %broadcast_in_dim3A_251 : vector<16xf32>
        %swap3A_332 = arith.index_cast %add3A_256 : i32 to index
        %swap3A_333 = arith.constant 112 : index
        %swap3A_334 = tpu.vector_load %arg7[%swap3A_332, %swap3A_333] {strides = array<i32>} : memref<512x128xf32, #tpu.memory_space<vmem>>, vector<1x16xf32>,
        %swap3A_335 = vector.shape_cast %swap3A_334 : vector<1x16xf32> to vector<16xf32>
        %swap3A_336 = vector.shape_cast %mul3A_331 : vector<16xf32> to vector<1x16xf32>
        tpu.vector_store %arg7[%swap3A_332, %swap3A_333], %swap3A_336 {strides = array<i32>} : memref<512x128xf32, #tpu.memory_space<vmem>>, vector<1x16xf32>,
        %slice3A_337 = vector.extract_strided_slice %select_n3A_163 {offsets = [2], sizes = [1], strides = [1]} : vector<16xf32> to vector<1xf32>
        %squeeze3A_338 = vector.extract %slice3A_337[0] : f32 from vector<1xf32>
        %broadcast_in_dim3A_339 = vector.broadcast %squeeze3A_338 : f32 to vector<16xf32>
        %mul3A_340 = arith.constant 16 : i32
        %mul3A_341 = arith.muli %scan3A_113, %mul3A_340 : i32
        %add3A_342 = arith.addi %mul3A_49, %mul3A_341 : i32
        %add3A_343 = arith.constant 2 : i32
        %add3A_344 = arith.addi %add3A_342, %add3A_343 : i32
        %get3A_345 = arith.index_cast %add3A_344 : i32 to index
        %get3A_346 = arith.constant 0 : index
        %get3A_347 = tpu.vector_load %arg7[%get3A_345, %get3A_346] {strides = array<i32>} : memref<512x128xf32, #tpu.memory_space<vmem>>, vector<1x16xf32>,
        %get3A_348 = vector.shape_cast %get3A_347 : vector<1x16xf32> to vector<16xf32>
        %mul3A_349 = arith.mulf %get3A_348, %broadcast_in_dim3A_339 : vector<16xf32>
        %swap3A_350 = arith.index_cast %add3A_344 : i32 to index
        %swap3A_351 = arith.constant 0 : index
        %swap3A_352 = tpu.vector_load %arg7[%swap3A_350, %swap3A_351] {strides = array<i32>} : memref<512x128xf32, #tpu.memory_space<vmem>>, vector<1x16xf32>,
        %swap3A_353 = vector.shape_cast %swap3A_352 : vector<1x16xf32> to vector<16xf32>
        %swap3A_354 = vector.shape_cast %mul3A_349 : vector<16xf32> to vector<1x16xf32>
        tpu.vector_store %arg7[%swap3A_350, %swap3A_351], %swap3A_354 {strides = array<i32>} : memref<512x128xf32, #tpu.memory_space<vmem>>, vector<1x16xf32>,
        %get3A_355 = arith.index_cast %add3A_344 : i32 to index
        %get3A_356 = arith.constant 16 : index
        %get3A_357 = tpu.vector_load %arg7[%get3A_355, %get3A_356] {strides = array<i32>} : memref<512x128xf32, #tpu.memory_space<vmem>>, vector<1x16xf32>,
        %get3A_358 = vector.shape_cast %get3A_357 : vector<1x16xf32> to vector<16xf32>
        %mul3A_359 = arith.mulf %get3A_358, %broadcast_in_dim3A_339 : vector<16xf32>
        %swap3A_360 = arith.index_cast %add3A_344 : i32 to index
        %swap3A_361 = arith.constant 16 : index
        %swap3A_362 = tpu.vector_load %arg7[%swap3A_360, %swap3A_361] {strides = array<i32>} : memref<512x128xf32, #tpu.memory_space<vmem>>, vector<1x16xf32>,
        %swap3A_363 = vector.shape_cast %swap3A_362 : vector<1x16xf32> to vector<16xf32>
        %swap3A_364 = vector.shape_cast %mul3A_359 : vector<16xf32> to vector<1x16xf32>
        tpu.vector_store %arg7[%swap3A_360, %swap3A_361], %swap3A_364 {strides = array<i32>} : memref<512x128xf32, #tpu.memory_space<vmem>>, vector<1x16xf32>,
        %get3A_365 = arith.index_cast %add3A_344 : i32 to index
        %get3A_366 = arith.constant 32 : index
        %get3A_367 = tpu.vector_load %arg7[%get3A_365, %get3A_366] {strides = array<i32>} : memref<512x128xf32, #tpu.memory_space<vmem>>, vector<1x16xf32>,
        %get3A_368 = vector.shape_cast %get3A_367 : vector<1x16xf32> to vector<16xf32>
        %mul3A_369 = arith.mulf %get3A_368, %broadcast_in_dim3A_339 : vector<16xf32>
        %swap3A_370 = arith.index_cast %add3A_344 : i32 to index
        %swap3A_371 = arith.constant 32 : index
        %swap3A_372 = tpu.vector_load %arg7[%swap3A_370, %swap3A_371] {strides = array<i32>} : memref<512x128xf32, #tpu.memory_space<vmem>>, vector<1x16xf32>,
        %swap3A_373 = vector.shape_cast %swap3A_372 : vector<1x16xf32> to vector<16xf32>
        %swap3A_374 = vector.shape_cast %mul3A_369 : vector<16xf32> to vector<1x16xf32>
        tpu.vector_store %arg7[%swap3A_370, %swap3A_371], %swap3A_374 {strides = array<i32>} : memref<512x128xf32, #tpu.memory_space<vmem>>, vector<1x16xf32>,
        %get3A_375 = arith.index_cast %add3A_344 : i32 to index
        %get3A_376 = arith.constant 48 : index
        %get3A_377 = tpu.vector_load %arg7[%get3A_375, %get3A_376] {strides = array<i32>} : memref<512x128xf32, #tpu.memory_space<vmem>>, vector<1x16xf32>,
        %get3A_378 = vector.shape_cast %get3A_377 : vector<1x16xf32> to vector<16xf32>
        %mul3A_379 = arith.mulf %get3A_378, %broadcast_in_dim3A_339 : vector<16xf32>
        %swap3A_380 = arith.index_cast %add3A_344 : i32 to index
        %swap3A_381 = arith.constant 48 : index
        %swap3A_382 = tpu.vector_load %arg7[%swap3A_380, %swap3A_381] {strides = array<i32>} : memref<512x128xf32, #tpu.memory_space<vmem>>, vector<1x16xf32>,
        %swap3A_383 = vector.shape_cast %swap3A_382 : vector<1x16xf32> to vector<16xf32>
        %swap3A_384 = vector.shape_cast %mul3A_379 : vector<16xf32> to vector<1x16xf32>
        tpu.vector_store %arg7[%swap3A_380, %swap3A_381], %swap3A_384 {strides = array<i32>} : memref<512x128xf32, #tpu.memory_space<vmem>>, vector<1x16xf32>,
        %get3A_385 = arith.index_cast %add3A_344 : i32 to index
        %get3A_386 = arith.constant 64 : index
        %get3A_387 = tpu.vector_load %arg7[%get3A_385, %get3A_386] {strides = array<i32>} : memref<512x128xf32, #tpu.memory_space<vmem>>, vector<1x16xf32>,
        %get3A_388 = vector.shape_cast %get3A_387 : vector<1x16xf32> to vector<16xf32>
        %mul3A_389 = arith.mulf %get3A_388, %broadcast_in_dim3A_339 : vector<16xf32>
        %swap3A_390 = arith.index_cast %add3A_344 : i32 to index
        %swap3A_391 = arith.constant 64 : index
        %swap3A_392 = tpu.vector_load %arg7[%swap3A_390, %swap3A_391] {strides = array<i32>} : memref<512x128xf32, #tpu.memory_space<vmem>>, vector<1x16xf32>,
        %swap3A_393 = vector.shape_cast %swap3A_392 : vector<1x16xf32> to vector<16xf32>
        %swap3A_394 = vector.shape_cast %mul3A_389 : vector<16xf32> to vector<1x16xf32>
        tpu.vector_store %arg7[%swap3A_390, %swap3A_391], %swap3A_394 {strides = array<i32>} : memref<512x128xf32, #tpu.memory_space<vmem>>, vector<1x16xf32>,
        %get3A_395 = arith.index_cast %add3A_344 : i32 to index
        %get3A_396 = arith.constant 80 : index
        %get3A_397 = tpu.vector_load %arg7[%get3A_395, %get3A_396] {strides = array<i32>} : memref<512x128xf32, #tpu.memory_space<vmem>>, vector<1x16xf32>,
        %get3A_398 = vector.shape_cast %get3A_397 : vector<1x16xf32> to vector<16xf32>
        %mul3A_399 = arith.mulf %get3A_398, %broadcast_in_dim3A_339 : vector<16xf32>
        %swap3A_400 = arith.index_cast %add3A_344 : i32 to index
        %swap3A_401 = arith.constant 80 : index
        %swap3A_402 = tpu.vector_load %arg7[%swap3A_400, %swap3A_401] {strides = array<i32>} : memref<512x128xf32, #tpu.memory_space<vmem>>, vector<1x16xf32>,
        %swap3A_403 = vector.shape_cast %swap3A_402 : vector<1x16xf32> to vector<16xf32>
        %swap3A_404 = vector.shape_cast %mul3A_399 : vector<16xf32> to vector<1x16xf32>
        tpu.vector_store %arg7[%swap3A_400, %swap3A_401], %swap3A_404 {strides = array<i32>} : memref<512x128xf32, #tpu.memory_space<vmem>>, vector<1x16xf32>,
        %get3A_405 = arith.index_cast %add3A_344 : i32 to index
        %get3A_406 = arith.constant 96 : index
        %get3A_407 = tpu.vector_load %arg7[%get3A_405, %get3A_406] {strides = array<i32>} : memref<512x128xf32, #tpu.memory_space<vmem>>, vector<1x16xf32>,
        %get3A_408 = vector.shape_cast %get3A_407 : vector<1x16xf32> to vector<16xf32>
        %mul3A_409 = arith.mulf %get3A_408, %broadcast_in_dim3A_339 : vector<16xf32>
        %swap3A_410 = arith.index_cast %add3A_344 : i32 to index
        %swap3A_411 = arith.constant 96 : index
        %swap3A_412 = tpu.vector_load %arg7[%swap3A_410, %swap3A_411] {strides = array<i32>} : memref<512x128xf32, #tpu.memory_space<vmem>>, vector<1x16xf32>,
        %swap3A_413 = vector.shape_cast %swap3A_412 : vector<1x16xf32> to vector<16xf32>
        %swap3A_414 = vector.shape_cast %mul3A_409 : vector<16xf32> to vector<1x16xf32>
        tpu.vector_store %arg7[%swap3A_410, %swap3A_411], %swap3A_414 {strides = array<i32>} : memref<512x128xf32, #tpu.memory_space<vmem>>, vector<1x16xf32>,
        %get3A_415 = arith.index_cast %add3A_344 : i32 to index
        %get3A_416 = arith.constant 112 : index
        %get3A_417 = tpu.vector_load %arg7[%get3A_415, %get3A_416] {strides = array<i32>} : memref<512x128xf32, #tpu.memory_space<vmem>>, vector<1x16xf32>,
        %get3A_418 = vector.shape_cast %get3A_417 : vector<1x16xf32> to vector<16xf32>
        %mul3A_419 = arith.mulf %get3A_418, %broadcast_in_dim3A_339 : vector<16xf32>
        %swap3A_420 = arith.index_cast %add3A_344 : i32 to index
        %swap3A_421 = arith.constant 112 : index
        %swap3A_422 = tpu.vector_load %arg7[%swap3A_420, %swap3A_421] {strides = array<i32>} : memref<512x128xf32, #tpu.memory_space<vmem>>, vector<1x16xf32>,
        %swap3A_423 = vector.shape_cast %swap3A_422 : vector<1x16xf32> to vector<16xf32>
        %swap3A_424 = vector.shape_cast %mul3A_419 : vector<16xf32> to vector<1x16xf32>
        tpu.vector_store %arg7[%swap3A_420, %swap3A_421], %swap3A_424 {strides = array<i32>} : memref<512x128xf32, #tpu.memory_space<vmem>>, vector<1x16xf32>,
        %slice3A_425 = vector.extract_strided_slice %select_n3A_163 {offsets = [3], sizes = [1], strides = [1]} : vector<16xf32> to vector<1xf32>
        %squeeze3A_426 = vector.extract %slice3A_425[0] : f32 from vector<1xf32>
        %broadcast_in_dim3A_427 = vector.broadcast %squeeze3A_426 : f32 to vector<16xf32>
        %mul3A_428 = arith.constant 16 : i32
        %mul3A_429 = arith.muli %scan3A_113, %mul3A_428 : i32
        %add3A_430 = arith.addi %mul3A_49, %mul3A_429 : i32
        %add3A_431 = arith.constant 3 : i32
        %add3A_432 = arith.addi %add3A_430, %add3A_431 : i32
        %get3A_433 = arith.index_cast %add3A_432 : i32 to index
        %get3A_434 = arith.constant 0 : index
        %get3A_435 = tpu.vector_load %arg7[%get3A_433, %get3A_434] {strides = array<i32>} : memref<512x128xf32, #tpu.memory_space<vmem>>, vector<1x16xf32>,
        %get3A_436 = vector.shape_cast %get3A_435 : vector<1x16xf32> to vector<16xf32>
        %mul3A_437 = arith.mulf %get3A_436, %broadcast_in_dim3A_427 : vector<16xf32>
        %swap3A_438 = arith.index_cast %add3A_432 : i32 to index
        %swap3A_439 = arith.constant 0 : index
        %swap3A_440 = tpu.vector_load %arg7[%swap3A_438, %swap3A_439] {strides = array<i32>} : memref<512x128xf32, #tpu.memory_space<vmem>>, vector<1x16xf32>,
        %swap3A_441 = vector.shape_cast %swap3A_440 : vector<1x16xf32> to vector<16xf32>
        %swap3A_442 = vector.shape_cast %mul3A_437 : vector<16xf32> to vector<1x16xf32>
        tpu.vector_store %arg7[%swap3A_438, %swap3A_439], %swap3A_442 {strides = array<i32>} : memref<512x128xf32, #tpu.memory_space<vmem>>, vector<1x16xf32>,
        %get3A_443 = arith.index_cast %add3A_432 : i32 to index
        %get3A_444 = arith.constant 16 : index
        %get3A_445 = tpu.vector_load %arg7[%get3A_443, %get3A_444] {strides = array<i32>} : memref<512x128xf32, #tpu.memory_space<vmem>>, vector<1x16xf32>,
        %get3A_446 = vector.shape_cast %get3A_445 : vector<1x16xf32> to vector<16xf32>
        %mul3A_447 = arith.mulf %get3A_446, %broadcast_in_dim3A_427 : vector<16xf32>
        %swap3A_448 = arith.index_cast %add3A_432 : i32 to index
        %swap3A_449 = arith.constant 16 : index
        %swap3A_450 = tpu.vector_load %arg7[%swap3A_448, %swap3A_449] {strides = array<i32>} : memref<512x128xf32, #tpu.memory_space<vmem>>, vector<1x16xf32>,
        %swap3A_451 = vector.shape_cast %swap3A_450 : vector<1x16xf32> to vector<16xf32>
        %swap3A_452 = vector.shape_cast %mul3A_447 : vector<16xf32> to vector<1x16xf32>
        tpu.vector_store %arg7[%swap3A_448, %swap3A_449], %swap3A_452 {strides = array<i32>} : memref<512x128xf32, #tpu.memory_space<vmem>>, vector<1x16xf32>,
        %get3A_453 = arith.index_cast %add3A_432 : i32 to index
        %get3A_454 = arith.constant 32 : index
        %get3A_455 = tpu.vector_load %arg7[%get3A_453, %get3A_454] {strides = array<i32>} : memref<512x128xf32, #tpu.memory_space<vmem>>, vector<1x16xf32>,
        %get3A_456 = vector.shape_cast %get3A_455 : vector<1x16xf32> to vector<16xf32>
        %mul3A_457 = arith.mulf %get3A_456, %broadcast_in_dim3A_427 : vector<16xf32>
        %swap3A_458 = arith.index_cast %add3A_432 : i32 to index
        %swap3A_459 = arith.constant 32 : index
        %swap3A_460 = tpu.vector_load %arg7[%swap3A_458, %swap3A_459] {strides = array<i32>} : memref<512x128xf32, #tpu.memory_space<vmem>>, vector<1x16xf32>,
        %swap3A_461 = vector.shape_cast %swap3A_460 : vector<1x16xf32> to vector<16xf32>
        %swap3A_462 = vector.shape_cast %mul3A_457 : vector<16xf32> to vector<1x16xf32>
        tpu.vector_store %arg7[%swap3A_458, %swap3A_459], %swap3A_462 {strides = array<i32>} : memref<512x128xf32, #tpu.memory_space<vmem>>, vector<1x16xf32>,
        %get3A_463 = arith.index_cast %add3A_432 : i32 to index
        %get3A_464 = arith.constant 48 : index
        %get3A_465 = tpu.vector_load %arg7[%get3A_463, %get3A_464] {strides = array<i32>} : memref<512x128xf32, #tpu.memory_space<vmem>>, vector<1x16xf32>,
        %get3A_466 = vector.shape_cast %get3A_465 : vector<1x16xf32> to vector<16xf32>
        %mul3A_467 = arith.mulf %get3A_466, %broadcast_in_dim3A_427 : vector<16xf32>
        %swap3A_468 = arith.index_cast %add3A_432 : i32 to index
        %swap3A_469 = arith.constant 48 : index
        %swap3A_470 = tpu.vector_load %arg7[%swap3A_468, %swap3A_469] {strides = array<i32>} : memref<512x128xf32, #tpu.memory_space<vmem>>, vector<1x16xf32>,
        %swap3A_471 = vector.shape_cast %swap3A_470 : vector<1x16xf32> to vector<16xf32>
        %swap3A_472 = vector.shape_cast %mul3A_467 : vector<16xf32> to vector<1x16xf32>
        tpu.vector_store %arg7[%swap3A_468, %swap3A_469], %swap3A_472 {strides = array<i32>} : memref<512x128xf32, #tpu.memory_space<vmem>>, vector<1x16xf32>,
        %get3A_473 = arith.index_cast %add3A_432 : i32 to index
        %get3A_474 = arith.constant 64 : index
        %get3A_475 = tpu.vector_load %arg7[%get3A_473, %get3A_474] {strides = array<i32>} : memref<512x128xf32, #tpu.memory_space<vmem>>, vector<1x16xf32>,
        %get3A_476 = vector.shape_cast %get3A_475 : vector<1x16xf32> to vector<16xf32>
        %mul3A_477 = arith.mulf %get3A_476, %broadcast_in_dim3A_427 : vector<16xf32>
        %swap3A_478 = arith.index_cast %add3A_432 : i32 to index
        %swap3A_479 = arith.constant 64 : index
        %swap3A_480 = tpu.vector_load %arg7[%swap3A_478, %swap3A_479] {strides = array<i32>} : memref<512x128xf32, #tpu.memory_space<vmem>>, vector<1x16xf32>,
        %swap3A_481 = vector.shape_cast %swap3A_480 : vector<1x16xf32> to vector<16xf32>
        %swap3A_482 = vector.shape_cast %mul3A_477 : vector<16xf32> to vector<1x16xf32>
        tpu.vector_store %arg7[%swap3A_478, %swap3A_479], %swap3A_482 {strides = array<i32>} : memref<512x128xf32, #tpu.memory_space<vmem>>, vector<1x16xf32>,
        %get3A_483 = arith.index_cast %add3A_432 : i32 to index
        %get3A_484 = arith.constant 80 : index
        %get3A_485 = tpu.vector_load %arg7[%get3A_483, %get3A_484] {strides = array<i32>} : memref<512x128xf32, #tpu.memory_space<vmem>>, vector<1x16xf32>,
        %get3A_486 = vector.shape_cast %get3A_485 : vector<1x16xf32> to vector<16xf32>
        %mul3A_487 = arith.mulf %get3A_486, %broadcast_in_dim3A_427 : vector<16xf32>
        %swap3A_488 = arith.index_cast %add3A_432 : i32 to index
        %swap3A_489 = arith.constant 80 : index
        %swap3A_490 = tpu.vector_load %arg7[%swap3A_488, %swap3A_489] {strides = array<i32>} : memref<512x128xf32, #tpu.memory_space<vmem>>, vector<1x16xf32>,
        %swap3A_491 = vector.shape_cast %swap3A_490 : vector<1x16xf32> to vector<16xf32>
        %swap3A_492 = vector.shape_cast %mul3A_487 : vector<16xf32> to vector<1x16xf32>
        tpu.vector_store %arg7[%swap3A_488, %swap3A_489], %swap3A_492 {strides = array<i32>} : memref<512x128xf32, #tpu.memory_space<vmem>>, vector<1x16xf32>,
        %get3A_493 = arith.index_cast %add3A_432 : i32 to index
        %get3A_494 = arith.constant 96 : index
        %get3A_495 = tpu.vector_load %arg7[%get3A_493, %get3A_494] {strides = array<i32>} : memref<512x128xf32, #tpu.memory_space<vmem>>, vector<1x16xf32>,
        %get3A_496 = vector.shape_cast %get3A_495 : vector<1x16xf32> to vector<16xf32>
        %mul3A_497 = arith.mulf %get3A_496, %broadcast_in_dim3A_427 : vector<16xf32>
        %swap3A_498 = arith.index_cast %add3A_432 : i32 to index
        %swap3A_499 = arith.constant 96 : index
        %swap3A_500 = tpu.vector_load %arg7[%swap3A_498, %swap3A_499] {strides = array<i32>} : memref<512x128xf32, #tpu.memory_space<vmem>>, vector<1x16xf32>,
        %swap3A_501 = vector.shape_cast %swap3A_500 : vector<1x16xf32> to vector<16xf32>
        %swap3A_502 = vector.shape_cast %mul3A_497 : vector<16xf32> to vector<1x16xf32>
        tpu.vector_store %arg7[%swap3A_498, %swap3A_499], %swap3A_502 {strides = array<i32>} : memref<512x128xf32, #tpu.memory_space<vmem>>, vector<1x16xf32>,
        %get3A_503 = arith.index_cast %add3A_432 : i32 to index
        %get3A_504 = arith.constant 112 : index
        %get3A_505 = tpu.vector_load %arg7[%get3A_503, %get3A_504] {strides = array<i32>} : memref<512x128xf32, #tpu.memory_space<vmem>>, vector<1x16xf32>,
        %get3A_506 = vector.shape_cast %get3A_505 : vector<1x16xf32> to vector<16xf32>
        %mul3A_507 = arith.mulf %get3A_506, %broadcast_in_dim3A_427 : vector<16xf32>
        %swap3A_508 = arith.index_cast %add3A_432 : i32 to index
        %swap3A_509 = arith.constant 112 : index
        %swap3A_510 = tpu.vector_load %arg7[%swap3A_508, %swap3A_509] {strides = array<i32>} : memref<512x128xf32, #tpu.memory_space<vmem>>, vector<1x16xf32>,
        %swap3A_511 = vector.shape_cast %swap3A_510 : vector<1x16xf32> to vector<16xf32>
        %swap3A_512 = vector.shape_cast %mul3A_507 : vector<16xf32> to vector<1x16xf32>
        tpu.vector_store %arg7[%swap3A_508, %swap3A_509], %swap3A_512 {strides = array<i32>} : memref<512x128xf32, #tpu.memory_space<vmem>>, vector<1x16xf32>,
        %slice3A_513 = vector.extract_strided_slice %select_n3A_163 {offsets = [4], sizes = [1], strides = [1]} : vector<16xf32> to vector<1xf32>
        %squeeze3A_514 = vector.extract %slice3A_513[0] : f32 from vector<1xf32>
        %broadcast_in_dim3A_515 = vector.broadcast %squeeze3A_514 : f32 to vector<16xf32>
        %mul3A_516 = arith.constant 16 : i32
        %mul3A_517 = arith.muli %scan3A_113, %mul3A_516 : i32
        %add3A_518 = arith.addi %mul3A_49, %mul3A_517 : i32
        %add3A_519 = arith.constant 4 : i32
        %add3A_520 = arith.addi %add3A_518, %add3A_519 : i32
        %get3A_521 = arith.index_cast %add3A_520 : i32 to index
        %get3A_522 = arith.constant 0 : index
        %get3A_523 = tpu.vector_load %arg7[%get3A_521, %get3A_522] {strides = array<i32>} : memref<512x128xf32, #tpu.memory_space<vmem>>, vector<1x16xf32>,
        %get3A_524 = vector.shape_cast %get3A_523 : vector<1x16xf32> to vector<16xf32>
        %mul3A_525 = arith.mulf %get3A_524, %broadcast_in_dim3A_515 : vector<16xf32>
        %swap3A_526 = arith.index_cast %add3A_520 : i32 to index
        %swap3A_527 = arith.constant 0 : index
        %swap3A_528 = tpu.vector_load %arg7[%swap3A_526, %swap3A_527] {strides = array<i32>} : memref<512x128xf32, #tpu.memory_space<vmem>>, vector<1x16xf32>,
        %swap3A_529 = vector.shape_cast %swap3A_528 : vector<1x16xf32> to vector<16xf32>
        %swap3A_530 = vector.shape_cast %mul3A_525 : vector<16xf32> to vector<1x16xf32>
        tpu.vector_store %arg7[%swap3A_526, %swap3A_527], %swap3A_530 {strides = array<i32>} : memref<512x128xf32, #tpu.memory_space<vmem>>, vector<1x16xf32>,
        %get3A_531 = arith.index_cast %add3A_520 : i32 to index
        %get3A_532 = arith.constant 16 : index
        %get3A_533 = tpu.vector_load %arg7[%get3A_531, %get3A_532] {strides = array<i32>} : memref<512x128xf32, #tpu.memory_space<vmem>>, vector<1x16xf32>,
        %get3A_534 = vector.shape_cast %get3A_533 : vector<1x16xf32> to vector<16xf32>
        %mul3A_535 = arith.mulf %get3A_534, %broadcast_in_dim3A_515 : vector<16xf32>
        %swap3A_536 = arith.index_cast %add3A_520 : i32 to index
        %swap3A_537 = arith.constant 16 : index
        %swap3A_538 = tpu.vector_load %arg7[%swap3A_536, %swap3A_537] {strides = array<i32>} : memref<512x128xf32, #tpu.memory_space<vmem>>, vector<1x16xf32>,
        %swap3A_539 = vector.shape_cast %swap3A_538 : vector<1x16xf32> to vector<16xf32>
        %swap3A_540 = vector.shape_cast %mul3A_535 : vector<16xf32> to vector<1x16xf32>
        tpu.vector_store %arg7[%swap3A_536, %swap3A_537], %swap3A_540 {strides = array<i32>} : memref<512x128xf32, #tpu.memory_space<vmem>>, vector<1x16xf32>,
        %get3A_541 = arith.index_cast %add3A_520 : i32 to index
        %get3A_542 = arith.constant 32 : index
        %get3A_543 = tpu.vector_load %arg7[%get3A_541, %get3A_542] {strides = array<i32>} : memref<512x128xf32, #tpu.memory_space<vmem>>, vector<1x16xf32>,
        %get3A_544 = vector.shape_cast %get3A_543 : vector<1x16xf32> to vector<16xf32>
        %mul3A_545 = arith.mulf %get3A_544, %broadcast_in_dim3A_515 : vector<16xf32>
        %swap3A_546 = arith.index_cast %add3A_520 : i32 to index
        %swap3A_547 = arith.constant 32 : index
        %swap3A_548 = tpu.vector_load %arg7[%swap3A_546, %swap3A_547] {strides = array<i32>} : memref<512x128xf32, #tpu.memory_space<vmem>>, vector<1x16xf32>,
        %swap3A_549 = vector.shape_cast %swap3A_548 : vector<1x16xf32> to vector<16xf32>
        %swap3A_550 = vector.shape_cast %mul3A_545 : vector<16xf32> to vector<1x16xf32>
        tpu.vector_store %arg7[%swap3A_546, %swap3A_547], %swap3A_550 {strides = array<i32>} : memref<512x128xf32, #tpu.memory_space<vmem>>, vector<1x16xf32>,
        %get3A_551 = arith.index_cast %add3A_520 : i32 to index
        %get3A_552 = arith.constant 48 : index
        %get3A_553 = tpu.vector_load %arg7[%get3A_551, %get3A_552] {strides = array<i32>} : memref<512x128xf32, #tpu.memory_space<vmem>>, vector<1x16xf32>,
        %get3A_554 = vector.shape_cast %get3A_553 : vector<1x16xf32> to vector<16xf32>
        %mul3A_555 = arith.mulf %get3A_554, %broadcast_in_dim3A_515 : vector<16xf32>
        %swap3A_556 = arith.index_cast %add3A_520 : i32 to index
        %swap3A_557 = arith.constant 48 : index
        %swap3A_558 = tpu.vector_load %arg7[%swap3A_556, %swap3A_557] {strides = array<i32>} : memref<512x128xf32, #tpu.memory_space<vmem>>, vector<1x16xf32>,
        %swap3A_559 = vector.shape_cast %swap3A_558 : vector<1x16xf32> to vector<16xf32>
        %swap3A_560 = vector.shape_cast %mul3A_555 : vector<16xf32> to vector<1x16xf32>
        tpu.vector_store %arg7[%swap3A_556, %swap3A_557], %swap3A_560 {strides = array<i32>} : memref<512x128xf32, #tpu.memory_space<vmem>>, vector<1x16xf32>,
        %get3A_561 = arith.index_cast %add3A_520 : i32 to index
        %get3A_562 = arith.constant 64 : index
        %get3A_563 = tpu.vector_load %arg7[%get3A_561, %get3A_562] {strides = array<i32>} : memref<512x128xf32, #tpu.memory_space<vmem>>, vector<1x16xf32>,
        %get3A_564 = vector.shape_cast %get3A_563 : vector<1x16xf32> to vector<16xf32>
        %mul3A_565 = arith.mulf %get3A_564, %broadcast_in_dim3A_515 : vector<16xf32>
        %swap3A_566 = arith.index_cast %add3A_520 : i32 to index
        %swap3A_567 = arith.constant 64 : index
        %swap3A_568 = tpu.vector_load %arg7[%swap3A_566, %swap3A_567] {strides = array<i32>} : memref<512x128xf32, #tpu.memory_space<vmem>>, vector<1x16xf32>,
        %swap3A_569 = vector.shape_cast %swap3A_568 : vector<1x16xf32> to vector<16xf32>
        %swap3A_570 = vector.shape_cast %mul3A_565 : vector<16xf32> to vector<1x16xf32>
        tpu.vector_store %arg7[%swap3A_566, %swap3A_567], %swap3A_570 {strides = array<i32>} : memref<512x128xf32, #tpu.memory_space<vmem>>, vector<1x16xf32>,
        %get3A_571 = arith.index_cast %add3A_520 : i32 to index
        %get3A_572 = arith.constant 80 : index
        %get3A_573 = tpu.vector_load %arg7[%get3A_571, %get3A_572] {strides = array<i32>} : memref<512x128xf32, #tpu.memory_space<vmem>>, vector<1x16xf32>,
        %get3A_574 = vector.shape_cast %get3A_573 : vector<1x16xf32> to vector<16xf32>
        %mul3A_575 = arith.mulf %get3A_574, %broadcast_in_dim3A_515 : vector<16xf32>
        %swap3A_576 = arith.index_cast %add3A_520 : i32 to index
        %swap3A_577 = arith.constant 80 : index
        %swap3A_578 = tpu.vector_load %arg7[%swap3A_576, %swap3A_577] {strides = array<i32>} : memref<512x128xf32, #tpu.memory_space<vmem>>, vector<1x16xf32>,
        %swap3A_579 = vector.shape_cast %swap3A_578 : vector<1x16xf32> to vector<16xf32>
        %swap3A_580 = vector.shape_cast %mul3A_575 : vector<16xf32> to vector<1x16xf32>
        tpu.vector_store %arg7[%swap3A_576, %swap3A_577], %swap3A_580 {strides = array<i32>} : memref<512x128xf32, #tpu.memory_space<vmem>>, vector<1x16xf32>,
        %get3A_581 = arith.index_cast %add3A_520 : i32 to index
        %get3A_582 = arith.constant 96 : index
        %get3A_583 = tpu.vector_load %arg7[%get3A_581, %get3A_582] {strides = array<i32>} : memref<512x128xf32, #tpu.memory_space<vmem>>, vector<1x16xf32>,
        %get3A_584 = vector.shape_cast %get3A_583 : vector<1x16xf32> to vector<16xf32>
        %mul3A_585 = arith.mulf %get3A_584, %broadcast_in_dim3A_515 : vector<16xf32>
        %swap3A_586 = arith.index_cast %add3A_520 : i32 to index
        %swap3A_587 = arith.constant 96 : index
        %swap3A_588 = tpu.vector_load %arg7[%swap3A_586, %swap3A_587] {strides = array<i32>} : memref<512x128xf32, #tpu.memory_space<vmem>>, vector<1x16xf32>,
        %swap3A_589 = vector.shape_cast %swap3A_588 : vector<1x16xf32> to vector<16xf32>
        %swap3A_590 = vector.shape_cast %mul3A_585 : vector<16xf32> to vector<1x16xf32>
        tpu.vector_store %arg7[%swap3A_586, %swap3A_587], %swap3A_590 {strides = array<i32>} : memref<512x128xf32, #tpu.memory_space<vmem>>, vector<1x16xf32>,
        %get3A_591 = arith.index_cast %add3A_520 : i32 to index
        %get3A_592 = arith.constant 112 : index
        %get3A_593 = tpu.vector_load %arg7[%get3A_591, %get3A_592] {strides = array<i32>} : memref<512x128xf32, #tpu.memory_space<vmem>>, vector<1x16xf32>,
        %get3A_594 = vector.shape_cast %get3A_593 : vector<1x16xf32> to vector<16xf32>
        %mul3A_595 = arith.mulf %get3A_594, %broadcast_in_dim3A_515 : vector<16xf32>
        %swap3A_596 = arith.index_cast %add3A_520 : i32 to index
        %swap3A_597 = arith.constant 112 : index
        %swap3A_598 = tpu.vector_load %arg7[%swap3A_596, %swap3A_597] {strides = array<i32>} : memref<512x128xf32, #tpu.memory_space<vmem>>, vector<1x16xf32>,
        %swap3A_599 = vector.shape_cast %swap3A_598 : vector<1x16xf32> to vector<16xf32>
        %swap3A_600 = vector.shape_cast %mul3A_595 : vector<16xf32> to vector<1x16xf32>
        tpu.vector_store %arg7[%swap3A_596, %swap3A_597], %swap3A_600 {strides = array<i32>} : memref<512x128xf32, #tpu.memory_space<vmem>>, vector<1x16xf32>,
        %slice3A_601 = vector.extract_strided_slice %select_n3A_163 {offsets = [5], sizes = [1], strides = [1]} : vector<16xf32> to vector<1xf32>
        %squeeze3A_602 = vector.extract %slice3A_601[0] : f32 from vector<1xf32>
        %broadcast_in_dim3A_603 = vector.broadcast %squeeze3A_602 : f32 to vector<16xf32>
        %mul3A_604 = arith.constant 16 : i32
        %mul3A_605 = arith.muli %scan3A_113, %mul3A_604 : i32
        %add3A_606 = arith.addi %mul3A_49, %mul3A_605 : i32
        %add3A_607 = arith.constant 5 : i32
        %add3A_608 = arith.addi %add3A_606, %add3A_607 : i32
        %get3A_609 = arith.index_cast %add3A_608 : i32 to index
        %get3A_610 = arith.constant 0 : index
        %get3A_611 = tpu.vector_load %arg7[%get3A_609, %get3A_610] {strides = array<i32>} : memref<512x128xf32, #tpu.memory_space<vmem>>, vector<1x16xf32>,
        %get3A_612 = vector.shape_cast %get3A_611 : vector<1x16xf32> to vector<16xf32>
        %mul3A_613 = arith.mulf %get3A_612, %broadcast_in_dim3A_603 : vector<16xf32>
        %swap3A_614 = arith.index_cast %add3A_608 : i32 to index
        %swap3A_615 = arith.constant 0 : index
        %swap3A_616 = tpu.vector_load %arg7[%swap3A_614, %swap3A_615] {strides = array<i32>} : memref<512x128xf32, #tpu.memory_space<vmem>>, vector<1x16xf32>,
        %swap3A_617 = vector.shape_cast %swap3A_616 : vector<1x16xf32> to vector<16xf32>
        %swap3A_618 = vector.shape_cast %mul3A_613 : vector<16xf32> to vector<1x16xf32>
        tpu.vector_store %arg7[%swap3A_614, %swap3A_615], %swap3A_618 {strides = array<i32>} : memref<512x128xf32, #tpu.memory_space<vmem>>, vector<1x16xf32>,
        %get3A_619 = arith.index_cast %add3A_608 : i32 to index
        %get3A_620 = arith.constant 16 : index
        %get3A_621 = tpu.vector_load %arg7[%get3A_619, %get3A_620] {strides = array<i32>} : memref<512x128xf32, #tpu.memory_space<vmem>>, vector<1x16xf32>,
        %get3A_622 = vector.shape_cast %get3A_621 : vector<1x16xf32> to vector<16xf32>
        %mul3A_623 = arith.mulf %get3A_622, %broadcast_in_dim3A_603 : vector<16xf32>
        %swap3A_624 = arith.index_cast %add3A_608 : i32 to index
        %swap3A_625 = arith.constant 16 : index
        %swap3A_626 = tpu.vector_load %arg7[%swap3A_624, %swap3A_625] {strides = array<i32>} : memref<512x128xf32, #tpu.memory_space<vmem>>, vector<1x16xf32>,
        %swap3A_627 = vector.shape_cast %swap3A_626 : vector<1x16xf32> to vector<16xf32>
        %swap3A_628 = vector.shape_cast %mul3A_623 : vector<16xf32> to vector<1x16xf32>
        tpu.vector_store %arg7[%swap3A_624, %swap3A_625], %swap3A_628 {strides = array<i32>} : memref<512x128xf32, #tpu.memory_space<vmem>>, vector<1x16xf32>,
        %get3A_629 = arith.index_cast %add3A_608 : i32 to index
        %get3A_630 = arith.constant 32 : index
        %get3A_631 = tpu.vector_load %arg7[%get3A_629, %get3A_630] {strides = array<i32>} : memref<512x128xf32, #tpu.memory_space<vmem>>, vector<1x16xf32>,
        %get3A_632 = vector.shape_cast %get3A_631 : vector<1x16xf32> to vector<16xf32>
        %mul3A_633 = arith.mulf %get3A_632, %broadcast_in_dim3A_603 : vector<16xf32>
        %swap3A_634 = arith.index_cast %add3A_608 : i32 to index
        %swap3A_635 = arith.constant 32 : index
        %swap3A_636 = tpu.vector_load %arg7[%swap3A_634, %swap3A_635] {strides = array<i32>} : memref<512x128xf32, #tpu.memory_space<vmem>>, vector<1x16xf32>,
        %swap3A_637 = vector.shape_cast %swap3A_636 : vector<1x16xf32> to vector<16xf32>
        %swap3A_638 = vector.shape_cast %mul3A_633 : vector<16xf32> to vector<1x16xf32>
        tpu.vector_store %arg7[%swap3A_634, %swap3A_635], %swap3A_638 {strides = array<i32>} : memref<512x128xf32, #tpu.memory_space<vmem>>, vector<1x16xf32>,
        %get3A_639 = arith.index_cast %add3A_608 : i32 to index
        %get3A_640 = arith.constant 48 : index
        %get3A_641 = tpu.vector_load %arg7[%get3A_639, %get3A_640] {strides = array<i32>} : memref<512x128xf32, #tpu.memory_space<vmem>>, vector<1x16xf32>,
        %get3A_642 = vector.shape_cast %get3A_641 : vector<1x16xf32> to vector<16xf32>
        %mul3A_643 = arith.mulf %get3A_642, %broadcast_in_dim3A_603 : vector<16xf32>
        %swap3A_644 = arith.index_cast %add3A_608 : i32 to index
        %swap3A_645 = arith.constant 48 : index
        %swap3A_646 = tpu.vector_load %arg7[%swap3A_644, %swap3A_645] {strides = array<i32>} : memref<512x128xf32, #tpu.memory_space<vmem>>, vector<1x16xf32>,
        %swap3A_647 = vector.shape_cast %swap3A_646 : vector<1x16xf32> to vector<16xf32>
        %swap3A_648 = vector.shape_cast %mul3A_643 : vector<16xf32> to vector<1x16xf32>
        tpu.vector_store %arg7[%swap3A_644, %swap3A_645], %swap3A_648 {strides = array<i32>} : memref<512x128xf32, #tpu.memory_space<vmem>>, vector<1x16xf32>,
        %get3A_649 = arith.index_cast %add3A_608 : i32 to index
        %get3A_650 = arith.constant 64 : index
        %get3A_651 = tpu.vector_load %arg7[%get3A_649, %get3A_650] {strides = array<i32>} : memref<512x128xf32, #tpu.memory_space<vmem>>, vector<1x16xf32>,
        %get3A_652 = vector.shape_cast %get3A_651 : vector<1x16xf32> to vector<16xf32>
        %mul3A_653 = arith.mulf %get3A_652, %broadcast_in_dim3A_603 : vector<16xf32>
        %swap3A_654 = arith.index_cast %add3A_608 : i32 to index
        %swap3A_655 = arith.constant 64 : index
        %swap3A_656 = tpu.vector_load %arg7[%swap3A_654, %swap3A_655] {strides = array<i32>} : memref<512x128xf32, #tpu.memory_space<vmem>>, vector<1x16xf32>,
        %swap3A_657 = vector.shape_cast %swap3A_656 : vector<1x16xf32> to vector<16xf32>
        %swap3A_658 = vector.shape_cast %mul3A_653 : vector<16xf32> to vector<1x16xf32>
        tpu.vector_store %arg7[%swap3A_654, %swap3A_655], %swap3A_658 {strides = array<i32>} : memref<512x128xf32, #tpu.memory_space<vmem>>, vector<1x16xf32>,
        %get3A_659 = arith.index_cast %add3A_608 : i32 to index
        %get3A_660 = arith.constant 80 : index
        %get3A_661 = tpu.vector_load %arg7[%get3A_659, %get3A_660] {strides = array<i32>} : memref<512x128xf32, #tpu.memory_space<vmem>>, vector<1x16xf32>,
        %get3A_662 = vector.shape_cast %get3A_661 : vector<1x16xf32> to vector<16xf32>
        %mul3A_663 = arith.mulf %get3A_662, %broadcast_in_dim3A_603 : vector<16xf32>
        %swap3A_664 = arith.index_cast %add3A_608 : i32 to index
        %swap3A_665 = arith.constant 80 : index
        %swap3A_666 = tpu.vector_load %arg7[%swap3A_664, %swap3A_665] {strides = array<i32>} : memref<512x128xf32, #tpu.memory_space<vmem>>, vector<1x16xf32>,
        %swap3A_667 = vector.shape_cast %swap3A_666 : vector<1x16xf32> to vector<16xf32>
        %swap3A_668 = vector.shape_cast %mul3A_663 : vector<16xf32> to vector<1x16xf32>
        tpu.vector_store %arg7[%swap3A_664, %swap3A_665], %swap3A_668 {strides = array<i32>} : memref<512x128xf32, #tpu.memory_space<vmem>>, vector<1x16xf32>,
        %get3A_669 = arith.index_cast %add3A_608 : i32 to index
        %get3A_670 = arith.constant 96 : index
        %get3A_671 = tpu.vector_load %arg7[%get3A_669, %get3A_670] {strides = array<i32>} : memref<512x128xf32, #tpu.memory_space<vmem>>, vector<1x16xf32>,
        %get3A_672 = vector.shape_cast %get3A_671 : vector<1x16xf32> to vector<16xf32>
        %mul3A_673 = arith.mulf %get3A_672, %broadcast_in_dim3A_603 : vector<16xf32>
        %swap3A_674 = arith.index_cast %add3A_608 : i32 to index
        %swap3A_675 = arith.constant 96 : index
        %swap3A_676 = tpu.vector_load %arg7[%swap3A_674, %swap3A_675] {strides = array<i32>} : memref<512x128xf32, #tpu.memory_space<vmem>>, vector<1x16xf32>,
        %swap3A_677 = vector.shape_cast %swap3A_676 : vector<1x16xf32> to vector<16xf32>
        %swap3A_678 = vector.shape_cast %mul3A_673 : vector<16xf32> to vector<1x16xf32>
        tpu.vector_store %arg7[%swap3A_674, %swap3A_675], %swap3A_678 {strides = array<i32>} : memref<512x128xf32, #tpu.memory_space<vmem>>, vector<1x16xf32>,
        %get3A_679 = arith.index_cast %add3A_608 : i32 to index
        %get3A_680 = arith.constant 112 : index
        %get3A_681 = tpu.vector_load %arg7[%get3A_679, %get3A_680] {strides = array<i32>} : memref<512x128xf32, #tpu.memory_space<vmem>>, vector<1x16xf32>,
        %get3A_682 = vector.shape_cast %get3A_681 : vector<1x16xf32> to vector<16xf32>
        %mul3A_683 = arith.mulf %get3A_682, %broadcast_in_dim3A_603 : vector<16xf32>
        %swap3A_684 = arith.index_cast %add3A_608 : i32 to index
        %swap3A_685 = arith.constant 112 : index
        %swap3A_686 = tpu.vector_load %arg7[%swap3A_684, %swap3A_685] {strides = array<i32>} : memref<512x128xf32, #tpu.memory_space<vmem>>, vector<1x16xf32>,
        %swap3A_687 = vector.shape_cast %swap3A_686 : vector<1x16xf32> to vector<16xf32>
        %swap3A_688 = vector.shape_cast %mul3A_683 : vector<16xf32> to vector<1x16xf32>
        tpu.vector_store %arg7[%swap3A_684, %swap3A_685], %swap3A_688 {strides = array<i32>} : memref<512x128xf32, #tpu.memory_space<vmem>>, vector<1x16xf32>,
        %slice3A_689 = vector.extract_strided_slice %select_n3A_163 {offsets = [6], sizes = [1], strides = [1]} : vector<16xf32> to vector<1xf32>
        %squeeze3A_690 = vector.extract %slice3A_689[0] : f32 from vector<1xf32>
        %broadcast_in_dim3A_691 = vector.broadcast %squeeze3A_690 : f32 to vector<16xf32>
        %mul3A_692 = arith.constant 16 : i32
        %mul3A_693 = arith.muli %scan3A_113, %mul3A_692 : i32
        %add3A_694 = arith.addi %mul3A_49, %mul3A_693 : i32
        %add3A_695 = arith.constant 6 : i32
        %add3A_696 = arith.addi %add3A_694, %add3A_695 : i32
        %get3A_697 = arith.index_cast %add3A_696 : i32 to index
        %get3A_698 = arith.constant 0 : index
        %get3A_699 = tpu.vector_load %arg7[%get3A_697, %get3A_698] {strides = array<i32>} : memref<512x128xf32, #tpu.memory_space<vmem>>, vector<1x16xf32>,
        %get3A_700 = vector.shape_cast %get3A_699 : vector<1x16xf32> to vector<16xf32>
        %mul3A_701 = arith.mulf %get3A_700, %broadcast_in_dim3A_691 : vector<16xf32>
        %swap3A_702 = arith.index_cast %add3A_696 : i32 to index
        %swap3A_703 = arith.constant 0 : index
        %swap3A_704 = tpu.vector_load %arg7[%swap3A_702, %swap3A_703] {strides = array<i32>} : memref<512x128xf32, #tpu.memory_space<vmem>>, vector<1x16xf32>,
        %swap3A_705 = vector.shape_cast %swap3A_704 : vector<1x16xf32> to vector<16xf32>
        %swap3A_706 = vector.shape_cast %mul3A_701 : vector<16xf32> to vector<1x16xf32>
        tpu.vector_store %arg7[%swap3A_702, %swap3A_703], %swap3A_706 {strides = array<i32>} : memref<512x128xf32, #tpu.memory_space<vmem>>, vector<1x16xf32>,
        %get3A_707 = arith.index_cast %add3A_696 : i32 to index
        %get3A_708 = arith.constant 16 : index
        %get3A_709 = tpu.vector_load %arg7[%get3A_707, %get3A_708] {strides = array<i32>} : memref<512x128xf32, #tpu.memory_space<vmem>>, vector<1x16xf32>,
        %get3A_710 = vector.shape_cast %get3A_709 : vector<1x16xf32> to vector<16xf32>
        %mul3A_711 = arith.mulf %get3A_710, %broadcast_in_dim3A_691 : vector<16xf32>
        %swap3A_712 = arith.index_cast %add3A_696 : i32 to index
        %swap3A_713 = arith.constant 16 : index
        %swap3A_714 = tpu.vector_load %arg7[%swap3A_712, %swap3A_713] {strides = array<i32>} : memref<512x128xf32, #tpu.memory_space<vmem>>, vector<1x16xf32>,
        %swap3A_715 = vector.shape_cast %swap3A_714 : vector<1x16xf32> to vector<16xf32>
        %swap3A_716 = vector.shape_cast %mul3A_711 : vector<16xf32> to vector<1x16xf32>
        tpu.vector_store %arg7[%swap3A_712, %swap3A_713], %swap3A_716 {strides = array<i32>} : memref<512x128xf32, #tpu.memory_space<vmem>>, vector<1x16xf32>,
        %get3A_717 = arith.index_cast %add3A_696 : i32 to index
        %get3A_718 = arith.constant 32 : index
        %get3A_719 = tpu.vector_load %arg7[%get3A_717, %get3A_718] {strides = array<i32>} : memref<512x128xf32, #tpu.memory_space<vmem>>, vector<1x16xf32>,
        %get3A_720 = vector.shape_cast %get3A_719 : vector<1x16xf32> to vector<16xf32>
        %mul3A_721 = arith.mulf %get3A_720, %broadcast_in_dim3A_691 : vector<16xf32>
        %swap3A_722 = arith.index_cast %add3A_696 : i32 to index
        %swap3A_723 = arith.constant 32 : index
        %swap3A_724 = tpu.vector_load %arg7[%swap3A_722, %swap3A_723] {strides = array<i32>} : memref<512x128xf32, #tpu.memory_space<vmem>>, vector<1x16xf32>,
        %swap3A_725 = vector.shape_cast %swap3A_724 : vector<1x16xf32> to vector<16xf32>
        %swap3A_726 = vector.shape_cast %mul3A_721 : vector<16xf32> to vector<1x16xf32>
        tpu.vector_store %arg7[%swap3A_722, %swap3A_723], %swap3A_726 {strides = array<i32>} : memref<512x128xf32, #tpu.memory_space<vmem>>, vector<1x16xf32>,
        %get3A_727 = arith.index_cast %add3A_696 : i32 to index
        %get3A_728 = arith.constant 48 : index
        %get3A_729 = tpu.vector_load %arg7[%get3A_727, %get3A_728] {strides = array<i32>} : memref<512x128xf32, #tpu.memory_space<vmem>>, vector<1x16xf32>,
        %get3A_730 = vector.shape_cast %get3A_729 : vector<1x16xf32> to vector<16xf32>
        %mul3A_731 = arith.mulf %get3A_730, %broadcast_in_dim3A_691 : vector<16xf32>
        %swap3A_732 = arith.index_cast %add3A_696 : i32 to index
        %swap3A_733 = arith.constant 48 : index
        %swap3A_734 = tpu.vector_load %arg7[%swap3A_732, %swap3A_733] {strides = array<i32>} : memref<512x128xf32, #tpu.memory_space<vmem>>, vector<1x16xf32>,
        %swap3A_735 = vector.shape_cast %swap3A_734 : vector<1x16xf32> to vector<16xf32>
        %swap3A_736 = vector.shape_cast %mul3A_731 : vector<16xf32> to vector<1x16xf32>
        tpu.vector_store %arg7[%swap3A_732, %swap3A_733], %swap3A_736 {strides = array<i32>} : memref<512x128xf32, #tpu.memory_space<vmem>>, vector<1x16xf32>,
        %get3A_737 = arith.index_cast %add3A_696 : i32 to index
        %get3A_738 = arith.constant 64 : index
        %get3A_739 = tpu.vector_load %arg7[%get3A_737, %get3A_738] {strides = array<i32>} : memref<512x128xf32, #tpu.memory_space<vmem>>, vector<1x16xf32>,
        %get3A_740 = vector.shape_cast %get3A_739 : vector<1x16xf32> to vector<16xf32>
        %mul3A_741 = arith.mulf %get3A_740, %broadcast_in_dim3A_691 : vector<16xf32>
        %swap3A_742 = arith.index_cast %add3A_696 : i32 to index
        %swap3A_743 = arith.constant 64 : index
        %swap3A_744 = tpu.vector_load %arg7[%swap3A_742, %swap3A_743] {strides = array<i32>} : memref<512x128xf32, #tpu.memory_space<vmem>>, vector<1x16xf32>,
        %swap3A_745 = vector.shape_cast %swap3A_744 : vector<1x16xf32> to vector<16xf32>
        %swap3A_746 = vector.shape_cast %mul3A_741 : vector<16xf32> to vector<1x16xf32>
        tpu.vector_store %arg7[%swap3A_742, %swap3A_743], %swap3A_746 {strides = array<i32>} : memref<512x128xf32, #tpu.memory_space<vmem>>, vector<1x16xf32>,
        %get3A_747 = arith.index_cast %add3A_696 : i32 to index
        %get3A_748 = arith.constant 80 : index
        %get3A_749 = tpu.vector_load %arg7[%get3A_747, %get3A_748] {strides = array<i32>} : memref<512x128xf32, #tpu.memory_space<vmem>>, vector<1x16xf32>,
        %get3A_750 = vector.shape_cast %get3A_749 : vector<1x16xf32> to vector<16xf32>
        %mul3A_751 = arith.mulf %get3A_750, %broadcast_in_dim3A_691 : vector<16xf32>
        %swap3A_752 = arith.index_cast %add3A_696 : i32 to index
        %swap3A_753 = arith.constant 80 : index
        %swap3A_754 = tpu.vector_load %arg7[%swap3A_752, %swap3A_753] {strides = array<i32>} : memref<512x128xf32, #tpu.memory_space<vmem>>, vector<1x16xf32>,
        %swap3A_755 = vector.shape_cast %swap3A_754 : vector<1x16xf32> to vector<16xf32>
        %swap3A_756 = vector.shape_cast %mul3A_751 : vector<16xf32> to vector<1x16xf32>
        tpu.vector_store %arg7[%swap3A_752, %swap3A_753], %swap3A_756 {strides = array<i32>} : memref<512x128xf32, #tpu.memory_space<vmem>>, vector<1x16xf32>,
        %get3A_757 = arith.index_cast %add3A_696 : i32 to index
        %get3A_758 = arith.constant 96 : index
        %get3A_759 = tpu.vector_load %arg7[%get3A_757, %get3A_758] {strides = array<i32>} : memref<512x128xf32, #tpu.memory_space<vmem>>, vector<1x16xf32>,
        %get3A_760 = vector.shape_cast %get3A_759 : vector<1x16xf32> to vector<16xf32>
        %mul3A_761 = arith.mulf %get3A_760, %broadcast_in_dim3A_691 : vector<16xf32>
        %swap3A_762 = arith.index_cast %add3A_696 : i32 to index
        %swap3A_763 = arith.constant 96 : index
        %swap3A_764 = tpu.vector_load %arg7[%swap3A_762, %swap3A_763] {strides = array<i32>} : memref<512x128xf32, #tpu.memory_space<vmem>>, vector<1x16xf32>,
        %swap3A_765 = vector.shape_cast %swap3A_764 : vector<1x16xf32> to vector<16xf32>
        %swap3A_766 = vector.shape_cast %mul3A_761 : vector<16xf32> to vector<1x16xf32>
        tpu.vector_store %arg7[%swap3A_762, %swap3A_763], %swap3A_766 {strides = array<i32>} : memref<512x128xf32, #tpu.memory_space<vmem>>, vector<1x16xf32>,
        %get3A_767 = arith.index_cast %add3A_696 : i32 to index
        %get3A_768 = arith.constant 112 : index
        %get3A_769 = tpu.vector_load %arg7[%get3A_767, %get3A_768] {strides = array<i32>} : memref<512x128xf32, #tpu.memory_space<vmem>>, vector<1x16xf32>,
        %get3A_770 = vector.shape_cast %get3A_769 : vector<1x16xf32> to vector<16xf32>
        %mul3A_771 = arith.mulf %get3A_770, %broadcast_in_dim3A_691 : vector<16xf32>
        %swap3A_772 = arith.index_cast %add3A_696 : i32 to index
        %swap3A_773 = arith.constant 112 : index
        %swap3A_774 = tpu.vector_load %arg7[%swap3A_772, %swap3A_773] {strides = array<i32>} : memref<512x128xf32, #tpu.memory_space<vmem>>, vector<1x16xf32>,
        %swap3A_775 = vector.shape_cast %swap3A_774 : vector<1x16xf32> to vector<16xf32>
        %swap3A_776 = vector.shape_cast %mul3A_771 : vector<16xf32> to vector<1x16xf32>
        tpu.vector_store %arg7[%swap3A_772, %swap3A_773], %swap3A_776 {strides = array<i32>} : memref<512x128xf32, #tpu.memory_space<vmem>>, vector<1x16xf32>,
        %slice3A_777 = vector.extract_strided_slice %select_n3A_163 {offsets = [7], sizes = [1], strides = [1]} : vector<16xf32> to vector<1xf32>
        %squeeze3A_778 = vector.extract %slice3A_777[0] : f32 from vector<1xf32>
        %broadcast_in_dim3A_779 = vector.broadcast %squeeze3A_778 : f32 to vector<16xf32>
        %mul3A_780 = arith.constant 16 : i32
        %mul3A_781 = arith.muli %scan3A_113, %mul3A_780 : i32
        %add3A_782 = arith.addi %mul3A_49, %mul3A_781 : i32
        %add3A_783 = arith.constant 7 : i32
        %add3A_784 = arith.addi %add3A_782, %add3A_783 : i32
        %get3A_785 = arith.index_cast %add3A_784 : i32 to index
        %get3A_786 = arith.constant 0 : index
        %get3A_787 = tpu.vector_load %arg7[%get3A_785, %get3A_786] {strides = array<i32>} : memref<512x128xf32, #tpu.memory_space<vmem>>, vector<1x16xf32>,
        %get3A_788 = vector.shape_cast %get3A_787 : vector<1x16xf32> to vector<16xf32>
        %mul3A_789 = arith.mulf %get3A_788, %broadcast_in_dim3A_779 : vector<16xf32>
        %swap3A_790 = arith.index_cast %add3A_784 : i32 to index
        %swap3A_791 = arith.constant 0 : index
        %swap3A_792 = tpu.vector_load %arg7[%swap3A_790, %swap3A_791] {strides = array<i32>} : memref<512x128xf32, #tpu.memory_space<vmem>>, vector<1x16xf32>,
        %swap3A_793 = vector.shape_cast %swap3A_792 : vector<1x16xf32> to vector<16xf32>
        %swap3A_794 = vector.shape_cast %mul3A_789 : vector<16xf32> to vector<1x16xf32>
        tpu.vector_store %arg7[%swap3A_790, %swap3A_791], %swap3A_794 {strides = array<i32>} : memref<512x128xf32, #tpu.memory_space<vmem>>, vector<1x16xf32>,
        %get3A_795 = arith.index_cast %add3A_784 : i32 to index
        %get3A_796 = arith.constant 16 : index
        %get3A_797 = tpu.vector_load %arg7[%get3A_795, %get3A_796] {strides = array<i32>} : memref<512x128xf32, #tpu.memory_space<vmem>>, vector<1x16xf32>,
        %get3A_798 = vector.shape_cast %get3A_797 : vector<1x16xf32> to vector<16xf32>
        %mul3A_799 = arith.mulf %get3A_798, %broadcast_in_dim3A_779 : vector<16xf32>
        %swap3A_800 = arith.index_cast %add3A_784 : i32 to index
        %swap3A_801 = arith.constant 16 : index
        %swap3A_802 = tpu.vector_load %arg7[%swap3A_800, %swap3A_801] {strides = array<i32>} : memref<512x128xf32, #tpu.memory_space<vmem>>, vector<1x16xf32>,
        %swap3A_803 = vector.shape_cast %swap3A_802 : vector<1x16xf32> to vector<16xf32>
        %swap3A_804 = vector.shape_cast %mul3A_799 : vector<16xf32> to vector<1x16xf32>
        tpu.vector_store %arg7[%swap3A_800, %swap3A_801], %swap3A_804 {strides = array<i32>} : memref<512x128xf32, #tpu.memory_space<vmem>>, vector<1x16xf32>,
        %get3A_805 = arith.index_cast %add3A_784 : i32 to index
        %get3A_806 = arith.constant 32 : index
        %get3A_807 = tpu.vector_load %arg7[%get3A_805, %get3A_806] {strides = array<i32>} : memref<512x128xf32, #tpu.memory_space<vmem>>, vector<1x16xf32>,
        %get3A_808 = vector.shape_cast %get3A_807 : vector<1x16xf32> to vector<16xf32>
        %mul3A_809 = arith.mulf %get3A_808, %broadcast_in_dim3A_779 : vector<16xf32>
        %swap3A_810 = arith.index_cast %add3A_784 : i32 to index
        %swap3A_811 = arith.constant 32 : index
        %swap3A_812 = tpu.vector_load %arg7[%swap3A_810, %swap3A_811] {strides = array<i32>} : memref<512x128xf32, #tpu.memory_space<vmem>>, vector<1x16xf32>,
        %swap3A_813 = vector.shape_cast %swap3A_812 : vector<1x16xf32> to vector<16xf32>
        %swap3A_814 = vector.shape_cast %mul3A_809 : vector<16xf32> to vector<1x16xf32>
        tpu.vector_store %arg7[%swap3A_810, %swap3A_811], %swap3A_814 {strides = array<i32>} : memref<512x128xf32, #tpu.memory_space<vmem>>, vector<1x16xf32>,
        %get3A_815 = arith.index_cast %add3A_784 : i32 to index
        %get3A_816 = arith.constant 48 : index
        %get3A_817 = tpu.vector_load %arg7[%get3A_815, %get3A_816] {strides = array<i32>} : memref<512x128xf32, #tpu.memory_space<vmem>>, vector<1x16xf32>,
        %get3A_818 = vector.shape_cast %get3A_817 : vector<1x16xf32> to vector<16xf32>
        %mul3A_819 = arith.mulf %get3A_818, %broadcast_in_dim3A_779 : vector<16xf32>
        %swap3A_820 = arith.index_cast %add3A_784 : i32 to index
        %swap3A_821 = arith.constant 48 : index
        %swap3A_822 = tpu.vector_load %arg7[%swap3A_820, %swap3A_821] {strides = array<i32>} : memref<512x128xf32, #tpu.memory_space<vmem>>, vector<1x16xf32>,
        %swap3A_823 = vector.shape_cast %swap3A_822 : vector<1x16xf32> to vector<16xf32>
        %swap3A_824 = vector.shape_cast %mul3A_819 : vector<16xf32> to vector<1x16xf32>
        tpu.vector_store %arg7[%swap3A_820, %swap3A_821], %swap3A_824 {strides = array<i32>} : memref<512x128xf32, #tpu.memory_space<vmem>>, vector<1x16xf32>,
        %get3A_825 = arith.index_cast %add3A_784 : i32 to index
        %get3A_826 = arith.constant 64 : index
        %get3A_827 = tpu.vector_load %arg7[%get3A_825, %get3A_826] {strides = array<i32>} : memref<512x128xf32, #tpu.memory_space<vmem>>, vector<1x16xf32>,
        %get3A_828 = vector.shape_cast %get3A_827 : vector<1x16xf32> to vector<16xf32>
        %mul3A_829 = arith.mulf %get3A_828, %broadcast_in_dim3A_779 : vector<16xf32>
        %swap3A_830 = arith.index_cast %add3A_784 : i32 to index
        %swap3A_831 = arith.constant 64 : index
        %swap3A_832 = tpu.vector_load %arg7[%swap3A_830, %swap3A_831] {strides = array<i32>} : memref<512x128xf32, #tpu.memory_space<vmem>>, vector<1x16xf32>,
        %swap3A_833 = vector.shape_cast %swap3A_832 : vector<1x16xf32> to vector<16xf32>
        %swap3A_834 = vector.shape_cast %mul3A_829 : vector<16xf32> to vector<1x16xf32>
        tpu.vector_store %arg7[%swap3A_830, %swap3A_831], %swap3A_834 {strides = array<i32>} : memref<512x128xf32, #tpu.memory_space<vmem>>, vector<1x16xf32>,
        %get3A_835 = arith.index_cast %add3A_784 : i32 to index
        %get3A_836 = arith.constant 80 : index
        %get3A_837 = tpu.vector_load %arg7[%get3A_835, %get3A_836] {strides = array<i32>} : memref<512x128xf32, #tpu.memory_space<vmem>>, vector<1x16xf32>,
        %get3A_838 = vector.shape_cast %get3A_837 : vector<1x16xf32> to vector<16xf32>
        %mul3A_839 = arith.mulf %get3A_838, %broadcast_in_dim3A_779 : vector<16xf32>
        %swap3A_840 = arith.index_cast %add3A_784 : i32 to index
        %swap3A_841 = arith.constant 80 : index
        %swap3A_842 = tpu.vector_load %arg7[%swap3A_840, %swap3A_841] {strides = array<i32>} : memref<512x128xf32, #tpu.memory_space<vmem>>, vector<1x16xf32>,
        %swap3A_843 = vector.shape_cast %swap3A_842 : vector<1x16xf32> to vector<16xf32>
        %swap3A_844 = vector.shape_cast %mul3A_839 : vector<16xf32> to vector<1x16xf32>
        tpu.vector_store %arg7[%swap3A_840, %swap3A_841], %swap3A_844 {strides = array<i32>} : memref<512x128xf32, #tpu.memory_space<vmem>>, vector<1x16xf32>,
        %get3A_845 = arith.index_cast %add3A_784 : i32 to index
        %get3A_846 = arith.constant 96 : index
        %get3A_847 = tpu.vector_load %arg7[%get3A_845, %get3A_846] {strides = array<i32>} : memref<512x128xf32, #tpu.memory_space<vmem>>, vector<1x16xf32>,
        %get3A_848 = vector.shape_cast %get3A_847 : vector<1x16xf32> to vector<16xf32>
        %mul3A_849 = arith.mulf %get3A_848, %broadcast_in_dim3A_779 : vector<16xf32>
        %swap3A_850 = arith.index_cast %add3A_784 : i32 to index
        %swap3A_851 = arith.constant 96 : index
        %swap3A_852 = tpu.vector_load %arg7[%swap3A_850, %swap3A_851] {strides = array<i32>} : memref<512x128xf32, #tpu.memory_space<vmem>>, vector<1x16xf32>,
        %swap3A_853 = vector.shape_cast %swap3A_852 : vector<1x16xf32> to vector<16xf32>
        %swap3A_854 = vector.shape_cast %mul3A_849 : vector<16xf32> to vector<1x16xf32>
        tpu.vector_store %arg7[%swap3A_850, %swap3A_851], %swap3A_854 {strides = array<i32>} : memref<512x128xf32, #tpu.memory_space<vmem>>, vector<1x16xf32>,
        %get3A_855 = arith.index_cast %add3A_784 : i32 to index
        %get3A_856 = arith.constant 112 : index
        %get3A_857 = tpu.vector_load %arg7[%get3A_855, %get3A_856] {strides = array<i32>} : memref<512x128xf32, #tpu.memory_space<vmem>>, vector<1x16xf32>,
        %get3A_858 = vector.shape_cast %get3A_857 : vector<1x16xf32> to vector<16xf32>
        %mul3A_859 = arith.mulf %get3A_858, %broadcast_in_dim3A_779 : vector<16xf32>
        %swap3A_860 = arith.index_cast %add3A_784 : i32 to index
        %swap3A_861 = arith.constant 112 : index
        %swap3A_862 = tpu.vector_load %arg7[%swap3A_860, %swap3A_861] {strides = array<i32>} : memref<512x128xf32, #tpu.memory_space<vmem>>, vector<1x16xf32>,
        %swap3A_863 = vector.shape_cast %swap3A_862 : vector<1x16xf32> to vector<16xf32>
        %swap3A_864 = vector.shape_cast %mul3A_859 : vector<16xf32> to vector<1x16xf32>
        tpu.vector_store %arg7[%swap3A_860, %swap3A_861], %swap3A_864 {strides = array<i32>} : memref<512x128xf32, #tpu.memory_space<vmem>>, vector<1x16xf32>,
        %slice3A_865 = vector.extract_strided_slice %select_n3A_163 {offsets = [8], sizes = [1], strides = [1]} : vector<16xf32> to vector<1xf32>
        %squeeze3A_866 = vector.extract %slice3A_865[0] : f32 from vector<1xf32>
        %broadcast_in_dim3A_867 = vector.broadcast %squeeze3A_866 : f32 to vector<16xf32>
        %mul3A_868 = arith.constant 16 : i32
        %mul3A_869 = arith.muli %scan3A_113, %mul3A_868 : i32
        %add3A_870 = arith.addi %mul3A_49, %mul3A_869 : i32
        %add3A_871 = arith.constant 8 : i32
        %add3A_872 = arith.addi %add3A_870, %add3A_871 : i32
        %get3A_873 = arith.index_cast %add3A_872 : i32 to index
        %get3A_874 = arith.constant 0 : index
        %get3A_875 = tpu.vector_load %arg7[%get3A_873, %get3A_874] {strides = array<i32>} : memref<512x128xf32, #tpu.memory_space<vmem>>, vector<1x16xf32>,
        %get3A_876 = vector.shape_cast %get3A_875 : vector<1x16xf32> to vector<16xf32>
        %mul3A_877 = arith.mulf %get3A_876, %broadcast_in_dim3A_867 : vector<16xf32>
        %swap3A_878 = arith.index_cast %add3A_872 : i32 to index
        %swap3A_879 = arith.constant 0 : index
        %swap3A_880 = tpu.vector_load %arg7[%swap3A_878, %swap3A_879] {strides = array<i32>} : memref<512x128xf32, #tpu.memory_space<vmem>>, vector<1x16xf32>,
        %swap3A_881 = vector.shape_cast %swap3A_880 : vector<1x16xf32> to vector<16xf32>
        %swap3A_882 = vector.shape_cast %mul3A_877 : vector<16xf32> to vector<1x16xf32>
        tpu.vector_store %arg7[%swap3A_878, %swap3A_879], %swap3A_882 {strides = array<i32>} : memref<512x128xf32, #tpu.memory_space<vmem>>, vector<1x16xf32>,
        %get3A_883 = arith.index_cast %add3A_872 : i32 to index
        %get3A_884 = arith.constant 16 : index
        %get3A_885 = tpu.vector_load %arg7[%get3A_883, %get3A_884] {strides = array<i32>} : memref<512x128xf32, #tpu.memory_space<vmem>>, vector<1x16xf32>,
        %get3A_886 = vector.shape_cast %get3A_885 : vector<1x16xf32> to vector<16xf32>
        %mul3A_887 = arith.mulf %get3A_886, %broadcast_in_dim3A_867 : vector<16xf32>
        %swap3A_888 = arith.index_cast %add3A_872 : i32 to index
        %swap3A_889 = arith.constant 16 : index
        %swap3A_890 = tpu.vector_load %arg7[%swap3A_888, %swap3A_889] {strides = array<i32>} : memref<512x128xf32, #tpu.memory_space<vmem>>, vector<1x16xf32>,
        %swap3A_891 = vector.shape_cast %swap3A_890 : vector<1x16xf32> to vector<16xf32>
        %swap3A_892 = vector.shape_cast %mul3A_887 : vector<16xf32> to vector<1x16xf32>
        tpu.vector_store %arg7[%swap3A_888, %swap3A_889], %swap3A_892 {strides = array<i32>} : memref<512x128xf32, #tpu.memory_space<vmem>>, vector<1x16xf32>,
        %get3A_893 = arith.index_cast %add3A_872 : i32 to index
        %get3A_894 = arith.constant 32 : index
        %get3A_895 = tpu.vector_load %arg7[%get3A_893, %get3A_894] {strides = array<i32>} : memref<512x128xf32, #tpu.memory_space<vmem>>, vector<1x16xf32>,
        %get3A_896 = vector.shape_cast %get3A_895 : vector<1x16xf32> to vector<16xf32>
        %mul3A_897 = arith.mulf %get3A_896, %broadcast_in_dim3A_867 : vector<16xf32>
        %swap3A_898 = arith.index_cast %add3A_872 : i32 to index
        %swap3A_899 = arith.constant 32 : index
        %swap3A_900 = tpu.vector_load %arg7[%swap3A_898, %swap3A_899] {strides = array<i32>} : memref<512x128xf32, #tpu.memory_space<vmem>>, vector<1x16xf32>,
        %swap3A_901 = vector.shape_cast %swap3A_900 : vector<1x16xf32> to vector<16xf32>
        %swap3A_902 = vector.shape_cast %mul3A_897 : vector<16xf32> to vector<1x16xf32>
        tpu.vector_store %arg7[%swap3A_898, %swap3A_899], %swap3A_902 {strides = array<i32>} : memref<512x128xf32, #tpu.memory_space<vmem>>, vector<1x16xf32>,
        %get3A_903 = arith.index_cast %add3A_872 : i32 to index
        %get3A_904 = arith.constant 48 : index
        %get3A_905 = tpu.vector_load %arg7[%get3A_903, %get3A_904] {strides = array<i32>} : memref<512x128xf32, #tpu.memory_space<vmem>>, vector<1x16xf32>,
        %get3A_906 = vector.shape_cast %get3A_905 : vector<1x16xf32> to vector<16xf32>
        %mul3A_907 = arith.mulf %get3A_906, %broadcast_in_dim3A_867 : vector<16xf32>
        %swap3A_908 = arith.index_cast %add3A_872 : i32 to index
        %swap3A_909 = arith.constant 48 : index
        %swap3A_910 = tpu.vector_load %arg7[%swap3A_908, %swap3A_909] {strides = array<i32>} : memref<512x128xf32, #tpu.memory_space<vmem>>, vector<1x16xf32>,
        %swap3A_911 = vector.shape_cast %swap3A_910 : vector<1x16xf32> to vector<16xf32>
        %swap3A_912 = vector.shape_cast %mul3A_907 : vector<16xf32> to vector<1x16xf32>
        tpu.vector_store %arg7[%swap3A_908, %swap3A_909], %swap3A_912 {strides = array<i32>} : memref<512x128xf32, #tpu.memory_space<vmem>>, vector<1x16xf32>,
        %get3A_913 = arith.index_cast %add3A_872 : i32 to index
        %get3A_914 = arith.constant 64 : index
        %get3A_915 = tpu.vector_load %arg7[%get3A_913, %get3A_914] {strides = array<i32>} : memref<512x128xf32, #tpu.memory_space<vmem>>, vector<1x16xf32>,
        %get3A_916 = vector.shape_cast %get3A_915 : vector<1x16xf32> to vector<16xf32>
        %mul3A_917 = arith.mulf %get3A_916, %broadcast_in_dim3A_867 : vector<16xf32>
        %swap3A_918 = arith.index_cast %add3A_872 : i32 to index
        %swap3A_919 = arith.constant 64 : index
        %swap3A_920 = tpu.vector_load %arg7[%swap3A_918, %swap3A_919] {strides = array<i32>} : memref<512x128xf32, #tpu.memory_space<vmem>>, vector<1x16xf32>,
        %swap3A_921 = vector.shape_cast %swap3A_920 : vector<1x16xf32> to vector<16xf32>
        %swap3A_922 = vector.shape_cast %mul3A_917 : vector<16xf32> to vector<1x16xf32>
        tpu.vector_store %arg7[%swap3A_918, %swap3A_919], %swap3A_922 {strides = array<i32>} : memref<512x128xf32, #tpu.memory_space<vmem>>, vector<1x16xf32>,
        %get3A_923 = arith.index_cast %add3A_872 : i32 to index
        %get3A_924 = arith.constant 80 : index
        %get3A_925 = tpu.vector_load %arg7[%get3A_923, %get3A_924] {strides = array<i32>} : memref<512x128xf32, #tpu.memory_space<vmem>>, vector<1x16xf32>,
        %get3A_926 = vector.shape_cast %get3A_925 : vector<1x16xf32> to vector<16xf32>
        %mul3A_927 = arith.mulf %get3A_926, %broadcast_in_dim3A_867 : vector<16xf32>
        %swap3A_928 = arith.index_cast %add3A_872 : i32 to index
        %swap3A_929 = arith.constant 80 : index
        %swap3A_930 = tpu.vector_load %arg7[%swap3A_928, %swap3A_929] {strides = array<i32>} : memref<512x128xf32, #tpu.memory_space<vmem>>, vector<1x16xf32>,
        %swap3A_931 = vector.shape_cast %swap3A_930 : vector<1x16xf32> to vector<16xf32>
        %swap3A_932 = vector.shape_cast %mul3A_927 : vector<16xf32> to vector<1x16xf32>
        tpu.vector_store %arg7[%swap3A_928, %swap3A_929], %swap3A_932 {strides = array<i32>} : memref<512x128xf32, #tpu.memory_space<vmem>>, vector<1x16xf32>,
        %get3A_933 = arith.index_cast %add3A_872 : i32 to index
        %get3A_934 = arith.constant 96 : index
        %get3A_935 = tpu.vector_load %arg7[%get3A_933, %get3A_934] {strides = array<i32>} : memref<512x128xf32, #tpu.memory_space<vmem>>, vector<1x16xf32>,
        %get3A_936 = vector.shape_cast %get3A_935 : vector<1x16xf32> to vector<16xf32>
        %mul3A_937 = arith.mulf %get3A_936, %broadcast_in_dim3A_867 : vector<16xf32>
        %swap3A_938 = arith.index_cast %add3A_872 : i32 to index
        %swap3A_939 = arith.constant 96 : index
        %swap3A_940 = tpu.vector_load %arg7[%swap3A_938, %swap3A_939] {strides = array<i32>} : memref<512x128xf32, #tpu.memory_space<vmem>>, vector<1x16xf32>,
        %swap3A_941 = vector.shape_cast %swap3A_940 : vector<1x16xf32> to vector<16xf32>
        %swap3A_942 = vector.shape_cast %mul3A_937 : vector<16xf32> to vector<1x16xf32>
        tpu.vector_store %arg7[%swap3A_938, %swap3A_939], %swap3A_942 {strides = array<i32>} : memref<512x128xf32, #tpu.memory_space<vmem>>, vector<1x16xf32>,
        %get3A_943 = arith.index_cast %add3A_872 : i32 to index
        %get3A_944 = arith.constant 112 : index
        %get3A_945 = tpu.vector_load %arg7[%get3A_943, %get3A_944] {strides = array<i32>} : memref<512x128xf32, #tpu.memory_space<vmem>>, vector<1x16xf32>,
        %get3A_946 = vector.shape_cast %get3A_945 : vector<1x16xf32> to vector<16xf32>
        %mul3A_947 = arith.mulf %get3A_946, %broadcast_in_dim3A_867 : vector<16xf32>
        %swap3A_948 = arith.index_cast %add3A_872 : i32 to index
        %swap3A_949 = arith.constant 112 : index
        %swap3A_950 = tpu.vector_load %arg7[%swap3A_948, %swap3A_949] {strides = array<i32>} : memref<512x128xf32, #tpu.memory_space<vmem>>, vector<1x16xf32>,
        %swap3A_951 = vector.shape_cast %swap3A_950 : vector<1x16xf32> to vector<16xf32>
        %swap3A_952 = vector.shape_cast %mul3A_947 : vector<16xf32> to vector<1x16xf32>
        tpu.vector_store %arg7[%swap3A_948, %swap3A_949], %swap3A_952 {strides = array<i32>} : memref<512x128xf32, #tpu.memory_space<vmem>>, vector<1x16xf32>,
        %slice3A_953 = vector.extract_strided_slice %select_n3A_163 {offsets = [9], sizes = [1], strides = [1]} : vector<16xf32> to vector<1xf32>
        %squeeze3A_954 = vector.extract %slice3A_953[0] : f32 from vector<1xf32>
        %broadcast_in_dim3A_955 = vector.broadcast %squeeze3A_954 : f32 to vector<16xf32>
        %mul3A_956 = arith.constant 16 : i32
        %mul3A_957 = arith.muli %scan3A_113, %mul3A_956 : i32
        %add3A_958 = arith.addi %mul3A_49, %mul3A_957 : i32
        %add3A_959 = arith.constant 9 : i32
        %add3A_960 = arith.addi %add3A_958, %add3A_959 : i32
        %get3A_961 = arith.index_cast %add3A_960 : i32 to index
        %get3A_962 = arith.constant 0 : index
        %get3A_963 = tpu.vector_load %arg7[%get3A_961, %get3A_962] {strides = array<i32>} : memref<512x128xf32, #tpu.memory_space<vmem>>, vector<1x16xf32>,
        %get3A_964 = vector.shape_cast %get3A_963 : vector<1x16xf32> to vector<16xf32>
        %mul3A_965 = arith.mulf %get3A_964, %broadcast_in_dim3A_955 : vector<16xf32>
        %swap3A_966 = arith.index_cast %add3A_960 : i32 to index
        %swap3A_967 = arith.constant 0 : index
        %swap3A_968 = tpu.vector_load %arg7[%swap3A_966, %swap3A_967] {strides = array<i32>} : memref<512x128xf32, #tpu.memory_space<vmem>>, vector<1x16xf32>,
        %swap3A_969 = vector.shape_cast %swap3A_968 : vector<1x16xf32> to vector<16xf32>
        %swap3A_970 = vector.shape_cast %mul3A_965 : vector<16xf32> to vector<1x16xf32>
        tpu.vector_store %arg7[%swap3A_966, %swap3A_967], %swap3A_970 {strides = array<i32>} : memref<512x128xf32, #tpu.memory_space<vmem>>, vector<1x16xf32>,
        %get3A_971 = arith.index_cast %add3A_960 : i32 to index
        %get3A_972 = arith.constant 16 : index
        %get3A_973 = tpu.vector_load %arg7[%get3A_971, %get3A_972] {strides = array<i32>} : memref<512x128xf32, #tpu.memory_space<vmem>>, vector<1x16xf32>,
        %get3A_974 = vector.shape_cast %get3A_973 : vector<1x16xf32> to vector<16xf32>
        %mul3A_975 = arith.mulf %get3A_974, %broadcast_in_dim3A_955 : vector<16xf32>
        %swap3A_976 = arith.index_cast %add3A_960 : i32 to index
        %swap3A_977 = arith.constant 16 : index
        %swap3A_978 = tpu.vector_load %arg7[%swap3A_976, %swap3A_977] {strides = array<i32>} : memref<512x128xf32, #tpu.memory_space<vmem>>, vector<1x16xf32>,
        %swap3A_979 = vector.shape_cast %swap3A_978 : vector<1x16xf32> to vector<16xf32>
        %swap3A_980 = vector.shape_cast %mul3A_975 : vector<16xf32> to vector<1x16xf32>
        tpu.vector_store %arg7[%swap3A_976, %swap3A_977], %swap3A_980 {strides = array<i32>} : memref<512x128xf32, #tpu.memory_space<vmem>>, vector<1x16xf32>,
        %get3A_981 = arith.index_cast %add3A_960 : i32 to index
        %get3A_982 = arith.constant 32 : index
        %get3A_983 = tpu.vector_load %arg7[%get3A_981, %get3A_982] {strides = array<i32>} : memref<512x128xf32, #tpu.memory_space<vmem>>, vector<1x16xf32>,
        %get3A_984 = vector.shape_cast %get3A_983 : vector<1x16xf32> to vector<16xf32>
        %mul3A_985 = arith.mulf %get3A_984, %broadcast_in_dim3A_955 : vector<16xf32>
        %swap3A_986 = arith.index_cast %add3A_960 : i32 to index
        %swap3A_987 = arith.constant 32 : index
        %swap3A_988 = tpu.vector_load %arg7[%swap3A_986, %swap3A_987] {strides = array<i32>} : memref<512x128xf32, #tpu.memory_space<vmem>>, vector<1x16xf32>,
        %swap3A_989 = vector.shape_cast %swap3A_988 : vector<1x16xf32> to vector<16xf32>
        %swap3A_990 = vector.shape_cast %mul3A_985 : vector<16xf32> to vector<1x16xf32>
        tpu.vector_store %arg7[%swap3A_986, %swap3A_987], %swap3A_990 {strides = array<i32>} : memref<512x128xf32, #tpu.memory_space<vmem>>, vector<1x16xf32>,
        %get3A_991 = arith.index_cast %add3A_960 : i32 to index
        %get3A_992 = arith.constant 48 : index
        %get3A_993 = tpu.vector_load %arg7[%get3A_991, %get3A_992] {strides = array<i32>} : memref<512x128xf32, #tpu.memory_space<vmem>>, vector<1x16xf32>,
        %get3A_994 = vector.shape_cast %get3A_993 : vector<1x16xf32> to vector<16xf32>
        %mul3A_995 = arith.mulf %get3A_994, %broadcast_in_dim3A_955 : vector<16xf32>
        %swap3A_996 = arith.index_cast %add3A_960 : i32 to index
        %swap3A_997 = arith.constant 48 : index
        %swap3A_998 = tpu.vector_load %arg7[%swap3A_996, %swap3A_997] {strides = array<i32>} : memref<512x128xf32, #tpu.memory_space<vmem>>, vector<1x16xf32>,
        %swap3A_999 = vector.shape_cast %swap3A_998 : vector<1x16xf32> to vector<16xf32>
        %swap3A_1000 = vector.shape_cast %mul3A_995 : vector<16xf32> to vector<1x16xf32>
        tpu.vector_store %arg7[%swap3A_996, %swap3A_997], %swap3A_1000 {strides = array<i32>} : memref<512x128xf32, #tpu.memory_space<vmem>>, vector<1x16xf32>,
        %get3A_1001 = arith.index_cast %add3A_960 : i32 to index
        %get3A_1002 = arith.constant 64 : index
        %get3A_1003 = tpu.vector_load %arg7[%get3A_1001, %get3A_1002] {strides = array<i32>} : memref<512x128xf32, #tpu.memory_space<vmem>>, vector<1x16xf32>,
        %get3A_1004 = vector.shape_cast %get3A_1003 : vector<1x16xf32> to vector<16xf32>
        %mul3A_1005 = arith.mulf %get3A_1004, %broadcast_in_dim3A_955 : vector<16xf32>
        %swap3A_1006 = arith.index_cast %add3A_960 : i32 to index
        %swap3A_1007 = arith.constant 64 : index
        %swap3A_1008 = tpu.vector_load %arg7[%swap3A_1006, %swap3A_1007] {strides = array<i32>} : memref<512x128xf32, #tpu.memory_space<vmem>>, vector<1x16xf32>,
        %swap3A_1009 = vector.shape_cast %swap3A_1008 : vector<1x16xf32> to vector<16xf32>
        %swap3A_1010 = vector.shape_cast %mul3A_1005 : vector<16xf32> to vector<1x16xf32>
        tpu.vector_store %arg7[%swap3A_1006, %swap3A_1007], %swap3A_1010 {strides = array<i32>} : memref<512x128xf32, #tpu.memory_space<vmem>>, vector<1x16xf32>,
        %get3A_1011 = arith.index_cast %add3A_960 : i32 to index
        %get3A_1012 = arith.constant 80 : index
        %get3A_1013 = tpu.vector_load %arg7[%get3A_1011, %get3A_1012] {strides = array<i32>} : memref<512x128xf32, #tpu.memory_space<vmem>>, vector<1x16xf32>,
        %get3A_1014 = vector.shape_cast %get3A_1013 : vector<1x16xf32> to vector<16xf32>
        %mul3A_1015 = arith.mulf %get3A_1014, %broadcast_in_dim3A_955 : vector<16xf32>
        %swap3A_1016 = arith.index_cast %add3A_960 : i32 to index
        %swap3A_1017 = arith.constant 80 : index
        %swap3A_1018 = tpu.vector_load %arg7[%swap3A_1016, %swap3A_1017] {strides = array<i32>} : memref<512x128xf32, #tpu.memory_space<vmem>>, vector<1x16xf32>,
        %swap3A_1019 = vector.shape_cast %swap3A_1018 : vector<1x16xf32> to vector<16xf32>
        %swap3A_1020 = vector.shape_cast %mul3A_1015 : vector<16xf32> to vector<1x16xf32>
        tpu.vector_store %arg7[%swap3A_1016, %swap3A_1017], %swap3A_1020 {strides = array<i32>} : memref<512x128xf32, #tpu.memory_space<vmem>>, vector<1x16xf32>,
        %get3A_1021 = arith.index_cast %add3A_960 : i32 to index
        %get3A_1022 = arith.constant 96 : index
        %get3A_1023 = tpu.vector_load %arg7[%get3A_1021, %get3A_1022] {strides = array<i32>} : memref<512x128xf32, #tpu.memory_space<vmem>>, vector<1x16xf32>,
        %get3A_1024 = vector.shape_cast %get3A_1023 : vector<1x16xf32> to vector<16xf32>
        %mul3A_1025 = arith.mulf %get3A_1024, %broadcast_in_dim3A_955 : vector<16xf32>
        %swap3A_1026 = arith.index_cast %add3A_960 : i32 to index
        %swap3A_1027 = arith.constant 96 : index
        %swap3A_1028 = tpu.vector_load %arg7[%swap3A_1026, %swap3A_1027] {strides = array<i32>} : memref<512x128xf32, #tpu.memory_space<vmem>>, vector<1x16xf32>,
        %swap3A_1029 = vector.shape_cast %swap3A_1028 : vector<1x16xf32> to vector<16xf32>
        %swap3A_1030 = vector.shape_cast %mul3A_1025 : vector<16xf32> to vector<1x16xf32>
        tpu.vector_store %arg7[%swap3A_1026, %swap3A_1027], %swap3A_1030 {strides = array<i32>} : memref<512x128xf32, #tpu.memory_space<vmem>>, vector<1x16xf32>,
        %get3A_1031 = arith.index_cast %add3A_960 : i32 to index
        %get3A_1032 = arith.constant 112 : index
        %get3A_1033 = tpu.vector_load %arg7[%get3A_1031, %get3A_1032] {strides = array<i32>} : memref<512x128xf32, #tpu.memory_space<vmem>>, vector<1x16xf32>,
        %get3A_1034 = vector.shape_cast %get3A_1033 : vector<1x16xf32> to vector<16xf32>
        %mul3A_1035 = arith.mulf %get3A_1034, %broadcast_in_dim3A_955 : vector<16xf32>
        %swap3A_1036 = arith.index_cast %add3A_960 : i32 to index
        %swap3A_1037 = arith.constant 112 : index
        %swap3A_1038 = tpu.vector_load %arg7[%swap3A_1036, %swap3A_1037] {strides = array<i32>} : memref<512x128xf32, #tpu.memory_space<vmem>>, vector<1x16xf32>,
        %swap3A_1039 = vector.shape_cast %swap3A_1038 : vector<1x16xf32> to vector<16xf32>
        %swap3A_1040 = vector.shape_cast %mul3A_1035 : vector<16xf32> to vector<1x16xf32>
        tpu.vector_store %arg7[%swap3A_1036, %swap3A_1037], %swap3A_1040 {strides = array<i32>} : memref<512x128xf32, #tpu.memory_space<vmem>>, vector<1x16xf32>,
        %slice3A_1041 = vector.extract_strided_slice %select_n3A_163 {offsets = [10], sizes = [1], strides = [1]} : vector<16xf32> to vector<1xf32>
        %squeeze3A_1042 = vector.extract %slice3A_1041[0] : f32 from vector<1xf32>
        %broadcast_in_dim3A_1043 = vector.broadcast %squeeze3A_1042 : f32 to vector<16xf32>
        %mul3A_1044 = arith.constant 16 : i32
        %mul3A_1045 = arith.muli %scan3A_113, %mul3A_1044 : i32
        %add3A_1046 = arith.addi %mul3A_49, %mul3A_1045 : i32
        %add3A_1047 = arith.constant 10 : i32
        %add3A_1048 = arith.addi %add3A_1046, %add3A_1047 : i32
        %get3A_1049 = arith.index_cast %add3A_1048 : i32 to index
        %get3A_1050 = arith.constant 0 : index
        %get3A_1051 = tpu.vector_load %arg7[%get3A_1049, %get3A_1050] {strides = array<i32>} : memref<512x128xf32, #tpu.memory_space<vmem>>, vector<1x16xf32>,
        %get3A_1052 = vector.shape_cast %get3A_1051 : vector<1x16xf32> to vector<16xf32>
        %mul3A_1053 = arith.mulf %get3A_1052, %broadcast_in_dim3A_1043 : vector<16xf32>
        %swap3A_1054 = arith.index_cast %add3A_1048 : i32 to index
        %swap3A_1055 = arith.constant 0 : index
        %swap3A_1056 = tpu.vector_load %arg7[%swap3A_1054, %swap3A_1055] {strides = array<i32>} : memref<512x128xf32, #tpu.memory_space<vmem>>, vector<1x16xf32>,
        %swap3A_1057 = vector.shape_cast %swap3A_1056 : vector<1x16xf32> to vector<16xf32>
        %swap3A_1058 = vector.shape_cast %mul3A_1053 : vector<16xf32> to vector<1x16xf32>
        tpu.vector_store %arg7[%swap3A_1054, %swap3A_1055], %swap3A_1058 {strides = array<i32>} : memref<512x128xf32, #tpu.memory_space<vmem>>, vector<1x16xf32>,
        %get3A_1059 = arith.index_cast %add3A_1048 : i32 to index
        %get3A_1060 = arith.constant 16 : index
        %get3A_1061 = tpu.vector_load %arg7[%get3A_1059, %get3A_1060] {strides = array<i32>} : memref<512x128xf32, #tpu.memory_space<vmem>>, vector<1x16xf32>,
        %get3A_1062 = vector.shape_cast %get3A_1061 : vector<1x16xf32> to vector<16xf32>
        %mul3A_1063 = arith.mulf %get3A_1062, %broadcast_in_dim3A_1043 : vector<16xf32>
        %swap3A_1064 = arith.index_cast %add3A_1048 : i32 to index
        %swap3A_1065 = arith.constant 16 : index
        %swap3A_1066 = tpu.vector_load %arg7[%swap3A_1064, %swap3A_1065] {strides = array<i32>} : memref<512x128xf32, #tpu.memory_space<vmem>>, vector<1x16xf32>,
        %swap3A_1067 = vector.shape_cast %swap3A_1066 : vector<1x16xf32> to vector<16xf32>
        %swap3A_1068 = vector.shape_cast %mul3A_1063 : vector<16xf32> to vector<1x16xf32>
        tpu.vector_store %arg7[%swap3A_1064, %swap3A_1065], %swap3A_1068 {strides = array<i32>} : memref<512x128xf32, #tpu.memory_space<vmem>>, vector<1x16xf32>,
        %get3A_1069 = arith.index_cast %add3A_1048 : i32 to index
        %get3A_1070 = arith.constant 32 : index
        %get3A_1071 = tpu.vector_load %arg7[%get3A_1069, %get3A_1070] {strides = array<i32>} : memref<512x128xf32, #tpu.memory_space<vmem>>, vector<1x16xf32>,
        %get3A_1072 = vector.shape_cast %get3A_1071 : vector<1x16xf32> to vector<16xf32>
        %mul3A_1073 = arith.mulf %get3A_1072, %broadcast_in_dim3A_1043 : vector<16xf32>
        %swap3A_1074 = arith.index_cast %add3A_1048 : i32 to index
        %swap3A_1075 = arith.constant 32 : index
        %swap3A_1076 = tpu.vector_load %arg7[%swap3A_1074, %swap3A_1075] {strides = array<i32>} : memref<512x128xf32, #tpu.memory_space<vmem>>, vector<1x16xf32>,
        %swap3A_1077 = vector.shape_cast %swap3A_1076 : vector<1x16xf32> to vector<16xf32>
        %swap3A_1078 = vector.shape_cast %mul3A_1073 : vector<16xf32> to vector<1x16xf32>
        tpu.vector_store %arg7[%swap3A_1074, %swap3A_1075], %swap3A_1078 {strides = array<i32>} : memref<512x128xf32, #tpu.memory_space<vmem>>, vector<1x16xf32>,
        %get3A_1079 = arith.index_cast %add3A_1048 : i32 to index
        %get3A_1080 = arith.constant 48 : index
        %get3A_1081 = tpu.vector_load %arg7[%get3A_1079, %get3A_1080] {strides = array<i32>} : memref<512x128xf32, #tpu.memory_space<vmem>>, vector<1x16xf32>,
        %get3A_1082 = vector.shape_cast %get3A_1081 : vector<1x16xf32> to vector<16xf32>
        %mul3A_1083 = arith.mulf %get3A_1082, %broadcast_in_dim3A_1043 : vector<16xf32>
        %swap3A_1084 = arith.index_cast %add3A_1048 : i32 to index
        %swap3A_1085 = arith.constant 48 : index
        %swap3A_1086 = tpu.vector_load %arg7[%swap3A_1084, %swap3A_1085] {strides = array<i32>} : memref<512x128xf32, #tpu.memory_space<vmem>>, vector<1x16xf32>,
        %swap3A_1087 = vector.shape_cast %swap3A_1086 : vector<1x16xf32> to vector<16xf32>
        %swap3A_1088 = vector.shape_cast %mul3A_1083 : vector<16xf32> to vector<1x16xf32>
        tpu.vector_store %arg7[%swap3A_1084, %swap3A_1085], %swap3A_1088 {strides = array<i32>} : memref<512x128xf32, #tpu.memory_space<vmem>>, vector<1x16xf32>,
        %get3A_1089 = arith.index_cast %add3A_1048 : i32 to index
        %get3A_1090 = arith.constant 64 : index
        %get3A_1091 = tpu.vector_load %arg7[%get3A_1089, %get3A_1090] {strides = array<i32>} : memref<512x128xf32, #tpu.memory_space<vmem>>, vector<1x16xf32>,
        %get3A_1092 = vector.shape_cast %get3A_1091 : vector<1x16xf32> to vector<16xf32>
        %mul3A_1093 = arith.mulf %get3A_1092, %broadcast_in_dim3A_1043 : vector<16xf32>
        %swap3A_1094 = arith.index_cast %add3A_1048 : i32 to index
        %swap3A_1095 = arith.constant 64 : index
        %swap3A_1096 = tpu.vector_load %arg7[%swap3A_1094, %swap3A_1095] {strides = array<i32>} : memref<512x128xf32, #tpu.memory_space<vmem>>, vector<1x16xf32>,
        %swap3A_1097 = vector.shape_cast %swap3A_1096 : vector<1x16xf32> to vector<16xf32>
        %swap3A_1098 = vector.shape_cast %mul3A_1093 : vector<16xf32> to vector<1x16xf32>
        tpu.vector_store %arg7[%swap3A_1094, %swap3A_1095], %swap3A_1098 {strides = array<i32>} : memref<512x128xf32, #tpu.memory_space<vmem>>, vector<1x16xf32>,
        %get3A_1099 = arith.index_cast %add3A_1048 : i32 to index
        %get3A_1100 = arith.constant 80 : index
        %get3A_1101 = tpu.vector_load %arg7[%get3A_1099, %get3A_1100] {strides = array<i32>} : memref<512x128xf32, #tpu.memory_space<vmem>>, vector<1x16xf32>,
        %get3A_1102 = vector.shape_cast %get3A_1101 : vector<1x16xf32> to vector<16xf32>
        %mul3A_1103 = arith.mulf %get3A_1102, %broadcast_in_dim3A_1043 : vector<16xf32>
        %swap3A_1104 = arith.index_cast %add3A_1048 : i32 to index
        %swap3A_1105 = arith.constant 80 : index
        %swap3A_1106 = tpu.vector_load %arg7[%swap3A_1104, %swap3A_1105] {strides = array<i32>} : memref<512x128xf32, #tpu.memory_space<vmem>>, vector<1x16xf32>,
        %swap3A_1107 = vector.shape_cast %swap3A_1106 : vector<1x16xf32> to vector<16xf32>
        %swap3A_1108 = vector.shape_cast %mul3A_1103 : vector<16xf32> to vector<1x16xf32>
        tpu.vector_store %arg7[%swap3A_1104, %swap3A_1105], %swap3A_1108 {strides = array<i32>} : memref<512x128xf32, #tpu.memory_space<vmem>>, vector<1x16xf32>,
        %get3A_1109 = arith.index_cast %add3A_1048 : i32 to index
        %get3A_1110 = arith.constant 96 : index
        %get3A_1111 = tpu.vector_load %arg7[%get3A_1109, %get3A_1110] {strides = array<i32>} : memref<512x128xf32, #tpu.memory_space<vmem>>, vector<1x16xf32>,
        %get3A_1112 = vector.shape_cast %get3A_1111 : vector<1x16xf32> to vector<16xf32>
        %mul3A_1113 = arith.mulf %get3A_1112, %broadcast_in_dim3A_1043 : vector<16xf32>
        %swap3A_1114 = arith.index_cast %add3A_1048 : i32 to index
        %swap3A_1115 = arith.constant 96 : index
        %swap3A_1116 = tpu.vector_load %arg7[%swap3A_1114, %swap3A_1115] {strides = array<i32>} : memref<512x128xf32, #tpu.memory_space<vmem>>, vector<1x16xf32>,
        %swap3A_1117 = vector.shape_cast %swap3A_1116 : vector<1x16xf32> to vector<16xf32>
        %swap3A_1118 = vector.shape_cast %mul3A_1113 : vector<16xf32> to vector<1x16xf32>
        tpu.vector_store %arg7[%swap3A_1114, %swap3A_1115], %swap3A_1118 {strides = array<i32>} : memref<512x128xf32, #tpu.memory_space<vmem>>, vector<1x16xf32>,
        %get3A_1119 = arith.index_cast %add3A_1048 : i32 to index
        %get3A_1120 = arith.constant 112 : index
        %get3A_1121 = tpu.vector_load %arg7[%get3A_1119, %get3A_1120] {strides = array<i32>} : memref<512x128xf32, #tpu.memory_space<vmem>>, vector<1x16xf32>,
        %get3A_1122 = vector.shape_cast %get3A_1121 : vector<1x16xf32> to vector<16xf32>
        %mul3A_1123 = arith.mulf %get3A_1122, %broadcast_in_dim3A_1043 : vector<16xf32>
        %swap3A_1124 = arith.index_cast %add3A_1048 : i32 to index
        %swap3A_1125 = arith.constant 112 : index
        %swap3A_1126 = tpu.vector_load %arg7[%swap3A_1124, %swap3A_1125] {strides = array<i32>} : memref<512x128xf32, #tpu.memory_space<vmem>>, vector<1x16xf32>,
        %swap3A_1127 = vector.shape_cast %swap3A_1126 : vector<1x16xf32> to vector<16xf32>
        %swap3A_1128 = vector.shape_cast %mul3A_1123 : vector<16xf32> to vector<1x16xf32>
        tpu.vector_store %arg7[%swap3A_1124, %swap3A_1125], %swap3A_1128 {strides = array<i32>} : memref<512x128xf32, #tpu.memory_space<vmem>>, vector<1x16xf32>,
        %slice3A_1129 = vector.extract_strided_slice %select_n3A_163 {offsets = [11], sizes = [1], strides = [1]} : vector<16xf32> to vector<1xf32>
        %squeeze3A_1130 = vector.extract %slice3A_1129[0] : f32 from vector<1xf32>
        %broadcast_in_dim3A_1131 = vector.broadcast %squeeze3A_1130 : f32 to vector<16xf32>
        %mul3A_1132 = arith.constant 16 : i32
        %mul3A_1133 = arith.muli %scan3A_113, %mul3A_1132 : i32
        %add3A_1134 = arith.addi %mul3A_49, %mul3A_1133 : i32
        %add3A_1135 = arith.constant 11 : i32
        %add3A_1136 = arith.addi %add3A_1134, %add3A_1135 : i32
        %get3A_1137 = arith.index_cast %add3A_1136 : i32 to index
        %get3A_1138 = arith.constant 0 : index
        %get3A_1139 = tpu.vector_load %arg7[%get3A_1137, %get3A_1138] {strides = array<i32>} : memref<512x128xf32, #tpu.memory_space<vmem>>, vector<1x16xf32>,
        %get3A_1140 = vector.shape_cast %get3A_1139 : vector<1x16xf32> to vector<16xf32>
        %mul3A_1141 = arith.mulf %get3A_1140, %broadcast_in_dim3A_1131 : vector<16xf32>
        %swap3A_1142 = arith.index_cast %add3A_1136 : i32 to index
        %swap3A_1143 = arith.constant 0 : index
        %swap3A_1144 = tpu.vector_load %arg7[%swap3A_1142, %swap3A_1143] {strides = array<i32>} : memref<512x128xf32, #tpu.memory_space<vmem>>, vector<1x16xf32>,
        %swap3A_1145 = vector.shape_cast %swap3A_1144 : vector<1x16xf32> to vector<16xf32>
        %swap3A_1146 = vector.shape_cast %mul3A_1141 : vector<16xf32> to vector<1x16xf32>
        tpu.vector_store %arg7[%swap3A_1142, %swap3A_1143], %swap3A_1146 {strides = array<i32>} : memref<512x128xf32, #tpu.memory_space<vmem>>, vector<1x16xf32>,
        %get3A_1147 = arith.index_cast %add3A_1136 : i32 to index
        %get3A_1148 = arith.constant 16 : index
        %get3A_1149 = tpu.vector_load %arg7[%get3A_1147, %get3A_1148] {strides = array<i32>} : memref<512x128xf32, #tpu.memory_space<vmem>>, vector<1x16xf32>,
        %get3A_1150 = vector.shape_cast %get3A_1149 : vector<1x16xf32> to vector<16xf32>
        %mul3A_1151 = arith.mulf %get3A_1150, %broadcast_in_dim3A_1131 : vector<16xf32>
        %swap3A_1152 = arith.index_cast %add3A_1136 : i32 to index
        %swap3A_1153 = arith.constant 16 : index
        %swap3A_1154 = tpu.vector_load %arg7[%swap3A_1152, %swap3A_1153] {strides = array<i32>} : memref<512x128xf32, #tpu.memory_space<vmem>>, vector<1x16xf32>,
        %swap3A_1155 = vector.shape_cast %swap3A_1154 : vector<1x16xf32> to vector<16xf32>
        %swap3A_1156 = vector.shape_cast %mul3A_1151 : vector<16xf32> to vector<1x16xf32>
        tpu.vector_store %arg7[%swap3A_1152, %swap3A_1153], %swap3A_1156 {strides = array<i32>} : memref<512x128xf32, #tpu.memory_space<vmem>>, vector<1x16xf32>,
        %get3A_1157 = arith.index_cast %add3A_1136 : i32 to index
        %get3A_1158 = arith.constant 32 : index
        %get3A_1159 = tpu.vector_load %arg7[%get3A_1157, %get3A_1158] {strides = array<i32>} : memref<512x128xf32, #tpu.memory_space<vmem>>, vector<1x16xf32>,
        %get3A_1160 = vector.shape_cast %get3A_1159 : vector<1x16xf32> to vector<16xf32>
        %mul3A_1161 = arith.mulf %get3A_1160, %broadcast_in_dim3A_1131 : vector<16xf32>
        %swap3A_1162 = arith.index_cast %add3A_1136 : i32 to index
        %swap3A_1163 = arith.constant 32 : index
        %swap3A_1164 = tpu.vector_load %arg7[%swap3A_1162, %swap3A_1163] {strides = array<i32>} : memref<512x128xf32, #tpu.memory_space<vmem>>, vector<1x16xf32>,
        %swap3A_1165 = vector.shape_cast %swap3A_1164 : vector<1x16xf32> to vector<16xf32>
        %swap3A_1166 = vector.shape_cast %mul3A_1161 : vector<16xf32> to vector<1x16xf32>
        tpu.vector_store %arg7[%swap3A_1162, %swap3A_1163], %swap3A_1166 {strides = array<i32>} : memref<512x128xf32, #tpu.memory_space<vmem>>, vector<1x16xf32>,
        %get3A_1167 = arith.index_cast %add3A_1136 : i32 to index
        %get3A_1168 = arith.constant 48 : index
        %get3A_1169 = tpu.vector_load %arg7[%get3A_1167, %get3A_1168] {strides = array<i32>} : memref<512x128xf32, #tpu.memory_space<vmem>>, vector<1x16xf32>,
        %get3A_1170 = vector.shape_cast %get3A_1169 : vector<1x16xf32> to vector<16xf32>
        %mul3A_1171 = arith.mulf %get3A_1170, %broadcast_in_dim3A_1131 : vector<16xf32>
        %swap3A_1172 = arith.index_cast %add3A_1136 : i32 to index
        %swap3A_1173 = arith.constant 48 : index
        %swap3A_1174 = tpu.vector_load %arg7[%swap3A_1172, %swap3A_1173] {strides = array<i32>} : memref<512x128xf32, #tpu.memory_space<vmem>>, vector<1x16xf32>,
        %swap3A_1175 = vector.shape_cast %swap3A_1174 : vector<1x16xf32> to vector<16xf32>
        %swap3A_1176 = vector.shape_cast %mul3A_1171 : vector<16xf32> to vector<1x16xf32>
        tpu.vector_store %arg7[%swap3A_1172, %swap3A_1173], %swap3A_1176 {strides = array<i32>} : memref<512x128xf32, #tpu.memory_space<vmem>>, vector<1x16xf32>,
        %get3A_1177 = arith.index_cast %add3A_1136 : i32 to index
        %get3A_1178 = arith.constant 64 : index
        %get3A_1179 = tpu.vector_load %arg7[%get3A_1177, %get3A_1178] {strides = array<i32>} : memref<512x128xf32, #tpu.memory_space<vmem>>, vector<1x16xf32>,
        %get3A_1180 = vector.shape_cast %get3A_1179 : vector<1x16xf32> to vector<16xf32>
        %mul3A_1181 = arith.mulf %get3A_1180, %broadcast_in_dim3A_1131 : vector<16xf32>
        %swap3A_1182 = arith.index_cast %add3A_1136 : i32 to index
        %swap3A_1183 = arith.constant 64 : index
        %swap3A_1184 = tpu.vector_load %arg7[%swap3A_1182, %swap3A_1183] {strides = array<i32>} : memref<512x128xf32, #tpu.memory_space<vmem>>, vector<1x16xf32>,
        %swap3A_1185 = vector.shape_cast %swap3A_1184 : vector<1x16xf32> to vector<16xf32>
        %swap3A_1186 = vector.shape_cast %mul3A_1181 : vector<16xf32> to vector<1x16xf32>
        tpu.vector_store %arg7[%swap3A_1182, %swap3A_1183], %swap3A_1186 {strides = array<i32>} : memref<512x128xf32, #tpu.memory_space<vmem>>, vector<1x16xf32>,
        %get3A_1187 = arith.index_cast %add3A_1136 : i32 to index
        %get3A_1188 = arith.constant 80 : index
        %get3A_1189 = tpu.vector_load %arg7[%get3A_1187, %get3A_1188] {strides = array<i32>} : memref<512x128xf32, #tpu.memory_space<vmem>>, vector<1x16xf32>,
        %get3A_1190 = vector.shape_cast %get3A_1189 : vector<1x16xf32> to vector<16xf32>
        %mul3A_1191 = arith.mulf %get3A_1190, %broadcast_in_dim3A_1131 : vector<16xf32>
        %swap3A_1192 = arith.index_cast %add3A_1136 : i32 to index
        %swap3A_1193 = arith.constant 80 : index
        %swap3A_1194 = tpu.vector_load %arg7[%swap3A_1192, %swap3A_1193] {strides = array<i32>} : memref<512x128xf32, #tpu.memory_space<vmem>>, vector<1x16xf32>,
        %swap3A_1195 = vector.shape_cast %swap3A_1194 : vector<1x16xf32> to vector<16xf32>
        %swap3A_1196 = vector.shape_cast %mul3A_1191 : vector<16xf32> to vector<1x16xf32>
        tpu.vector_store %arg7[%swap3A_1192, %swap3A_1193], %swap3A_1196 {strides = array<i32>} : memref<512x128xf32, #tpu.memory_space<vmem>>, vector<1x16xf32>,
        %get3A_1197 = arith.index_cast %add3A_1136 : i32 to index
        %get3A_1198 = arith.constant 96 : index
        %get3A_1199 = tpu.vector_load %arg7[%get3A_1197, %get3A_1198] {strides = array<i32>} : memref<512x128xf32, #tpu.memory_space<vmem>>, vector<1x16xf32>,
        %get3A_1200 = vector.shape_cast %get3A_1199 : vector<1x16xf32> to vector<16xf32>
        %mul3A_1201 = arith.mulf %get3A_1200, %broadcast_in_dim3A_1131 : vector<16xf32>
        %swap3A_1202 = arith.index_cast %add3A_1136 : i32 to index
        %swap3A_1203 = arith.constant 96 : index
        %swap3A_1204 = tpu.vector_load %arg7[%swap3A_1202, %swap3A_1203] {strides = array<i32>} : memref<512x128xf32, #tpu.memory_space<vmem>>, vector<1x16xf32>,
        %swap3A_1205 = vector.shape_cast %swap3A_1204 : vector<1x16xf32> to vector<16xf32>
        %swap3A_1206 = vector.shape_cast %mul3A_1201 : vector<16xf32> to vector<1x16xf32>
        tpu.vector_store %arg7[%swap3A_1202, %swap3A_1203], %swap3A_1206 {strides = array<i32>} : memref<512x128xf32, #tpu.memory_space<vmem>>, vector<1x16xf32>,
        %get3A_1207 = arith.index_cast %add3A_1136 : i32 to index
        %get3A_1208 = arith.constant 112 : index
        %get3A_1209 = tpu.vector_load %arg7[%get3A_1207, %get3A_1208] {strides = array<i32>} : memref<512x128xf32, #tpu.memory_space<vmem>>, vector<1x16xf32>,
        %get3A_1210 = vector.shape_cast %get3A_1209 : vector<1x16xf32> to vector<16xf32>
        %mul3A_1211 = arith.mulf %get3A_1210, %broadcast_in_dim3A_1131 : vector<16xf32>
        %swap3A_1212 = arith.index_cast %add3A_1136 : i32 to index
        %swap3A_1213 = arith.constant 112 : index
        %swap3A_1214 = tpu.vector_load %arg7[%swap3A_1212, %swap3A_1213] {strides = array<i32>} : memref<512x128xf32, #tpu.memory_space<vmem>>, vector<1x16xf32>,
        %swap3A_1215 = vector.shape_cast %swap3A_1214 : vector<1x16xf32> to vector<16xf32>
        %swap3A_1216 = vector.shape_cast %mul3A_1211 : vector<16xf32> to vector<1x16xf32>
        tpu.vector_store %arg7[%swap3A_1212, %swap3A_1213], %swap3A_1216 {strides = array<i32>} : memref<512x128xf32, #tpu.memory_space<vmem>>, vector<1x16xf32>,
        %slice3A_1217 = vector.extract_strided_slice %select_n3A_163 {offsets = [12], sizes = [1], strides = [1]} : vector<16xf32> to vector<1xf32>
        %squeeze3A_1218 = vector.extract %slice3A_1217[0] : f32 from vector<1xf32>
        %broadcast_in_dim3A_1219 = vector.broadcast %squeeze3A_1218 : f32 to vector<16xf32>
        %mul3A_1220 = arith.constant 16 : i32
        %mul3A_1221 = arith.muli %scan3A_113, %mul3A_1220 : i32
        %add3A_1222 = arith.addi %mul3A_49, %mul3A_1221 : i32
        %add3A_1223 = arith.constant 12 : i32
        %add3A_1224 = arith.addi %add3A_1222, %add3A_1223 : i32
        %get3A_1225 = arith.index_cast %add3A_1224 : i32 to index
        %get3A_1226 = arith.constant 0 : index
        %get3A_1227 = tpu.vector_load %arg7[%get3A_1225, %get3A_1226] {strides = array<i32>} : memref<512x128xf32, #tpu.memory_space<vmem>>, vector<1x16xf32>,
        %get3A_1228 = vector.shape_cast %get3A_1227 : vector<1x16xf32> to vector<16xf32>
        %mul3A_1229 = arith.mulf %get3A_1228, %broadcast_in_dim3A_1219 : vector<16xf32>
        %swap3A_1230 = arith.index_cast %add3A_1224 : i32 to index
        %swap3A_1231 = arith.constant 0 : index
        %swap3A_1232 = tpu.vector_load %arg7[%swap3A_1230, %swap3A_1231] {strides = array<i32>} : memref<512x128xf32, #tpu.memory_space<vmem>>, vector<1x16xf32>,
        %swap3A_1233 = vector.shape_cast %swap3A_1232 : vector<1x16xf32> to vector<16xf32>
        %swap3A_1234 = vector.shape_cast %mul3A_1229 : vector<16xf32> to vector<1x16xf32>
        tpu.vector_store %arg7[%swap3A_1230, %swap3A_1231], %swap3A_1234 {strides = array<i32>} : memref<512x128xf32, #tpu.memory_space<vmem>>, vector<1x16xf32>,
        %get3A_1235 = arith.index_cast %add3A_1224 : i32 to index
        %get3A_1236 = arith.constant 16 : index
        %get3A_1237 = tpu.vector_load %arg7[%get3A_1235, %get3A_1236] {strides = array<i32>} : memref<512x128xf32, #tpu.memory_space<vmem>>, vector<1x16xf32>,
        %get3A_1238 = vector.shape_cast %get3A_1237 : vector<1x16xf32> to vector<16xf32>
        %mul3A_1239 = arith.mulf %get3A_1238, %broadcast_in_dim3A_1219 : vector<16xf32>
        %swap3A_1240 = arith.index_cast %add3A_1224 : i32 to index
        %swap3A_1241 = arith.constant 16 : index
        %swap3A_1242 = tpu.vector_load %arg7[%swap3A_1240, %swap3A_1241] {strides = array<i32>} : memref<512x128xf32, #tpu.memory_space<vmem>>, vector<1x16xf32>,
        %swap3A_1243 = vector.shape_cast %swap3A_1242 : vector<1x16xf32> to vector<16xf32>
        %swap3A_1244 = vector.shape_cast %mul3A_1239 : vector<16xf32> to vector<1x16xf32>
        tpu.vector_store %arg7[%swap3A_1240, %swap3A_1241], %swap3A_1244 {strides = array<i32>} : memref<512x128xf32, #tpu.memory_space<vmem>>, vector<1x16xf32>,
        %get3A_1245 = arith.index_cast %add3A_1224 : i32 to index
        %get3A_1246 = arith.constant 32 : index
        %get3A_1247 = tpu.vector_load %arg7[%get3A_1245, %get3A_1246] {strides = array<i32>} : memref<512x128xf32, #tpu.memory_space<vmem>>, vector<1x16xf32>,
        %get3A_1248 = vector.shape_cast %get3A_1247 : vector<1x16xf32> to vector<16xf32>
        %mul3A_1249 = arith.mulf %get3A_1248, %broadcast_in_dim3A_1219 : vector<16xf32>
        %swap3A_1250 = arith.index_cast %add3A_1224 : i32 to index
        %swap3A_1251 = arith.constant 32 : index
        %swap3A_1252 = tpu.vector_load %arg7[%swap3A_1250, %swap3A_1251] {strides = array<i32>} : memref<512x128xf32, #tpu.memory_space<vmem>>, vector<1x16xf32>,
        %swap3A_1253 = vector.shape_cast %swap3A_1252 : vector<1x16xf32> to vector<16xf32>
        %swap3A_1254 = vector.shape_cast %mul3A_1249 : vector<16xf32> to vector<1x16xf32>
        tpu.vector_store %arg7[%swap3A_1250, %swap3A_1251], %swap3A_1254 {strides = array<i32>} : memref<512x128xf32, #tpu.memory_space<vmem>>, vector<1x16xf32>,
        %get3A_1255 = arith.index_cast %add3A_1224 : i32 to index
        %get3A_1256 = arith.constant 48 : index
        %get3A_1257 = tpu.vector_load %arg7[%get3A_1255, %get3A_1256] {strides = array<i32>} : memref<512x128xf32, #tpu.memory_space<vmem>>, vector<1x16xf32>,
        %get3A_1258 = vector.shape_cast %get3A_1257 : vector<1x16xf32> to vector<16xf32>
        %mul3A_1259 = arith.mulf %get3A_1258, %broadcast_in_dim3A_1219 : vector<16xf32>
        %swap3A_1260 = arith.index_cast %add3A_1224 : i32 to index
        %swap3A_1261 = arith.constant 48 : index
        %swap3A_1262 = tpu.vector_load %arg7[%swap3A_1260, %swap3A_1261] {strides = array<i32>} : memref<512x128xf32, #tpu.memory_space<vmem>>, vector<1x16xf32>,
        %swap3A_1263 = vector.shape_cast %swap3A_1262 : vector<1x16xf32> to vector<16xf32>
        %swap3A_1264 = vector.shape_cast %mul3A_1259 : vector<16xf32> to vector<1x16xf32>
        tpu.vector_store %arg7[%swap3A_1260, %swap3A_1261], %swap3A_1264 {strides = array<i32>} : memref<512x128xf32, #tpu.memory_space<vmem>>, vector<1x16xf32>,
        %get3A_1265 = arith.index_cast %add3A_1224 : i32 to index
        %get3A_1266 = arith.constant 64 : index
        %get3A_1267 = tpu.vector_load %arg7[%get3A_1265, %get3A_1266] {strides = array<i32>} : memref<512x128xf32, #tpu.memory_space<vmem>>, vector<1x16xf32>,
        %get3A_1268 = vector.shape_cast %get3A_1267 : vector<1x16xf32> to vector<16xf32>
        %mul3A_1269 = arith.mulf %get3A_1268, %broadcast_in_dim3A_1219 : vector<16xf32>
        %swap3A_1270 = arith.index_cast %add3A_1224 : i32 to index
        %swap3A_1271 = arith.constant 64 : index
        %swap3A_1272 = tpu.vector_load %arg7[%swap3A_1270, %swap3A_1271] {strides = array<i32>} : memref<512x128xf32, #tpu.memory_space<vmem>>, vector<1x16xf32>,
        %swap3A_1273 = vector.shape_cast %swap3A_1272 : vector<1x16xf32> to vector<16xf32>
        %swap3A_1274 = vector.shape_cast %mul3A_1269 : vector<16xf32> to vector<1x16xf32>
        tpu.vector_store %arg7[%swap3A_1270, %swap3A_1271], %swap3A_1274 {strides = array<i32>} : memref<512x128xf32, #tpu.memory_space<vmem>>, vector<1x16xf32>,
        %get3A_1275 = arith.index_cast %add3A_1224 : i32 to index
        %get3A_1276 = arith.constant 80 : index
        %get3A_1277 = tpu.vector_load %arg7[%get3A_1275, %get3A_1276] {strides = array<i32>} : memref<512x128xf32, #tpu.memory_space<vmem>>, vector<1x16xf32>,
        %get3A_1278 = vector.shape_cast %get3A_1277 : vector<1x16xf32> to vector<16xf32>
        %mul3A_1279 = arith.mulf %get3A_1278, %broadcast_in_dim3A_1219 : vector<16xf32>
        %swap3A_1280 = arith.index_cast %add3A_1224 : i32 to index
        %swap3A_1281 = arith.constant 80 : index
        %swap3A_1282 = tpu.vector_load %arg7[%swap3A_1280, %swap3A_1281] {strides = array<i32>} : memref<512x128xf32, #tpu.memory_space<vmem>>, vector<1x16xf32>,
        %swap3A_1283 = vector.shape_cast %swap3A_1282 : vector<1x16xf32> to vector<16xf32>
        %swap3A_1284 = vector.shape_cast %mul3A_1279 : vector<16xf32> to vector<1x16xf32>
        tpu.vector_store %arg7[%swap3A_1280, %swap3A_1281], %swap3A_1284 {strides = array<i32>} : memref<512x128xf32, #tpu.memory_space<vmem>>, vector<1x16xf32>,
        %get3A_1285 = arith.index_cast %add3A_1224 : i32 to index
        %get3A_1286 = arith.constant 96 : index
        %get3A_1287 = tpu.vector_load %arg7[%get3A_1285, %get3A_1286] {strides = array<i32>} : memref<512x128xf32, #tpu.memory_space<vmem>>, vector<1x16xf32>,
        %get3A_1288 = vector.shape_cast %get3A_1287 : vector<1x16xf32> to vector<16xf32>
        %mul3A_1289 = arith.mulf %get3A_1288, %broadcast_in_dim3A_1219 : vector<16xf32>
        %swap3A_1290 = arith.index_cast %add3A_1224 : i32 to index
        %swap3A_1291 = arith.constant 96 : index
        %swap3A_1292 = tpu.vector_load %arg7[%swap3A_1290, %swap3A_1291] {strides = array<i32>} : memref<512x128xf32, #tpu.memory_space<vmem>>, vector<1x16xf32>,
        %swap3A_1293 = vector.shape_cast %swap3A_1292 : vector<1x16xf32> to vector<16xf32>
        %swap3A_1294 = vector.shape_cast %mul3A_1289 : vector<16xf32> to vector<1x16xf32>
        tpu.vector_store %arg7[%swap3A_1290, %swap3A_1291], %swap3A_1294 {strides = array<i32>} : memref<512x128xf32, #tpu.memory_space<vmem>>, vector<1x16xf32>,
        %get3A_1295 = arith.index_cast %add3A_1224 : i32 to index
        %get3A_1296 = arith.constant 112 : index
        %get3A_1297 = tpu.vector_load %arg7[%get3A_1295, %get3A_1296] {strides = array<i32>} : memref<512x128xf32, #tpu.memory_space<vmem>>, vector<1x16xf32>,
        %get3A_1298 = vector.shape_cast %get3A_1297 : vector<1x16xf32> to vector<16xf32>
        %mul3A_1299 = arith.mulf %get3A_1298, %broadcast_in_dim3A_1219 : vector<16xf32>
        %swap3A_1300 = arith.index_cast %add3A_1224 : i32 to index
        %swap3A_1301 = arith.constant 112 : index
        %swap3A_1302 = tpu.vector_load %arg7[%swap3A_1300, %swap3A_1301] {strides = array<i32>} : memref<512x128xf32, #tpu.memory_space<vmem>>, vector<1x16xf32>,
        %swap3A_1303 = vector.shape_cast %swap3A_1302 : vector<1x16xf32> to vector<16xf32>
        %swap3A_1304 = vector.shape_cast %mul3A_1299 : vector<16xf32> to vector<1x16xf32>
        tpu.vector_store %arg7[%swap3A_1300, %swap3A_1301], %swap3A_1304 {strides = array<i32>} : memref<512x128xf32, #tpu.memory_space<vmem>>, vector<1x16xf32>,
        %slice3A_1305 = vector.extract_strided_slice %select_n3A_163 {offsets = [13], sizes = [1], strides = [1]} : vector<16xf32> to vector<1xf32>
        %squeeze3A_1306 = vector.extract %slice3A_1305[0] : f32 from vector<1xf32>
        %broadcast_in_dim3A_1307 = vector.broadcast %squeeze3A_1306 : f32 to vector<16xf32>
        %mul3A_1308 = arith.constant 16 : i32
        %mul3A_1309 = arith.muli %scan3A_113, %mul3A_1308 : i32
        %add3A_1310 = arith.addi %mul3A_49, %mul3A_1309 : i32
        %add3A_1311 = arith.constant 13 : i32
        %add3A_1312 = arith.addi %add3A_1310, %add3A_1311 : i32
        %get3A_1313 = arith.index_cast %add3A_1312 : i32 to index
        %get3A_1314 = arith.constant 0 : index
        %get3A_1315 = tpu.vector_load %arg7[%get3A_1313, %get3A_1314] {strides = array<i32>} : memref<512x128xf32, #tpu.memory_space<vmem>>, vector<1x16xf32>,
        %get3A_1316 = vector.shape_cast %get3A_1315 : vector<1x16xf32> to vector<16xf32>
        %mul3A_1317 = arith.mulf %get3A_1316, %broadcast_in_dim3A_1307 : vector<16xf32>
        %swap3A_1318 = arith.index_cast %add3A_1312 : i32 to index
        %swap3A_1319 = arith.constant 0 : index
        %swap3A_1320 = tpu.vector_load %arg7[%swap3A_1318, %swap3A_1319] {strides = array<i32>} : memref<512x128xf32, #tpu.memory_space<vmem>>, vector<1x16xf32>,
        %swap3A_1321 = vector.shape_cast %swap3A_1320 : vector<1x16xf32> to vector<16xf32>
        %swap3A_1322 = vector.shape_cast %mul3A_1317 : vector<16xf32> to vector<1x16xf32>
        tpu.vector_store %arg7[%swap3A_1318, %swap3A_1319], %swap3A_1322 {strides = array<i32>} : memref<512x128xf32, #tpu.memory_space<vmem>>, vector<1x16xf32>,
        %get3A_1323 = arith.index_cast %add3A_1312 : i32 to index
        %get3A_1324 = arith.constant 16 : index
        %get3A_1325 = tpu.vector_load %arg7[%get3A_1323, %get3A_1324] {strides = array<i32>} : memref<512x128xf32, #tpu.memory_space<vmem>>, vector<1x16xf32>,
        %get3A_1326 = vector.shape_cast %get3A_1325 : vector<1x16xf32> to vector<16xf32>
        %mul3A_1327 = arith.mulf %get3A_1326, %broadcast_in_dim3A_1307 : vector<16xf32>
        %swap3A_1328 = arith.index_cast %add3A_1312 : i32 to index
        %swap3A_1329 = arith.constant 16 : index
        %swap3A_1330 = tpu.vector_load %arg7[%swap3A_1328, %swap3A_1329] {strides = array<i32>} : memref<512x128xf32, #tpu.memory_space<vmem>>, vector<1x16xf32>,
        %swap3A_1331 = vector.shape_cast %swap3A_1330 : vector<1x16xf32> to vector<16xf32>
        %swap3A_1332 = vector.shape_cast %mul3A_1327 : vector<16xf32> to vector<1x16xf32>
        tpu.vector_store %arg7[%swap3A_1328, %swap3A_1329], %swap3A_1332 {strides = array<i32>} : memref<512x128xf32, #tpu.memory_space<vmem>>, vector<1x16xf32>,
        %get3A_1333 = arith.index_cast %add3A_1312 : i32 to index
        %get3A_1334 = arith.constant 32 : index
        %get3A_1335 = tpu.vector_load %arg7[%get3A_1333, %get3A_1334] {strides = array<i32>} : memref<512x128xf32, #tpu.memory_space<vmem>>, vector<1x16xf32>,
        %get3A_1336 = vector.shape_cast %get3A_1335 : vector<1x16xf32> to vector<16xf32>
        %mul3A_1337 = arith.mulf %get3A_1336, %broadcast_in_dim3A_1307 : vector<16xf32>
        %swap3A_1338 = arith.index_cast %add3A_1312 : i32 to index
        %swap3A_1339 = arith.constant 32 : index
        %swap3A_1340 = tpu.vector_load %arg7[%swap3A_1338, %swap3A_1339] {strides = array<i32>} : memref<512x128xf32, #tpu.memory_space<vmem>>, vector<1x16xf32>,
        %swap3A_1341 = vector.shape_cast %swap3A_1340 : vector<1x16xf32> to vector<16xf32>
        %swap3A_1342 = vector.shape_cast %mul3A_1337 : vector<16xf32> to vector<1x16xf32>
        tpu.vector_store %arg7[%swap3A_1338, %swap3A_1339], %swap3A_1342 {strides = array<i32>} : memref<512x128xf32, #tpu.memory_space<vmem>>, vector<1x16xf32>,
        %get3A_1343 = arith.index_cast %add3A_1312 : i32 to index
        %get3A_1344 = arith.constant 48 : index
        %get3A_1345 = tpu.vector_load %arg7[%get3A_1343, %get3A_1344] {strides = array<i32>} : memref<512x128xf32, #tpu.memory_space<vmem>>, vector<1x16xf32>,
        %get3A_1346 = vector.shape_cast %get3A_1345 : vector<1x16xf32> to vector<16xf32>
        %mul3A_1347 = arith.mulf %get3A_1346, %broadcast_in_dim3A_1307 : vector<16xf32>
        %swap3A_1348 = arith.index_cast %add3A_1312 : i32 to index
        %swap3A_1349 = arith.constant 48 : index
        %swap3A_1350 = tpu.vector_load %arg7[%swap3A_1348, %swap3A_1349] {strides = array<i32>} : memref<512x128xf32, #tpu.memory_space<vmem>>, vector<1x16xf32>,
        %swap3A_1351 = vector.shape_cast %swap3A_1350 : vector<1x16xf32> to vector<16xf32>
        %swap3A_1352 = vector.shape_cast %mul3A_1347 : vector<16xf32> to vector<1x16xf32>
        tpu.vector_store %arg7[%swap3A_1348, %swap3A_1349], %swap3A_1352 {strides = array<i32>} : memref<512x128xf32, #tpu.memory_space<vmem>>, vector<1x16xf32>,
        %get3A_1353 = arith.index_cast %add3A_1312 : i32 to index
        %get3A_1354 = arith.constant 64 : index
        %get3A_1355 = tpu.vector_load %arg7[%get3A_1353, %get3A_1354] {strides = array<i32>} : memref<512x128xf32, #tpu.memory_space<vmem>>, vector<1x16xf32>,
        %get3A_1356 = vector.shape_cast %get3A_1355 : vector<1x16xf32> to vector<16xf32>
        %mul3A_1357 = arith.mulf %get3A_1356, %broadcast_in_dim3A_1307 : vector<16xf32>
        %swap3A_1358 = arith.index_cast %add3A_1312 : i32 to index
        %swap3A_1359 = arith.constant 64 : index
        %swap3A_1360 = tpu.vector_load %arg7[%swap3A_1358, %swap3A_1359] {strides = array<i32>} : memref<512x128xf32, #tpu.memory_space<vmem>>, vector<1x16xf32>,
        %swap3A_1361 = vector.shape_cast %swap3A_1360 : vector<1x16xf32> to vector<16xf32>
        %swap3A_1362 = vector.shape_cast %mul3A_1357 : vector<16xf32> to vector<1x16xf32>
        tpu.vector_store %arg7[%swap3A_1358, %swap3A_1359], %swap3A_1362 {strides = array<i32>} : memref<512x128xf32, #tpu.memory_space<vmem>>, vector<1x16xf32>,
        %get3A_1363 = arith.index_cast %add3A_1312 : i32 to index
        %get3A_1364 = arith.constant 80 : index
        %get3A_1365 = tpu.vector_load %arg7[%get3A_1363, %get3A_1364] {strides = array<i32>} : memref<512x128xf32, #tpu.memory_space<vmem>>, vector<1x16xf32>,
        %get3A_1366 = vector.shape_cast %get3A_1365 : vector<1x16xf32> to vector<16xf32>
        %mul3A_1367 = arith.mulf %get3A_1366, %broadcast_in_dim3A_1307 : vector<16xf32>
        %swap3A_1368 = arith.index_cast %add3A_1312 : i32 to index
        %swap3A_1369 = arith.constant 80 : index
        %swap3A_1370 = tpu.vector_load %arg7[%swap3A_1368, %swap3A_1369] {strides = array<i32>} : memref<512x128xf32, #tpu.memory_space<vmem>>, vector<1x16xf32>,
        %swap3A_1371 = vector.shape_cast %swap3A_1370 : vector<1x16xf32> to vector<16xf32>
        %swap3A_1372 = vector.shape_cast %mul3A_1367 : vector<16xf32> to vector<1x16xf32>
        tpu.vector_store %arg7[%swap3A_1368, %swap3A_1369], %swap3A_1372 {strides = array<i32>} : memref<512x128xf32, #tpu.memory_space<vmem>>, vector<1x16xf32>,
        %get3A_1373 = arith.index_cast %add3A_1312 : i32 to index
        %get3A_1374 = arith.constant 96 : index
        %get3A_1375 = tpu.vector_load %arg7[%get3A_1373, %get3A_1374] {strides = array<i32>} : memref<512x128xf32, #tpu.memory_space<vmem>>, vector<1x16xf32>,
        %get3A_1376 = vector.shape_cast %get3A_1375 : vector<1x16xf32> to vector<16xf32>
        %mul3A_1377 = arith.mulf %get3A_1376, %broadcast_in_dim3A_1307 : vector<16xf32>
        %swap3A_1378 = arith.index_cast %add3A_1312 : i32 to index
        %swap3A_1379 = arith.constant 96 : index
        %swap3A_1380 = tpu.vector_load %arg7[%swap3A_1378, %swap3A_1379] {strides = array<i32>} : memref<512x128xf32, #tpu.memory_space<vmem>>, vector<1x16xf32>,
        %swap3A_1381 = vector.shape_cast %swap3A_1380 : vector<1x16xf32> to vector<16xf32>
        %swap3A_1382 = vector.shape_cast %mul3A_1377 : vector<16xf32> to vector<1x16xf32>
        tpu.vector_store %arg7[%swap3A_1378, %swap3A_1379], %swap3A_1382 {strides = array<i32>} : memref<512x128xf32, #tpu.memory_space<vmem>>, vector<1x16xf32>,
        %get3A_1383 = arith.index_cast %add3A_1312 : i32 to index
        %get3A_1384 = arith.constant 112 : index
        %get3A_1385 = tpu.vector_load %arg7[%get3A_1383, %get3A_1384] {strides = array<i32>} : memref<512x128xf32, #tpu.memory_space<vmem>>, vector<1x16xf32>,
        %get3A_1386 = vector.shape_cast %get3A_1385 : vector<1x16xf32> to vector<16xf32>
        %mul3A_1387 = arith.mulf %get3A_1386, %broadcast_in_dim3A_1307 : vector<16xf32>
        %swap3A_1388 = arith.index_cast %add3A_1312 : i32 to index
        %swap3A_1389 = arith.constant 112 : index
        %swap3A_1390 = tpu.vector_load %arg7[%swap3A_1388, %swap3A_1389] {strides = array<i32>} : memref<512x128xf32, #tpu.memory_space<vmem>>, vector<1x16xf32>,
        %swap3A_1391 = vector.shape_cast %swap3A_1390 : vector<1x16xf32> to vector<16xf32>
        %swap3A_1392 = vector.shape_cast %mul3A_1387 : vector<16xf32> to vector<1x16xf32>
        tpu.vector_store %arg7[%swap3A_1388, %swap3A_1389], %swap3A_1392 {strides = array<i32>} : memref<512x128xf32, #tpu.memory_space<vmem>>, vector<1x16xf32>,
        %slice3A_1393 = vector.extract_strided_slice %select_n3A_163 {offsets = [14], sizes = [1], strides = [1]} : vector<16xf32> to vector<1xf32>
        %squeeze3A_1394 = vector.extract %slice3A_1393[0] : f32 from vector<1xf32>
        %broadcast_in_dim3A_1395 = vector.broadcast %squeeze3A_1394 : f32 to vector<16xf32>
        %mul3A_1396 = arith.constant 16 : i32
        %mul3A_1397 = arith.muli %scan3A_113, %mul3A_1396 : i32
        %add3A_1398 = arith.addi %mul3A_49, %mul3A_1397 : i32
        %add3A_1399 = arith.constant 14 : i32
        %add3A_1400 = arith.addi %add3A_1398, %add3A_1399 : i32
        %get3A_1401 = arith.index_cast %add3A_1400 : i32 to index
        %get3A_1402 = arith.constant 0 : index
        %get3A_1403 = tpu.vector_load %arg7[%get3A_1401, %get3A_1402] {strides = array<i32>} : memref<512x128xf32, #tpu.memory_space<vmem>>, vector<1x16xf32>,
        %get3A_1404 = vector.shape_cast %get3A_1403 : vector<1x16xf32> to vector<16xf32>
        %mul3A_1405 = arith.mulf %get3A_1404, %broadcast_in_dim3A_1395 : vector<16xf32>
        %swap3A_1406 = arith.index_cast %add3A_1400 : i32 to index
        %swap3A_1407 = arith.constant 0 : index
        %swap3A_1408 = tpu.vector_load %arg7[%swap3A_1406, %swap3A_1407] {strides = array<i32>} : memref<512x128xf32, #tpu.memory_space<vmem>>, vector<1x16xf32>,
        %swap3A_1409 = vector.shape_cast %swap3A_1408 : vector<1x16xf32> to vector<16xf32>
        %swap3A_1410 = vector.shape_cast %mul3A_1405 : vector<16xf32> to vector<1x16xf32>
        tpu.vector_store %arg7[%swap3A_1406, %swap3A_1407], %swap3A_1410 {strides = array<i32>} : memref<512x128xf32, #tpu.memory_space<vmem>>, vector<1x16xf32>,
        %get3A_1411 = arith.index_cast %add3A_1400 : i32 to index
        %get3A_1412 = arith.constant 16 : index
        %get3A_1413 = tpu.vector_load %arg7[%get3A_1411, %get3A_1412] {strides = array<i32>} : memref<512x128xf32, #tpu.memory_space<vmem>>, vector<1x16xf32>,
        %get3A_1414 = vector.shape_cast %get3A_1413 : vector<1x16xf32> to vector<16xf32>
        %mul3A_1415 = arith.mulf %get3A_1414, %broadcast_in_dim3A_1395 : vector<16xf32>
        %swap3A_1416 = arith.index_cast %add3A_1400 : i32 to index
        %swap3A_1417 = arith.constant 16 : index
        %swap3A_1418 = tpu.vector_load %arg7[%swap3A_1416, %swap3A_1417] {strides = array<i32>} : memref<512x128xf32, #tpu.memory_space<vmem>>, vector<1x16xf32>,
        %swap3A_1419 = vector.shape_cast %swap3A_1418 : vector<1x16xf32> to vector<16xf32>
        %swap3A_1420 = vector.shape_cast %mul3A_1415 : vector<16xf32> to vector<1x16xf32>
        tpu.vector_store %arg7[%swap3A_1416, %swap3A_1417], %swap3A_1420 {strides = array<i32>} : memref<512x128xf32, #tpu.memory_space<vmem>>, vector<1x16xf32>,
        %get3A_1421 = arith.index_cast %add3A_1400 : i32 to index
        %get3A_1422 = arith.constant 32 : index
        %get3A_1423 = tpu.vector_load %arg7[%get3A_1421, %get3A_1422] {strides = array<i32>} : memref<512x128xf32, #tpu.memory_space<vmem>>, vector<1x16xf32>,
        %get3A_1424 = vector.shape_cast %get3A_1423 : vector<1x16xf32> to vector<16xf32>
        %mul3A_1425 = arith.mulf %get3A_1424, %broadcast_in_dim3A_1395 : vector<16xf32>
        %swap3A_1426 = arith.index_cast %add3A_1400 : i32 to index
        %swap3A_1427 = arith.constant 32 : index
        %swap3A_1428 = tpu.vector_load %arg7[%swap3A_1426, %swap3A_1427] {strides = array<i32>} : memref<512x128xf32, #tpu.memory_space<vmem>>, vector<1x16xf32>,
        %swap3A_1429 = vector.shape_cast %swap3A_1428 : vector<1x16xf32> to vector<16xf32>
        %swap3A_1430 = vector.shape_cast %mul3A_1425 : vector<16xf32> to vector<1x16xf32>
        tpu.vector_store %arg7[%swap3A_1426, %swap3A_1427], %swap3A_1430 {strides = array<i32>} : memref<512x128xf32, #tpu.memory_space<vmem>>, vector<1x16xf32>,
        %get3A_1431 = arith.index_cast %add3A_1400 : i32 to index
        %get3A_1432 = arith.constant 48 : index
        %get3A_1433 = tpu.vector_load %arg7[%get3A_1431, %get3A_1432] {strides = array<i32>} : memref<512x128xf32, #tpu.memory_space<vmem>>, vector<1x16xf32>,
        %get3A_1434 = vector.shape_cast %get3A_1433 : vector<1x16xf32> to vector<16xf32>
        %mul3A_1435 = arith.mulf %get3A_1434, %broadcast_in_dim3A_1395 : vector<16xf32>
        %swap3A_1436 = arith.index_cast %add3A_1400 : i32 to index
        %swap3A_1437 = arith.constant 48 : index
        %swap3A_1438 = tpu.vector_load %arg7[%swap3A_1436, %swap3A_1437] {strides = array<i32>} : memref<512x128xf32, #tpu.memory_space<vmem>>, vector<1x16xf32>,
        %swap3A_1439 = vector.shape_cast %swap3A_1438 : vector<1x16xf32> to vector<16xf32>
        %swap3A_1440 = vector.shape_cast %mul3A_1435 : vector<16xf32> to vector<1x16xf32>
        tpu.vector_store %arg7[%swap3A_1436, %swap3A_1437], %swap3A_1440 {strides = array<i32>} : memref<512x128xf32, #tpu.memory_space<vmem>>, vector<1x16xf32>,
        %get3A_1441 = arith.index_cast %add3A_1400 : i32 to index
        %get3A_1442 = arith.constant 64 : index
        %get3A_1443 = tpu.vector_load %arg7[%get3A_1441, %get3A_1442] {strides = array<i32>} : memref<512x128xf32, #tpu.memory_space<vmem>>, vector<1x16xf32>,
        %get3A_1444 = vector.shape_cast %get3A_1443 : vector<1x16xf32> to vector<16xf32>
        %mul3A_1445 = arith.mulf %get3A_1444, %broadcast_in_dim3A_1395 : vector<16xf32>
        %swap3A_1446 = arith.index_cast %add3A_1400 : i32 to index
        %swap3A_1447 = arith.constant 64 : index
        %swap3A_1448 = tpu.vector_load %arg7[%swap3A_1446, %swap3A_1447] {strides = array<i32>} : memref<512x128xf32, #tpu.memory_space<vmem>>, vector<1x16xf32>,
        %swap3A_1449 = vector.shape_cast %swap3A_1448 : vector<1x16xf32> to vector<16xf32>
        %swap3A_1450 = vector.shape_cast %mul3A_1445 : vector<16xf32> to vector<1x16xf32>
        tpu.vector_store %arg7[%swap3A_1446, %swap3A_1447], %swap3A_1450 {strides = array<i32>} : memref<512x128xf32, #tpu.memory_space<vmem>>, vector<1x16xf32>,
        %get3A_1451 = arith.index_cast %add3A_1400 : i32 to index
        %get3A_1452 = arith.constant 80 : index
        %get3A_1453 = tpu.vector_load %arg7[%get3A_1451, %get3A_1452] {strides = array<i32>} : memref<512x128xf32, #tpu.memory_space<vmem>>, vector<1x16xf32>,
        %get3A_1454 = vector.shape_cast %get3A_1453 : vector<1x16xf32> to vector<16xf32>
        %mul3A_1455 = arith.mulf %get3A_1454, %broadcast_in_dim3A_1395 : vector<16xf32>
        %swap3A_1456 = arith.index_cast %add3A_1400 : i32 to index
        %swap3A_1457 = arith.constant 80 : index
        %swap3A_1458 = tpu.vector_load %arg7[%swap3A_1456, %swap3A_1457] {strides = array<i32>} : memref<512x128xf32, #tpu.memory_space<vmem>>, vector<1x16xf32>,
        %swap3A_1459 = vector.shape_cast %swap3A_1458 : vector<1x16xf32> to vector<16xf32>
        %swap3A_1460 = vector.shape_cast %mul3A_1455 : vector<16xf32> to vector<1x16xf32>
        tpu.vector_store %arg7[%swap3A_1456, %swap3A_1457], %swap3A_1460 {strides = array<i32>} : memref<512x128xf32, #tpu.memory_space<vmem>>, vector<1x16xf32>,
        %get3A_1461 = arith.index_cast %add3A_1400 : i32 to index
        %get3A_1462 = arith.constant 96 : index
        %get3A_1463 = tpu.vector_load %arg7[%get3A_1461, %get3A_1462] {strides = array<i32>} : memref<512x128xf32, #tpu.memory_space<vmem>>, vector<1x16xf32>,
        %get3A_1464 = vector.shape_cast %get3A_1463 : vector<1x16xf32> to vector<16xf32>
        %mul3A_1465 = arith.mulf %get3A_1464, %broadcast_in_dim3A_1395 : vector<16xf32>
        %swap3A_1466 = arith.index_cast %add3A_1400 : i32 to index
        %swap3A_1467 = arith.constant 96 : index
        %swap3A_1468 = tpu.vector_load %arg7[%swap3A_1466, %swap3A_1467] {strides = array<i32>} : memref<512x128xf32, #tpu.memory_space<vmem>>, vector<1x16xf32>,
        %swap3A_1469 = vector.shape_cast %swap3A_1468 : vector<1x16xf32> to vector<16xf32>
        %swap3A_1470 = vector.shape_cast %mul3A_1465 : vector<16xf32> to vector<1x16xf32>
        tpu.vector_store %arg7[%swap3A_1466, %swap3A_1467], %swap3A_1470 {strides = array<i32>} : memref<512x128xf32, #tpu.memory_space<vmem>>, vector<1x16xf32>,
        %get3A_1471 = arith.index_cast %add3A_1400 : i32 to index
        %get3A_1472 = arith.constant 112 : index
        %get3A_1473 = tpu.vector_load %arg7[%get3A_1471, %get3A_1472] {strides = array<i32>} : memref<512x128xf32, #tpu.memory_space<vmem>>, vector<1x16xf32>,
        %get3A_1474 = vector.shape_cast %get3A_1473 : vector<1x16xf32> to vector<16xf32>
        %mul3A_1475 = arith.mulf %get3A_1474, %broadcast_in_dim3A_1395 : vector<16xf32>
        %swap3A_1476 = arith.index_cast %add3A_1400 : i32 to index
        %swap3A_1477 = arith.constant 112 : index
        %swap3A_1478 = tpu.vector_load %arg7[%swap3A_1476, %swap3A_1477] {strides = array<i32>} : memref<512x128xf32, #tpu.memory_space<vmem>>, vector<1x16xf32>,
        %swap3A_1479 = vector.shape_cast %swap3A_1478 : vector<1x16xf32> to vector<16xf32>
        %swap3A_1480 = vector.shape_cast %mul3A_1475 : vector<16xf32> to vector<1x16xf32>
        tpu.vector_store %arg7[%swap3A_1476, %swap3A_1477], %swap3A_1480 {strides = array<i32>} : memref<512x128xf32, #tpu.memory_space<vmem>>, vector<1x16xf32>,
        %slice3A_1481 = vector.extract_strided_slice %select_n3A_163 {offsets = [15], sizes = [1], strides = [1]} : vector<16xf32> to vector<1xf32>
        %squeeze3A_1482 = vector.extract %slice3A_1481[0] : f32 from vector<1xf32>
        %broadcast_in_dim3A_1483 = vector.broadcast %squeeze3A_1482 : f32 to vector<16xf32>
        %mul3A_1484 = arith.constant 16 : i32
        %mul3A_1485 = arith.muli %scan3A_113, %mul3A_1484 : i32
        %add3A_1486 = arith.addi %mul3A_49, %mul3A_1485 : i32
        %add3A_1487 = arith.constant 15 : i32
        %add3A_1488 = arith.addi %add3A_1486, %add3A_1487 : i32
        %get3A_1489 = arith.index_cast %add3A_1488 : i32 to index
        %get3A_1490 = arith.constant 0 : index
        %get3A_1491 = tpu.vector_load %arg7[%get3A_1489, %get3A_1490] {strides = array<i32>} : memref<512x128xf32, #tpu.memory_space<vmem>>, vector<1x16xf32>,
        %get3A_1492 = vector.shape_cast %get3A_1491 : vector<1x16xf32> to vector<16xf32>
        %mul3A_1493 = arith.mulf %get3A_1492, %broadcast_in_dim3A_1483 : vector<16xf32>
        %swap3A_1494 = arith.index_cast %add3A_1488 : i32 to index
        %swap3A_1495 = arith.constant 0 : index
        %swap3A_1496 = tpu.vector_load %arg7[%swap3A_1494, %swap3A_1495] {strides = array<i32>} : memref<512x128xf32, #tpu.memory_space<vmem>>, vector<1x16xf32>,
        %swap3A_1497 = vector.shape_cast %swap3A_1496 : vector<1x16xf32> to vector<16xf32>
        %swap3A_1498 = vector.shape_cast %mul3A_1493 : vector<16xf32> to vector<1x16xf32>
        tpu.vector_store %arg7[%swap3A_1494, %swap3A_1495], %swap3A_1498 {strides = array<i32>} : memref<512x128xf32, #tpu.memory_space<vmem>>, vector<1x16xf32>,
        %get3A_1499 = arith.index_cast %add3A_1488 : i32 to index
        %get3A_1500 = arith.constant 16 : index
        %get3A_1501 = tpu.vector_load %arg7[%get3A_1499, %get3A_1500] {strides = array<i32>} : memref<512x128xf32, #tpu.memory_space<vmem>>, vector<1x16xf32>,
        %get3A_1502 = vector.shape_cast %get3A_1501 : vector<1x16xf32> to vector<16xf32>
        %mul3A_1503 = arith.mulf %get3A_1502, %broadcast_in_dim3A_1483 : vector<16xf32>
        %swap3A_1504 = arith.index_cast %add3A_1488 : i32 to index
        %swap3A_1505 = arith.constant 16 : index
        %swap3A_1506 = tpu.vector_load %arg7[%swap3A_1504, %swap3A_1505] {strides = array<i32>} : memref<512x128xf32, #tpu.memory_space<vmem>>, vector<1x16xf32>,
        %swap3A_1507 = vector.shape_cast %swap3A_1506 : vector<1x16xf32> to vector<16xf32>
        %swap3A_1508 = vector.shape_cast %mul3A_1503 : vector<16xf32> to vector<1x16xf32>
        tpu.vector_store %arg7[%swap3A_1504, %swap3A_1505], %swap3A_1508 {strides = array<i32>} : memref<512x128xf32, #tpu.memory_space<vmem>>, vector<1x16xf32>,
        %get3A_1509 = arith.index_cast %add3A_1488 : i32 to index
        %get3A_1510 = arith.constant 32 : index
        %get3A_1511 = tpu.vector_load %arg7[%get3A_1509, %get3A_1510] {strides = array<i32>} : memref<512x128xf32, #tpu.memory_space<vmem>>, vector<1x16xf32>,
        %get3A_1512 = vector.shape_cast %get3A_1511 : vector<1x16xf32> to vector<16xf32>
        %mul3A_1513 = arith.mulf %get3A_1512, %broadcast_in_dim3A_1483 : vector<16xf32>
        %swap3A_1514 = arith.index_cast %add3A_1488 : i32 to index
        %swap3A_1515 = arith.constant 32 : index
        %swap3A_1516 = tpu.vector_load %arg7[%swap3A_1514, %swap3A_1515] {strides = array<i32>} : memref<512x128xf32, #tpu.memory_space<vmem>>, vector<1x16xf32>,
        %swap3A_1517 = vector.shape_cast %swap3A_1516 : vector<1x16xf32> to vector<16xf32>
        %swap3A_1518 = vector.shape_cast %mul3A_1513 : vector<16xf32> to vector<1x16xf32>
        tpu.vector_store %arg7[%swap3A_1514, %swap3A_1515], %swap3A_1518 {strides = array<i32>} : memref<512x128xf32, #tpu.memory_space<vmem>>, vector<1x16xf32>,
        %get3A_1519 = arith.index_cast %add3A_1488 : i32 to index
        %get3A_1520 = arith.constant 48 : index
        %get3A_1521 = tpu.vector_load %arg7[%get3A_1519, %get3A_1520] {strides = array<i32>} : memref<512x128xf32, #tpu.memory_space<vmem>>, vector<1x16xf32>,
        %get3A_1522 = vector.shape_cast %get3A_1521 : vector<1x16xf32> to vector<16xf32>
        %mul3A_1523 = arith.mulf %get3A_1522, %broadcast_in_dim3A_1483 : vector<16xf32>
        %swap3A_1524 = arith.index_cast %add3A_1488 : i32 to index
        %swap3A_1525 = arith.constant 48 : index
        %swap3A_1526 = tpu.vector_load %arg7[%swap3A_1524, %swap3A_1525] {strides = array<i32>} : memref<512x128xf32, #tpu.memory_space<vmem>>, vector<1x16xf32>,
        %swap3A_1527 = vector.shape_cast %swap3A_1526 : vector<1x16xf32> to vector<16xf32>
        %swap3A_1528 = vector.shape_cast %mul3A_1523 : vector<16xf32> to vector<1x16xf32>
        tpu.vector_store %arg7[%swap3A_1524, %swap3A_1525], %swap3A_1528 {strides = array<i32>} : memref<512x128xf32, #tpu.memory_space<vmem>>, vector<1x16xf32>,
        %get3A_1529 = arith.index_cast %add3A_1488 : i32 to index
        %get3A_1530 = arith.constant 64 : index
        %get3A_1531 = tpu.vector_load %arg7[%get3A_1529, %get3A_1530] {strides = array<i32>} : memref<512x128xf32, #tpu.memory_space<vmem>>, vector<1x16xf32>,
        %get3A_1532 = vector.shape_cast %get3A_1531 : vector<1x16xf32> to vector<16xf32>
        %mul3A_1533 = arith.mulf %get3A_1532, %broadcast_in_dim3A_1483 : vector<16xf32>
        %swap3A_1534 = arith.index_cast %add3A_1488 : i32 to index
        %swap3A_1535 = arith.constant 64 : index
        %swap3A_1536 = tpu.vector_load %arg7[%swap3A_1534, %swap3A_1535] {strides = array<i32>} : memref<512x128xf32, #tpu.memory_space<vmem>>, vector<1x16xf32>,
        %swap3A_1537 = vector.shape_cast %swap3A_1536 : vector<1x16xf32> to vector<16xf32>
        %swap3A_1538 = vector.shape_cast %mul3A_1533 : vector<16xf32> to vector<1x16xf32>
        tpu.vector_store %arg7[%swap3A_1534, %swap3A_1535], %swap3A_1538 {strides = array<i32>} : memref<512x128xf32, #tpu.memory_space<vmem>>, vector<1x16xf32>,
        %get3A_1539 = arith.index_cast %add3A_1488 : i32 to index
        %get3A_1540 = arith.constant 80 : index
        %get3A_1541 = tpu.vector_load %arg7[%get3A_1539, %get3A_1540] {strides = array<i32>} : memref<512x128xf32, #tpu.memory_space<vmem>>, vector<1x16xf32>,
        %get3A_1542 = vector.shape_cast %get3A_1541 : vector<1x16xf32> to vector<16xf32>
        %mul3A_1543 = arith.mulf %get3A_1542, %broadcast_in_dim3A_1483 : vector<16xf32>
        %swap3A_1544 = arith.index_cast %add3A_1488 : i32 to index
        %swap3A_1545 = arith.constant 80 : index
        %swap3A_1546 = tpu.vector_load %arg7[%swap3A_1544, %swap3A_1545] {strides = array<i32>} : memref<512x128xf32, #tpu.memory_space<vmem>>, vector<1x16xf32>,
        %swap3A_1547 = vector.shape_cast %swap3A_1546 : vector<1x16xf32> to vector<16xf32>
        %swap3A_1548 = vector.shape_cast %mul3A_1543 : vector<16xf32> to vector<1x16xf32>
        tpu.vector_store %arg7[%swap3A_1544, %swap3A_1545], %swap3A_1548 {strides = array<i32>} : memref<512x128xf32, #tpu.memory_space<vmem>>, vector<1x16xf32>,
        %get3A_1549 = arith.index_cast %add3A_1488 : i32 to index
        %get3A_1550 = arith.constant 96 : index
        %get3A_1551 = tpu.vector_load %arg7[%get3A_1549, %get3A_1550] {strides = array<i32>} : memref<512x128xf32, #tpu.memory_space<vmem>>, vector<1x16xf32>,
        %get3A_1552 = vector.shape_cast %get3A_1551 : vector<1x16xf32> to vector<16xf32>
        %mul3A_1553 = arith.mulf %get3A_1552, %broadcast_in_dim3A_1483 : vector<16xf32>
        %swap3A_1554 = arith.index_cast %add3A_1488 : i32 to index
        %swap3A_1555 = arith.constant 96 : index
        %swap3A_1556 = tpu.vector_load %arg7[%swap3A_1554, %swap3A_1555] {strides = array<i32>} : memref<512x128xf32, #tpu.memory_space<vmem>>, vector<1x16xf32>,
        %swap3A_1557 = vector.shape_cast %swap3A_1556 : vector<1x16xf32> to vector<16xf32>
        %swap3A_1558 = vector.shape_cast %mul3A_1553 : vector<16xf32> to vector<1x16xf32>
        tpu.vector_store %arg7[%swap3A_1554, %swap3A_1555], %swap3A_1558 {strides = array<i32>} : memref<512x128xf32, #tpu.memory_space<vmem>>, vector<1x16xf32>,
        %get3A_1559 = arith.index_cast %add3A_1488 : i32 to index
        %get3A_1560 = arith.constant 112 : index
        %get3A_1561 = tpu.vector_load %arg7[%get3A_1559, %get3A_1560] {strides = array<i32>} : memref<512x128xf32, #tpu.memory_space<vmem>>, vector<1x16xf32>,
        %get3A_1562 = vector.shape_cast %get3A_1561 : vector<1x16xf32> to vector<16xf32>
        %mul3A_1563 = arith.mulf %get3A_1562, %broadcast_in_dim3A_1483 : vector<16xf32>
        %swap3A_1564 = arith.index_cast %add3A_1488 : i32 to index
        %swap3A_1565 = arith.constant 112 : index
        %swap3A_1566 = tpu.vector_load %arg7[%swap3A_1564, %swap3A_1565] {strides = array<i32>} : memref<512x128xf32, #tpu.memory_space<vmem>>, vector<1x16xf32>,
        %swap3A_1567 = vector.shape_cast %swap3A_1566 : vector<1x16xf32> to vector<16xf32>
        %swap3A_1568 = vector.shape_cast %mul3A_1563 : vector<16xf32> to vector<1x16xf32>
        tpu.vector_store %arg7[%swap3A_1564, %swap3A_1565], %swap3A_1568 {strides = array<i32>} : memref<512x128xf32, #tpu.memory_space<vmem>>, vector<1x16xf32>,
      }
      %scan3A_97 = arith.constant 16 : i32
      %and3A_98 = arith.constant 1 : i32
      %and3A_99 = arith.andi %scan3A_46, %and3A_98 : i32
      %mul3A_100 = arith.constant 256 : i32
      %mul3A_101 = arith.muli %and3A_99, %mul3A_100 : i32
      %mul3A_102 = arith.constant 256 : i32
      %mul3A_103 = arith.muli %scan3A_46, %mul3A_102 : i32
      %add3A_104 = arith.addi %mul3A_2, %mul3A_103 : i32
      %dma_start3A_105 = arith.constant 0 : i32
      %dma_start3A_106 = tpu.memref_slice %arg7[%mul3A_101, %dma_start3A_105] : memref<512x128xf32, #tpu.memory_space<vmem>> -> memref<256x128xf32, #tpu.memory_space<vmem>>
      %dma_start3A_107 = arith.constant 0 : i32
      %dma_start3A_108 = tpu.memref_slice %arg4[%add3A_104, %dma_start3A_107] : memref<204800x128xf32, #tpu.memory_space<hbm>> -> memref<256x128xf32, #tpu.memory_space<hbm>>
      %dma_start3A_109 = arith.constant 0 : i32
      %dma_start3A_110 = tpu.memref_slice %arg4[%add3A_104, %dma_start3A_109] : memref<204800x128xf32, #tpu.memory_space<hbm>> -> memref<256x128xf32, #tpu.memory_space<hbm>>
      %dma_start3A_111 = arith.constant 0 : i32
      %dma_start3A_112 = tpu.memref_slice %arg7[%mul3A_101, %dma_start3A_111] : memref<512x128xf32, #tpu.memory_space<vmem>> -> memref<256x128xf32, #tpu.memory_space<vmem>>
      tpu.enqueue_dma source(%dma_start3A_112 : memref<256x128xf32, #tpu.memory_space<vmem>>) target(%dma_start3A_110 : memref<256x128xf32, #tpu.memory_space<hbm>>) target_semaphore(%arg9 : memref<!tpu.dma_semaphore, #tpu.memory_space<semaphore_mem>>)
    }
    %scan3A_34 = arith.constant 25 : i32
    %add3A_35 = arith.constant 6144 : i32
    %add3A_36 = arith.addi %mul3A_2, %add3A_35 : i32
    %dma_wait3A = arith.constant 0 : i32
    %dma_wait3A_37 = arith.constant 0 : i32
    %dma_wait3A_38 = tpu.memref_slice %arg7[%dma_wait3A, %dma_wait3A_37] : memref<512x128xf32, #tpu.memory_space<vmem>> -> memref<256x128xf32, #tpu.memory_space<vmem>>
    %dma_wait3A_39 = arith.constant 0 : i32
    %dma_wait3A_40 = tpu.memref_slice %arg4[%add3A_36, %dma_wait3A_39] : memref<204800x128xf32, #tpu.memory_space<hbm>> -> memref<256x128xf32, #tpu.memory_space<hbm>>
    %dma_wait3A_41 = arith.constant 0 : i32
    %dma_wait3A_42 = tpu.memref_slice %arg4[%add3A_36, %dma_wait3A_41] : memref<204800x128xf32, #tpu.memory_space<hbm>> -> memref<256x128xf32, #tpu.memory_space<hbm>>
    %dma_wait3A_43 = arith.constant 0 : i32
    %dma_wait3A_44 = arith.constant 0 : i32
    %dma_wait3A_45 = tpu.memref_slice %arg7[%dma_wait3A_43, %dma_wait3A_44] : memref<512x128xf32, #tpu.memory_space<vmem>> -> memref<256x128xf32, #tpu.memory_space<vmem>>
    tpu.wait_dma2 semaphore(%arg9 : memref<!tpu.dma_semaphore, #tpu.memory_space<semaphore_mem>>) src(%dma_wait3A_45 : memref<256x128xf32, #tpu.memory_space<vmem>>) dst(%dma_wait3A_42 : memref<256x128xf32, #tpu.memory_space<hbm>>)
    return
  }
}

</mosaic_0001>

<sc_bundles>
// kernel: kernel.3.cloned.1.call-start
scs
__scs_entry_jumppad:
0x0: {  	(pc) =	sbr.rel $0x88, $3  }
0x1: {  	(tag) =	ssettag $0x0;
	lr =	simm.s32 $0x1  }
0x2: {  	[smem:$0x3F9F] =	sst lr;
	_ =	strace $0xD0000000  }
0x3: {  	_ = 	snop  }
0x4: {  	_ = 	snop  }
0x5: {  	_ = 	snop  }
0x6: {  	_ = 	snop  }
0x7: {  	_ = 	snop  }
__scs_overlays_trampoline_lowered:
0x8: {  	[smem:$0x3FAE] =	sst s0  }
0x9: {  	[smem:$0x3FAF] =	sst s1  }
0xa: {  	[smem:$0x3FB0] =	sst s2  }
0xb: {  	[smem:$0x3FB1] =	sst s3  }
0xc: {  	[smem:$0x3FB2] =	sst s4  }
0xd: {  	[smem:$0x3FB3] =	sst s5  }
0xe: {  	[smem:$0x3FB4] =	sst s6  }
0xf: {  	[smem:$0x3FB5] =	sst s7  }
0x10: {  	[smem:$0x3FB6] =	sst s8  }
0x11: {  	[smem:$0x3FB7] =	sst s9;
	s0 =	simm.s32 @!p0 $0x0  }
0x12: {  	s1 =	sld [smem:$0x3F9D];
	s0 =	simm.s32 @p0 $0x1  }
0x13: {  	[smem:$0x3FB8] =	sst s0;
	s0 =	simm.s32 @!p1 $0x0  }
0x14: {  	s2 =	sld [smem:$0x3F9C];
	s0 =	simm.s32 @p1 $0x1  }
0x15: {  	[smem:$0x3FB9] =	sst s0;
	s0 =	simm.s32 @!p2 $0x0  }
0x16: {  	s3 =	sld [smem:$0x3FDB];
	s0 =	simm.s32 @p2 $0x1  }
0x17: {  	s4 =	simm.s32 $0x1BF5;
	[smem:$0x3FBB] =	sst s0  }
0x18: {  	s0 =	sld [smem:$0x3F9E];
	_ =	swait.ge [sflag:s4], $0x0  }
0x19: {  	s7 =	sld [smem:$0x3F9F]  }
0x1a: {  	s8 =	sadd.s32 $0xFFFFE003, lr  }
0x1b: {  	s9 =	sadd.s32 $0xFFFFFEF7, lr;
	s5 =	simm.s32 $0xFFFFFFFF;
	p2 =	slt.u32 s8, $0xFFFFF086  }
0x1c: {  	p1 =	slt.u32 s9, $0xF7A;
	s5 =	simm.s32 @!p2 $0x0  }
0x1d: {  	s5 =	simm.s32 @p1 $0x1;
	p0 =	seq.s32 s7, s2  }
0x1e: {  	s7 =	smul.u32 @!p0 $0xF7A, s2;
	p2 =	seq.s32 @!p0 s5, $0x0  }
0x1f: {  	s9 =	smul.u32 $0xF7A, s1;
	s8 =	simm.s32 @!p0 $0x1BF5;
	p2 =	por !p2, p0  }
0x20: {  	[sflag:s8] =	ssyncset.s32 @!p0 $0xFFFFF086;
	s6 =	sadd.s32 @!p0 s3, s7;
	s7 =	simm.s32 @!p0 $0x108  }
0x21: {  	s3 =	sadd.s32 s3, s9;
	s6 =	sadd.s32 @!p0 $0x88, s6;
	s7 =	simm.s32 @p2 $0x1082  }
0x22: {  	[simem:s7], [sflag:s8] =	dma.local @!p0 [hbm:s6], $0xF7A  }
0x23: {  	s9 =	sor.u32 $0xD0000000, s2;
	s6 =	simm.s32 $0x108;
	_ =	swait.ge @!p0 [sflag:s8], $0x0  }
0x24: {  	s3 =	sadd.s32 $0x88, s3;
	s6 =	simm.s32 @!p1 $0x1082;
	[sflag:s4] =	ssyncset.s32 $0xFFFFF086  }
0x25: {  	[simem:s6], [sflag:s4] =	dma.local [hbm:s3], $0xF7A  }
0x26: {  	[smem:$0x3F9F] =	sst s1;
	(tag) =	ssettag s2;
	_ =	strace s9  }
0x27: {  	s1 =	sld [smem:$0x3FAF]  }
0x28: {  	s2 =	sld [smem:$0x3FB0]  }
0x29: {  	s4 =	sld [smem:$0x3FB2]  }
0x2a: {  	p0 =	seq.s32 s5, $0x0;
	s5 =	sld [smem:$0x3FB3]  }
0x2b: {  	s6 =	sld [smem:$0x3FB4]  }
0x2c: {  	s7 =	sld [smem:$0x3FB5]  }
0x2d: {  	s3 =	simm.s32 $0x108;
	s8 =	sld [smem:$0x3FB6]  }
0x2e: {  	s3 =	simm.s32 @!p0 $0x1082;
	s9 =	sld [smem:$0x3FB7]  }
0x2f: {  	lr =	sadd.s32 s0, s3;
	s0 =	sld [smem:$0x3FAE]  }
0x30: {  	s3 =	sld [smem:$0x3FB1]  }
0x31: {  	[smem:$0x3FBA] =	sst s10  }
0x32: {  	s10 =	sld [smem:$0x3FB8];
	_ =	sdelay $0x3  }
0x33: {  	p0 =	seq.s32 s10, $0x1;
	s10 =	sld [smem:$0x3FBA];
	_ =	sdelay $0x3  }
0x34: {  	[smem:$0x3FBA] =	sst s10  }
0x35: {  	s10 =	sld [smem:$0x3FB9];
	_ =	sdelay $0x3  }
0x36: {  	p1 =	seq.s32 s10, $0x1;
	s10 =	sld [smem:$0x3FBA];
	_ =	sdelay $0x3  }
0x37: {  	[smem:$0x3FBA] =	sst s10  }
0x38: {  	s10 =	sld [smem:$0x3FBB]  }
0x39: {  	_ = 	snop;
	(pc) =	sbr.ind lr, $3  }
0x3a: {  	_ = 	snop  }
0x3b: {  	_ = 	snop  }
0x3c: {  	p2 =	seq.s32 s10, $0x1;
	s10 =	sld [smem:$0x3FBA]  }
0x3d: {  	_ =	shalt  }
0x3e: {  	_ =	shalt  }
0x3f: {  	_ =	shalt  }
0x40: {  	_ =	shalt  }
0x41: {  	_ =	shalt  }
0x42: {  	_ =	shalt  }
0x43: {  	_ =	shalt  }
0x44: {  	_ =	shalt  }
0x45: {  	_ =	shalt  }
0x46: {  	_ =	shalt  }
0x47: {  	_ =	shalt  }
0x48: {  	_ =	shalt  }
0x49: {  	_ =	shalt  }
0x4a: {  	_ =	shalt  }
0x4b: {  	_ =	shalt  }
0x4c: {  	_ =	shalt  }
0x4d: {  	_ =	shalt  }
0x4e: {  	_ =	shalt  }
0x4f: {  	_ =	shalt  }
0x50: {  	_ =	shalt  }
0x51: {  	_ =	shalt  }
0x52: {  	_ =	shalt  }
0x53: {  	_ =	shalt  }
0x54: {  	_ =	shalt  }
0x55: {  	_ =	shalt  }
0x56: {  	_ =	shalt  }
0x57: {  	_ =	shalt  }
0x58: {  	_ =	shalt  }
0x59: {  	_ =	shalt  }
0x5a: {  	_ =	shalt  }
0x5b: {  	_ =	shalt  }
0x5c: {  	_ =	shalt  }
0x5d: {  	_ =	shalt  }
0x5e: {  	_ =	shalt  }
0x5f: {  	_ =	shalt  }
0x60: {  	_ =	shalt  }
0x61: {  	_ =	shalt  }
0x62: {  	_ =	shalt  }
0x63: {  	_ =	shalt  }
0x64: {  	_ =	shalt  }
0x65: {  	_ =	shalt  }
0x66: {  	_ =	shalt  }
0x67: {  	_ =	shalt  }
0x68: {  	_ =	shalt  }
0x69: {  	_ =	shalt  }
0x6a: {  	_ =	shalt  }
0x6b: {  	_ =	shalt  }
0x6c: {  	_ =	shalt  }
0x6d: {  	_ =	shalt  }
0x6e: {  	_ =	shalt  }
0x6f: {  	_ =	shalt  }
0x70: {  	_ =	shalt  }
0x71: {  	_ =	shalt  }
0x72: {  	_ =	shalt  }
0x73: {  	_ =	shalt  }
0x74: {  	_ =	shalt  }
0x75: {  	_ =	shalt  }
0x76: {  	_ =	shalt  }
0x77: {  	_ =	shalt  }
0x78: {  	_ =	shalt  }
0x79: {  	_ =	shalt  }
0x7a: {  	_ =	shalt  }
0x7b: {  	_ =	shalt  }
0x7c: {  	_ =	shalt  }
0x7d: {  	_ =	shalt  }
0x7e: {  	_ =	shalt  }
0x7f: {  	_ =	shalt  }
0x80: {  	_ =	shalt  }
0x81: {  	_ =	shalt  }
0x82: {  	_ =	shalt  }
0x83: {  	_ =	shalt  }
0x84: {  	_ =	shalt  }
0x85: {  	_ =	shalt  }
0x86: {  	_ =	shalt  }
0x87: {  	_ =	shalt  }
.Lfunc_end0:
.L_simem_size_0:
called_computation.1_lowered:
.L_overlay_start_0:
0x88: {  	s2 =	sld [smem:$0x3FD9]  }
0x89: {  	s3 =	sld [smem:$0x3FFE];
	_ =	sdelay $0x1  }
0x8a: {  	s1 =	srdreg.scid  }
0x8b: {  	s0 =	sand.u32 $0x1, s1  }
0x8c: {  	s17 =	sshll.u32 s0, $0xA;
	s2 =	sadd.s32 s3, s2  }
0x8d: {  	s2 =	sadd.s32 s2, s17  }
0x8e: {  	[smem:$0x3FC6] =	sst s2  }
0x8f: {  	_ = 	snop  }
0x90: {  	s2 =	sld [smem:$0x3FC8]  }
0x91: {  	s18 =	sld [smem:$0x3FD0];
	(tm) =	ssettm $0x1  }
0x92: {  	s4 =	sld [smem:$0x3FFB];
	_ =	sdelay $0x3  }
0x93: {  	_ =	strace s4  }
0x94: {  	s4 =	sld [smem:$0x3FFC];
	_ =	sdelay $0x3  }
0x95: {  	_ =	strace s4  }
0x96: {  	s4 =	sld [smem:$0x3FFD];
	_ =	sdelay $0x3  }
0x97: {  	_ =	strace s4  }
0x98: {  	_ =	strace $0x8FFFFFFF  }
0x99: {  	s19 =	sld [smem:$0x3FDB];
	_ =	sdelay $0x1  }
0x9a: {  	s5 =	simm.s32 $_scs_section_size  }
0x9b: {  	s6 =	simm.s32 $_size__tile_overlayer_lowered;
	s7 =	simm.s32 $_tile_overlayer_lowered  }
0x9c: {  	s22 =	simm.s32 $0x1BFF;
	s21 =	sshll.u32 s7, $0x1;
	s4 =	sadd.s32 s5, s19  }
0x9d: {  	s8 =	simm.s32 $0x0;
	s20 =	sshll.u32 s6, $0x1;
	s6 =	sadd.s32 s21, s4  }
0x9e: {  	[timem:s8], [sflag:s22] =	dma.local [hbm:s6], s20  }
0x9f: {  	_ =	swait.ge [sflag:s22], s20  }
0xa0: {  	s5 =	ssub.s32 $0x0, s20;
	[sflag:s22] =	ssyncset.done $0x0  }
0xa1: {  	[sflag:s22] =	ssyncadd.s32 s5;
	_ =	sdelay $0x1  }
0xa2: {  	s23 =	simm.s32 $0x1B8B  }
0xa3: {  	_ =	swait.ge [sflag:s23], $0x1  }
0xa4: {  	[sflag:s23] =	ssyncset.done $0x0  }
0xa5: {  	s25 =	simm.s32 $0x1B8E;
	s24 =	sld [smem:$0x3FFE];
	[sflag:s23] =	ssyncadd.s32 $0xFFFFFFFF  }
0xa6: {  	s26 =	simm.s32 $execute0_lowered;
	[smem:$0x3FD2] =	sst s25  }
0xa7: {  	s6 =	sshll.u32 s26, $0x1;
	_ =	strace $0x80000046;
	[dreg:$0x1] =	wrdreg $0xFFFFFFFF  }
0xa8: {  	s28 =	simm.s32 $_size_execute0_lowered;
	s4 =	sadd.s32 s4, s6;
	[dreg:$0x0] =	wrdreg $0x0  }
0xa9: {  	s6 =	sshll.u32 s28, $0x1;
	[dreg:$0x2] =	wrdreg s4  }
0xaa: {  	[dreg:$0x3] =	wrdreg s6  }
0xab: {  	[dreg:$0x4] =	wrdreg $0xC0  }
0xac: {  	_ =	task [dreg:s8], $0x5FFFF  }
0xad: {  	[dreg:$0x1] =	wrdreg $0xFFFFFFFF  }
0xae: {  	[dreg:$0x0] =	wrdreg $0x60  }
0xaf: {  	[dreg:$0x2] =	wrdreg s24  }
0xb0: {  	[dreg:$0x3] =	wrdreg s2  }
0xb1: {  	[dreg:$0x4] =	wrdreg s18  }
0xb2: {  	[dreg:$0x5] =	wrdreg $0x9  }
0xb3: {  	_ =	task.clear_ibuf [dreg:s8], $0x6FFFF;
	_ =	strace $0x90000046  }
0xb4: {  	s29 =	simm.s32 $0x9;
	_ =	strace $0x80000048  }
0xb5: {  	_ =	swait.ge [sflag:s29], $0x1  }
0xb6: {  	[sflag:s29] =	ssyncadd.s32 $0xFFFFFFFF  }
0xb7: {  	_ =	strace $0x90000048  }
0xb8: {  	_ =	sfence  }
0xb9: {  	s30 =	sld [smem:$0x0];
	_ =	sdelay $0x2  }
0xba: {  	s31 =	sshll.u32 s1, $0xD;
	s1 =	sshrl.u32 s1, $0x2  }
0xbb: {  	s3 =	sand.u32 $0x4000, s31;
	s1 =	sadd.s32 s1, s30  }
0xbc: {  	s0 =	sor.u32 s3, s0;
	s1 =	sshll.u32 s1, $0x11  }
0xbd: {  	s0 =	sor.u32 s1, s0  }
0xbe: {  	s0 =	sadd.s32 $0x8F2B, s0  }
0xbf: {  	[sflag:s0] =	ssyncadd.remote.s32 $0x1  }
0xc0: {  	_ =	sfence.sel $0xFFFF  }
0xc1: {  	[dreg:$0x0] =	wrdreg $0xFFFFFFFF;
	(pc) =	sbr.abs _section_cstart, $3  }
0xc2: {  	[dreg:$0x1] =	wrdreg $0xFFFFFFFF  }
0xc3: {  	_ =	task.clear_ibuf [dreg:s8], $0x2FFFF;
	_ =	strace $0x9FFFFFFF  }
0xc4: {  	(tm) =	ssettm $0x7FFFFFFF  }
0xc5: {  	_ =	shalt  }
tec
execute0_lowered:
.L_overlay_start_1:
0x0: {  	(tag) =	ssettag $0x1  }
0x1: {  	s5 =	rddreg [dreg:$0x0]  }
0x2: {  	s2 =	rddreg [dreg:$0x1];
	s1 =	srdreg.scid  }
0x3: {  	s0 =	stileid.u32;
	s3 =	rddreg [dreg:$0x2]  }
0x4: {  	s10 =	simm.s32 $0x1C00;
	s11 =	simm.s32 $0x3500;
	s12 =	simm.s32 $0x1C80  }
0x5: {  	s13 =	simm.s32 $0x7500;
	s14 =	simm.s32 $0x1;
	s15 =	simm.s32 $0x2  }
0x6: {  	s16 =	simm.s32 $0x0;
	s6 =	sand.u32 $0x1, s1;
	s4 =	sshll.u32 s0, $0x1  }
0x7: {  	s7 =	sor.u32 s6, s4;
	s4 =	simm.s32 $0x0;
	s6 =	ssub.s32 $0x2, s6  }
0x8: {  	s8 =	smul.u32 $0x380, s7;
	[smem:$0x7FF] =	sst s4;
	s9 =	sshrl.u32 s6, $0x1  }
0x9: {  	s1 =	rddreg [dreg:$0x3];
	_ =	strace $0x80000047;
	s31 =	ssub.s32 s6, s9  }
0xa: {  	s6 =	smul.u32 $0xC8000, s7;
	s9 =	simm.s32 $0x80;
	s5 =	sadd.s32 s8, s5  }
0xb: {  	v0 =	vimm.f32 $0.0e+00;
	s7 =	smax.u32 s31, $0x1;
	s8 =	simm.s32 $0x3;
	s5 =	sadd.s32 $0x800, s5  }
.LBB2_1:
0xc: {  	[tilespmem:s4], [sflag:$0x3] =	stream.linear.gather [hbm4b:s5+s4], $0x1900, $0x38;
	[tilespmem:$0x13500] =	vst v63  }
0xd: {  	_ =	swait.ge [sflag:s8], $0x1900  }
0xe: {  	[sflag:s8] =	ssyncset.done $0x0  }
0xf: {  	s18 =	simm.s32 $0x0;
	[sflag:s8] =	ssyncadd.s32 $0xFFFFE700  }
0x10: {  	v3 =	vld [tilespmem:s18+$0x70]  }
0x11: {  	v7 =	vld [tilespmem:s18+$0x0]  }
0x12: {  	v6 =	vld [tilespmem:s18+$0x10]  }
0x13: {  	v5 =	vld [tilespmem:s18+$0x20]  }
0x14: {  	v4 =	vld [tilespmem:s18+$0x30]  }
0x15: {  	v1 =	vld [tilespmem:s18+$0x40];
	vm0 =	vlt.s32 v3, $0x61A8;
	v8 =	vand.u32 $0x3FFF, v3  }
0x16: {  	v2 =	vld [tilespmem:s18+$0x50];
	vm1 =	vlt.s32 v7, $0x61A8;
	v9 =	vand.u32 $0x3FFF, v7;
	v10 =	vsel vm0, v3, v8  }
0x17: {  	s17 =	simm.s32 $0x80;
	s19 =	simm.s32 $0x400;
	v3 =	vld [tilespmem:s18+$0x60];
	v7 =	vsel vm1, v7, v9;
	vm0 =	vlt.s32 v6, $0x61A8;
	v8 =	vand.u32 $0x3FFF, v6;
	[tilespmem:s18+$0x1C70] =	vst v10  }
.LBB2_2:
0x18: {  	p0 =	sne.s32 s19, $0x6200;
	v9 =	vld [tilespmem:s17+$0x70];
	[tilespmem:s18+$0x1C00] =	vst v7;
	v6 =	vsel vm0, v6, v8;
	vm0 =	vlt.s32 v5, $0x61A8;
	v7 =	vand.u32 $0x3FFF, v5  }
0x19: {  	v8 =	vld [tilespmem:s17+$0x0];
	[tilespmem:s18+$0x1C10] =	vst v6;
	v5 =	vsel vm0, v5, v7;
	vm0 =	vlt.s32 v4, $0x61A8;
	v7 =	vand.u32 $0x3FFF, v4  }
0x1a: {  	v6 =	vld [tilespmem:s17+$0x10];
	[tilespmem:s18+$0x1C20] =	vst v5;
	v4 =	vsel vm0, v4, v7;
	vm0 =	vlt.s32 v1, $0x61A8;
	v7 =	vand.u32 $0x3FFF, v1  }
.Ltmp0:
0x1b: {  	v5 =	vld [tilespmem:s17+$0x20];
	[tilespmem:s18+$0x1C30] =	vst v4;
	v1 =	vsel vm0, v1, v7;
	vm0 =	vlt.s32 v2, $0x61A8;
	v7 =	vand.u32 $0x3FFF, v2;
	(pc) =	sbr.rel @p0 .LBB2_2-.Ltmp0, $4  }
0x1c: {  	v4 =	vld [tilespmem:s17+$0x30];
	[tilespmem:s18+$0x1C40] =	vst v1;
	v2 =	vsel vm0, v2, v7;
	vm0 =	vlt.s32 v3, $0x61A8;
	v7 =	vand.u32 $0x3FFF, v3  }
0x1d: {  	v1 =	vld [tilespmem:s17+$0x40];
	vm1 =	vlt.s32 v9, $0x61A8;
	v10 =	vand.u32 $0x3FFF, v9;
	[tilespmem:s18+$0x1C50] =	vst v2;
	v3 =	vsel vm0, v3, v7  }
0x1e: {  	vm0 =	vlt.s32 v8, $0x61A8;
	v7 =	vand.u32 $0x3FFF, v8;
	v2 =	vld [tilespmem:s17+$0x50];
	v9 =	vsel vm1, v9, v10;
	[tilespmem:s18+$0x1C60] =	vst v3;
	s18 =	smov.u32 s17  }
0x1f: {  	s17 =	sshra.s32 s19, $0x2;
	s19 =	sadd.s32 $0x200, s19;
	v7 =	vsel vm0, v8, v7;
	vm0 =	vlt.s32 v6, $0x61A8;
	v8 =	vand.u32 $0x3FFF, v6;
	v3 =	vld [tilespmem:s18+$0x60];
	[tilespmem:s18+$0x1C70] =	vst v9  }
0x20: {  	v9 =	vld [tilespmem:s17+$0x70];
	[tilespmem:s18+$0x1C00] =	vst v7;
	v6 =	vsel vm0, v6, v8;
	vm4 =	vlt.s32 v5, $0x61A8;
	v53 =	vand.u32 $0x3FFF, v5  }
0x21: {  	v7 =	vld [tilespmem:s17+$0x0];
	[tilespmem:s18+$0x1C10] =	vst v6;
	v5 =	vsel vm4, v5, v53;
	vm5 =	vlt.s32 v4, $0x61A8;
	v54 =	vand.u32 $0x3FFF, v4  }
0x22: {  	v6 =	vld [tilespmem:s17+$0x10];
	[tilespmem:s18+$0x1C20] =	vst v5;
	v4 =	vsel vm5, v4, v54;
	vm6 =	vlt.s32 v1, $0x61A8;
	v55 =	vand.u32 $0x3FFF, v1  }
0x23: {  	v5 =	vld [tilespmem:s17+$0x20];
	[tilespmem:s18+$0x1C30] =	vst v4;
	v1 =	vsel vm6, v1, v55;
	vm7 =	vlt.s32 v2, $0x61A8;
	v56 =	vand.u32 $0x3FFF, v2  }
0x24: {  	v4 =	vld [tilespmem:s17+$0x30];
	[tilespmem:s18+$0x1C40] =	vst v1;
	v1 =	vsel vm7, v2, v56;
	vm8 =	vlt.s32 v3, $0x61A8;
	v57 =	vand.u32 $0x3FFF, v3  }
0x25: {  	v2 =	vld [tilespmem:s17+$0x40];
	[tilespmem:s18+$0x1C50] =	vst v1;
	v1 =	vsel vm8, v3, v57;
	vm9 =	vlt.s32 v9, $0x61A8;
	v58 =	vand.u32 $0x3FFF, v9  }
0x26: {  	v3 =	vld [tilespmem:s17+$0x50];
	[tilespmem:s18+$0x1C60] =	vst v1;
	vm1 =	vlt.s32 v7, $0x61A8;
	v1 =	vand.u32 $0x3FFF, v7;
	v8 =	vsel vm9, v9, v58  }
0x27: {  	v59 =	vld [tilespmem:s17+$0x60];
	v1 =	vsel vm1, v7, v1;
	vm10 =	vlt.s32 v6, $0x61A8;
	v60 =	vand.u32 $0x3FFF, v6;
	[tilespmem:s17+$0x1C70] =	vst v8  }
0x28: {  	[tilespmem:s17+$0x1C00] =	vst v1;
	v1 =	vsel vm10, v6, v60;
	vm11 =	vlt.s32 v5, $0x61A8;
	v61 =	vand.u32 $0x3FFF, v5  }
0x29: {  	[tilespmem:s17+$0x1C10] =	vst v1;
	v1 =	vsel vm11, v5, v61;
	vm12 =	vlt.s32 v4, $0x61A8;
	v62 =	vand.u32 $0x3FFF, v4  }
0x2a: {  	[tilespmem:s17+$0x1C20] =	vst v1;
	v1 =	vsel vm12, v4, v62;
	vm13 =	vlt.s32 v2, $0x61A8;
	v63 =	vand.u32 $0x3FFF, v2  }
0x2b: {  	[tilespmem:s17+$0x1C30] =	vst v1;
	v1 =	vsel vm13, v2, v63;
	vm14 =	vlt.s32 v3, $0x61A8;
	v2 =	vand.u32 $0x3FFF, v3  }
0x2c: {  	[tilespmem:s17+$0x1C40] =	vst v1;
	v1 =	vsel vm14, v3, v2;
	vm15 =	vlt.s32 v59, $0x61A8;
	v2 =	vand.u32 $0x3FFF, v59  }
0x2d: {  	[tilespmem:s17+$0x1C50] =	vst v1;
	v1 =	vsel vm15, v59, v2  }
0x2e: {  	[tilespmem:s17+$0x1C60] =	vst v1  }
0x2f: {  	[tilespmem:s11], [sflag:$0x1] =	stream.indirect.gather [hbm4b:s2+s9], $0x80, s10, s9, $0xb8;
	[tilespmem:$0x13500] =	vst v63  }
0x30: {  	s17 =	simm.s32 $0x0  }
0x31: {  	[tilespmem:s13], [sflag:$0x1] =	stream.indirect.gather [hbm4b:s2+s9], $0x80, s12, s9, $0xb8;
	[tilespmem:$0x13500] =	vst v63  }
.LBB2_4:
0x32: {  	_ =	swait.ge [sflag:s14], $0x4000  }
0x33: {  	p0 =	seq.s32 s17, $0x0;
	[sflag:s14] =	ssyncset.done $0x0  }
0x34: {  	p1 =	seq.s32 @!p0 s17, $0x18;
	[sflag:s14] =	ssyncadd.s32 $0xFFFFC000  }
0x35: {  	p1 =	por p0, !p1;
	_ =	swait.ge [sflag:s14], $0x4000  }
.Ltmp1:
0x36: {  	[sflag:s14] =	ssyncset.done $0x0;
	(pc) =	sbr.rel @!p1 .LBB2_6-.Ltmp1, $4  }
0x37: {  	s18 =	simm.s32 @!p0 $0x2;
	[sflag:s14] =	ssyncadd.s32 $0xFFFFC000  }
0x38: {  	_ =	swait.ge @!p0 [sflag:s18], $0x8000  }
0x39: {  	[sflag:s18] =	ssyncset.done @!p0 $0x0  }
0x3a: {  	[sflag:s18] =	ssyncadd.s32 @!p0 $0xFFFF8000;
	s18 =	simm.s32 @!p0 $0x19  }
0x3b: {  	s18 =	sadd.s32 @!p0 $0x1, s17  }
0x3c: {  	s18 =	simm.s32 @p0 $0x1  }
0x3d: {  	s19 =	sshll.u32 s18, $0xF;
	s20 =	sshll.u32 s18, $0x8  }
0x3e: {  	s19 =	sand.u32 $0x8000, s19;
	s20 =	sand.u32 $0x3FFFFF00, s20  }
0x3f: {  	s21 =	sor.u32 $0x3500, s19;
	s22 =	sadd.s32 $0x1C00, s20  }
0x40: {  	[tilespmem:s21], [sflag:$0x1] =	stream.indirect.gather [hbm4b:s2+s9], $0x80, s22, s9, $0xb8;
	[tilespmem:$0x13500] =	vst v63  }
0x41: {  	s19 =	sor.u32 $0x7500, s19;
	s20 =	sadd.s32 $0x1C80, s20  }
0x42: {  	[tilespmem:s19], [sflag:$0x1] =	stream.indirect.gather [hbm4b:s2+s9], $0x80, s20, s9, $0xb8;
	[tilespmem:$0x13500] =	vst v63  }
.LBB2_6:
0x43: {  	s20 =	sshll.u32 s17, $0x8  }
0x44: {  	s21 =	simm.s32 $0x0;
	s19 =	sand.u32 $0x100, s20;
	s20 =	sand.u32 $0x3FFFFF00, s20  }
.LBB2_7:
0x45: {  	s22 =	sshll.u32 s21, $0x4  }
0x46: {  	s23 =	sand.u32 $0x80, s22  }
0x47: {  	s24 =	sand.u32 $0x70, s22;
	s23 =	sadd.s32 s23, s20  }
0x48: {  	s23 =	sadd.s32 s24, s23  }
0x49: {  	v1 =	vld [tilespmem:s23+$0x0];
	_ =	sdelay $0x1  }
0x4a: {  	s22 =	sadd.s32 s19, s22  }
0x4b: {  	s22 =	sshll.u32 s22, $0x7  }
0x4c: {  	s22 =	sand.u32 $0x3FFFFF80, s22  }
0x4d: {  	v2 =	vld [tilespmem:s22+$0x3500];
	v1 =	vadd.s32 $0xFFFFFFFF, v1  }
0x4e: {  	v3 =	vld [tilespmem:s22+$0x3510];
	vm0 =	vlt.u32 v1, $0x61A7  }
0x4f: {  	v4 =	vld [tilespmem:s22+$0x3520];
	v1 =	vsel vm0, $0x3F800000, v0  }
0x50: {  	v6 =	vld [tilespmem:s22+$0x3530];
	v5 =	vbroadcast v1, $0x0  }
0x51: {  	v7 =	vld [tilespmem:s22+$0x3540]  }
0x52: {  	v8 =	vld [tilespmem:s22+$0x3550];
	v2 =	vmul.f32 v5, v2  }
0x53: {  	v9 =	vld [tilespmem:s22+$0x3560];
	v3 =	vmul.f32 v5, v3  }
0x54: {  	v34 =	vld [tilespmem:s22+$0x3570];
	[tilespmem:s22+$0x3500] =	vst v2;
	v2 =	vmul.f32 v4, v5  }
0x55: {  	v35 =	vld [tilespmem:s22+$0x3580];
	[tilespmem:s22+$0x3510] =	vst v3;
	v3 =	vmul.f32 v6, v5  }
0x56: {  	v36 =	vld [tilespmem:s22+$0x3590];
	[tilespmem:s22+$0x3520] =	vst v2;
	v2 =	vmul.f32 v7, v5  }
0x57: {  	v37 =	vld [tilespmem:s22+$0x35A0];
	[tilespmem:s22+$0x3530] =	vst v3;
	v3 =	vmul.f32 v8, v5  }
0x58: {  	v10 =	vld [tilespmem:s22+$0x35B0];
	v38 =	vbroadcast v1, $0x1;
	[tilespmem:s22+$0x3540] =	vst v2;
	v2 =	vmul.f32 v9, v5  }
0x59: {  	v39 =	vld [tilespmem:s22+$0x35C0];
	[tilespmem:s22+$0x3550] =	vst v3;
	v3 =	vmul.f32 v34, v5  }
0x5a: {  	v40 =	vld [tilespmem:s22+$0x35D0];
	[tilespmem:s22+$0x3560] =	vst v2;
	v2 =	vmul.f32 v35, v38  }
0x5b: {  	v41 =	vld [tilespmem:s22+$0x35E0];
	[tilespmem:s22+$0x3570] =	vst v3;
	v3 =	vmul.f32 v36, v38  }
0x5c: {  	v42 =	vld [tilespmem:s22+$0x35F0];
	[tilespmem:s22+$0x3580] =	vst v2;
	v2 =	vmul.f32 v37, v38  }
0x5d: {  	v43 =	vld [tilespmem:s22+$0x3600];
	[tilespmem:s22+$0x3590] =	vst v3;
	v3 =	vmul.f32 v10, v38  }
0x5e: {  	v44 =	vld [tilespmem:s22+$0x3610];
	[tilespmem:s22+$0x35A0] =	vst v2;
	v2 =	vmul.f32 v39, v38  }
0x5f: {  	v45 =	vld [tilespmem:s22+$0x3620];
	[tilespmem:s22+$0x35B0] =	vst v3;
	v3 =	vmul.f32 v40, v38  }
0x60: {  	v47 =	vld [tilespmem:s22+$0x3630];
	v46 =	vbroadcast v1, $0x2;
	[tilespmem:s22+$0x35C0] =	vst v2;
	v2 =	vmul.f32 v41, v38  }
0x61: {  	v48 =	vld [tilespmem:s22+$0x3640];
	[tilespmem:s22+$0x35D0] =	vst v3;
	v3 =	vmul.f32 v42, v38  }
0x62: {  	v49 =	vld [tilespmem:s22+$0x3650];
	[tilespmem:s22+$0x35E0] =	vst v2;
	v2 =	vmul.f32 v43, v46  }
0x63: {  	v50 =	vld [tilespmem:s22+$0x3660];
	[tilespmem:s22+$0x35F0] =	vst v3;
	v3 =	vmul.f32 v44, v46  }
0x64: {  	v51 =	vld [tilespmem:s22+$0x3670];
	[tilespmem:s22+$0x3600] =	vst v2;
	v2 =	vmul.f32 v45, v46  }
0x65: {  	v52 =	vld [tilespmem:s22+$0x3680];
	[tilespmem:s22+$0x3610] =	vst v3;
	v3 =	vmul.f32 v47, v46  }
0x66: {  	v53 =	vld [tilespmem:s22+$0x3690];
	[tilespmem:s22+$0x3620] =	vst v2;
	v2 =	vmul.f32 v48, v46  }
0x67: {  	v54 =	vld [tilespmem:s22+$0x36A0];
	[tilespmem:s22+$0x3630] =	vst v3;
	v3 =	vmul.f32 v49, v46  }
0x68: {  	v56 =	vld [tilespmem:s22+$0x36B0];
	v55 =	vbroadcast v1, $0x3;
	[tilespmem:s22+$0x3640] =	vst v2;
	v2 =	vmul.f32 v50, v46  }
0x69: {  	v57 =	vld [tilespmem:s22+$0x36C0];
	[tilespmem:s22+$0x3650] =	vst v3;
	v3 =	vmul.f32 v51, v46  }
0x6a: {  	v58 =	vld [tilespmem:s22+$0x36D0];
	[tilespmem:s22+$0x3660] =	vst v2;
	v2 =	vmul.f32 v52, v55  }
0x6b: {  	v59 =	vld [tilespmem:s22+$0x36E0];
	[tilespmem:s22+$0x3670] =	vst v3;
	v3 =	vmul.f32 v53, v55  }
0x6c: {  	v60 =	vld [tilespmem:s22+$0x36F0];
	[tilespmem:s22+$0x3680] =	vst v2;
	v2 =	vmul.f32 v54, v55  }
0x6d: {  	v61 =	vld [tilespmem:s22+$0x3700];
	[tilespmem:s22+$0x3690] =	vst v3;
	v3 =	vmul.f32 v56, v55  }
0x6e: {  	v62 =	vld [tilespmem:s22+$0x3710];
	[tilespmem:s22+$0x36A0] =	vst v2;
	v2 =	vmul.f32 v57, v55  }
0x6f: {  	v63 =	vld [tilespmem:s22+$0x3720];
	[tilespmem:s22+$0x36B0] =	vst v3;
	v3 =	vmul.f32 v58, v55  }
0x70: {  	v13 =	vld [tilespmem:s22+$0x3730];
	v12 =	vbroadcast v1, $0x4;
	[tilespmem:s22+$0x36C0] =	vst v2;
	v2 =	vmul.f32 v59, v55  }
0x71: {  	v14 =	vld [tilespmem:s22+$0x3740];
	[tilespmem:s22+$0x36D0] =	vst v3;
	v3 =	vmul.f32 v60, v55  }
0x72: {  	v15 =	vld [tilespmem:s22+$0x3750];
	[tilespmem:s22+$0x36E0] =	vst v2;
	v2 =	vmul.f32 v61, v12  }
0x73: {  	v16 =	vld [tilespmem:s22+$0x3760];
	[tilespmem:s22+$0x36F0] =	vst v3;
	v3 =	vmul.f32 v62, v12  }
0x74: {  	v17 =	vld [tilespmem:s22+$0x3770];
	[tilespmem:s22+$0x3700] =	vst v2;
	v2 =	vmul.f32 v63, v12  }
0x75: {  	v18 =	vld [tilespmem:s22+$0x3780];
	[tilespmem:s22+$0x3710] =	vst v3;
	v3 =	vmul.f32 v13, v12  }
0x76: {  	v19 =	vld [tilespmem:s22+$0x3790];
	[tilespmem:s22+$0x3720] =	vst v2;
	v2 =	vmul.f32 v14, v12  }
0x77: {  	v20 =	vld [tilespmem:s22+$0x37A0];
	[tilespmem:s22+$0x3730] =	vst v3;
	v3 =	vmul.f32 v15, v12  }
0x78: {  	v22 =	vld [tilespmem:s22+$0x37B0];
	v21 =	vbroadcast v1, $0x5;
	[tilespmem:s22+$0x3740] =	vst v2;
	v2 =	vmul.f32 v16, v12  }
0x79: {  	v23 =	vld [tilespmem:s22+$0x37C0];
	[tilespmem:s22+$0x3750] =	vst v3;
	v3 =	vmul.f32 v17, v12  }
0x7a: {  	v24 =	vld [tilespmem:s22+$0x37D0];
	[tilespmem:s22+$0x3760] =	vst v2;
	v2 =	vmul.f32 v18, v21  }
0x7b: {  	v25 =	vld [tilespmem:s22+$0x37E0];
	[tilespmem:s22+$0x3770] =	vst v3;
	v3 =	vmul.f32 v19, v21  }
0x7c: {  	v26 =	vld [tilespmem:s22+$0x37F0];
	[tilespmem:s22+$0x3780] =	vst v2;
	v2 =	vmul.f32 v20, v21  }
0x7d: {  	v27 =	vld [tilespmem:s22+$0x3800];
	[tilespmem:s22+$0x3790] =	vst v3;
	v3 =	vmul.f32 v22, v21  }
0x7e: {  	v28 =	vld [tilespmem:s22+$0x3810];
	[tilespmem:s22+$0x37A0] =	vst v2;
	v2 =	vmul.f32 v23, v21  }
0x7f: {  	v29 =	vld [tilespmem:s22+$0x3820];
	[tilespmem:s22+$0x37B0] =	vst v3;
	v3 =	vmul.f32 v24, v21  }
0x80: {  	v31 =	vld [tilespmem:s22+$0x3830];
	v30 =	vbroadcast v1, $0x6;
	[tilespmem:s22+$0x37C0] =	vst v2;
	v2 =	vmul.f32 v25, v21  }
0x81: {  	v32 =	vld [tilespmem:s22+$0x3840];
	[tilespmem:s22+$0x37D0] =	vst v3;
	v3 =	vmul.f32 v26, v21  }
0x82: {  	v33 =	vld [tilespmem:s22+$0x3850];
	[tilespmem:s22+$0x37E0] =	vst v2;
	v2 =	vmul.f32 v27, v30  }
0x83: {  	v34 =	vld [tilespmem:s22+$0x3860];
	[tilespmem:s22+$0x37F0] =	vst v3;
	v3 =	vmul.f32 v28, v30  }
0x84: {  	v35 =	vld [tilespmem:s22+$0x3870];
	[tilespmem:s22+$0x3800] =	vst v2;
	v2 =	vmul.f32 v29, v30  }
0x85: {  	v36 =	vld [tilespmem:s22+$0x3880];
	[tilespmem:s22+$0x3810] =	vst v3;
	v3 =	vmul.f32 v31, v30  }
0x86: {  	v37 =	vld [tilespmem:s22+$0x3890];
	[tilespmem:s22+$0x3820] =	vst v2;
	v2 =	vmul.f32 v32, v30  }
0x87: {  	v38 =	vld [tilespmem:s22+$0x38A0];
	[tilespmem:s22+$0x3830] =	vst v3;
	v3 =	vmul.f32 v33, v30  }
0x88: {  	v39 =	vbroadcast v1, $0x7;
	v40 =	vld [tilespmem:s22+$0x38B0];
	[tilespmem:s22+$0x3840] =	vst v2;
	v2 =	vmul.f32 v34, v30  }
0x89: {  	v41 =	vld [tilespmem:s22+$0x38C0];
	[tilespmem:s22+$0x3850] =	vst v3;
	v3 =	vmul.f32 v35, v30  }
0x8a: {  	v42 =	vld [tilespmem:s22+$0x38D0];
	[tilespmem:s22+$0x3860] =	vst v2;
	v2 =	vmul.f32 v36, v39  }
0x8b: {  	v43 =	vld [tilespmem:s22+$0x38E0];
	[tilespmem:s22+$0x3870] =	vst v3;
	v3 =	vmul.f32 v37, v39  }
0x8c: {  	v44 =	vld [tilespmem:s22+$0x38F0];
	[tilespmem:s22+$0x3880] =	vst v2;
	v2 =	vmul.f32 v38, v39  }
0x8d: {  	v45 =	vld [tilespmem:s22+$0x3900];
	[tilespmem:s22+$0x3890] =	vst v3;
	v3 =	vmul.f32 v40, v39  }
0x8e: {  	v46 =	vld [tilespmem:s22+$0x3910];
	[tilespmem:s22+$0x38A0] =	vst v2;
	v2 =	vmul.f32 v41, v39  }
0x8f: {  	v47 =	vld [tilespmem:s22+$0x3920];
	[tilespmem:s22+$0x38B0] =	vst v3;
	v3 =	vmul.f32 v42, v39  }
0x90: {  	v48 =	vbroadcast v1, $0x8;
	v49 =	vld [tilespmem:s22+$0x3930];
	[tilespmem:s22+$0x38C0] =	vst v2;
	v2 =	vmul.f32 v43, v39  }
0x91: {  	v50 =	vld [tilespmem:s22+$0x3940];
	[tilespmem:s22+$0x38D0] =	vst v3;
	v3 =	vmul.f32 v44, v39  }
0x92: {  	v51 =	vld [tilespmem:s22+$0x3950];
	[tilespmem:s22+$0x38E0] =	vst v2;
	v2 =	vmul.f32 v45, v48  }
0x93: {  	v52 =	vld [tilespmem:s22+$0x3960];
	[tilespmem:s22+$0x38F0] =	vst v3;
	v3 =	vmul.f32 v46, v48  }
0x94: {  	v53 =	vld [tilespmem:s22+$0x3970];
	[tilespmem:s22+$0x3900] =	vst v2;
	v2 =	vmul.f32 v47, v48  }
0x95: {  	v54 =	vld [tilespmem:s22+$0x3980];
	[tilespmem:s22+$0x3910] =	vst v3;
	v3 =	vmul.f32 v49, v48  }
0x96: {  	v55 =	vld [tilespmem:s22+$0x3990];
	[tilespmem:s22+$0x3920] =	vst v2;
	v2 =	vmul.f32 v50, v48  }
0x97: {  	v56 =	vld [tilespmem:s22+$0x39A0];
	[tilespmem:s22+$0x3930] =	vst v3;
	v3 =	vmul.f32 v51, v48  }
0x98: {  	v57 =	vbroadcast v1, $0x9;
	v58 =	vld [tilespmem:s22+$0x39B0];
	[tilespmem:s22+$0x3940] =	vst v2;
	v2 =	vmul.f32 v52, v48  }
0x99: {  	v59 =	vld [tilespmem:s22+$0x39C0];
	[tilespmem:s22+$0x3950] =	vst v3;
	v3 =	vmul.f32 v53, v48  }
0x9a: {  	v60 =	vld [tilespmem:s22+$0x39D0];
	[tilespmem:s22+$0x3960] =	vst v2;
	v2 =	vmul.f32 v54, v57  }
0x9b: {  	v61 =	vld [tilespmem:s22+$0x39E0];
	[tilespmem:s22+$0x3970] =	vst v3;
	v3 =	vmul.f32 v55, v57  }
0x9c: {  	v62 =	vld [tilespmem:s22+$0x39F0];
	[tilespmem:s22+$0x3980] =	vst v2;
	v2 =	vmul.f32 v56, v57  }
0x9d: {  	v63 =	vld [tilespmem:s22+$0x3A00];
	[tilespmem:s22+$0x3990] =	vst v3;
	v3 =	vmul.f32 v58, v57  }
0x9e: {  	v12 =	vld [tilespmem:s22+$0x3A10];
	[tilespmem:s22+$0x39A0] =	vst v2;
	v2 =	vmul.f32 v59, v57  }
0x9f: {  	v13 =	vld [tilespmem:s22+$0x3A20];
	[tilespmem:s22+$0x39B0] =	vst v3;
	v3 =	vmul.f32 v60, v57  }
0xa0: {  	v14 =	vbroadcast v1, $0xA;
	v15 =	vld [tilespmem:s22+$0x3A30];
	[tilespmem:s22+$0x39C0] =	vst v2;
	v2 =	vmul.f32 v61, v57  }
0xa1: {  	v16 =	vld [tilespmem:s22+$0x3A40];
	[tilespmem:s22+$0x39D0] =	vst v3;
	v3 =	vmul.f32 v62, v57  }
0xa2: {  	v17 =	vld [tilespmem:s22+$0x3A50];
	[tilespmem:s22+$0x39E0] =	vst v2;
	v2 =	vmul.f32 v63, v14  }
0xa3: {  	v18 =	vld [tilespmem:s22+$0x3A60];
	[tilespmem:s22+$0x39F0] =	vst v3;
	v3 =	vmul.f32 v12, v14  }
0xa4: {  	v19 =	vld [tilespmem:s22+$0x3A70];
	[tilespmem:s22+$0x3A00] =	vst v2;
	v2 =	vmul.f32 v13, v14  }
0xa5: {  	v20 =	vld [tilespmem:s22+$0x3A80];
	[tilespmem:s22+$0x3A10] =	vst v3;
	v3 =	vmul.f32 v15, v14  }
0xa6: {  	v21 =	vld [tilespmem:s22+$0x3A90];
	[tilespmem:s22+$0x3A20] =	vst v2;
	v2 =	vmul.f32 v16, v14  }
0xa7: {  	v22 =	vld [tilespmem:s22+$0x3AA0];
	[tilespmem:s22+$0x3A30] =	vst v3;
	v3 =	vmul.f32 v17, v14  }
0xa8: {  	v23 =	vbroadcast v1, $0xB;
	v24 =	vld [tilespmem:s22+$0x3AB0];
	[tilespmem:s22+$0x3A40] =	vst v2;
	v2 =	vmul.f32 v18, v14  }
0xa9: {  	v25 =	vld [tilespmem:s22+$0x3AC0];
	[tilespmem:s22+$0x3A50] =	vst v3;
	v3 =	vmul.f32 v19, v14  }
0xaa: {  	v26 =	vld [tilespmem:s22+$0x3AD0];
	[tilespmem:s22+$0x3A60] =	vst v2;
	v2 =	vmul.f32 v20, v23  }
0xab: {  	v27 =	vld [tilespmem:s22+$0x3AE0];
	[tilespmem:s22+$0x3A70] =	vst v3;
	v3 =	vmul.f32 v21, v23  }
0xac: {  	v28 =	vld [tilespmem:s22+$0x3AF0];
	[tilespmem:s22+$0x3A80] =	vst v2;
	v2 =	vmul.f32 v22, v23  }
0xad: {  	v29 =	vld [tilespmem:s22+$0x3B00];
	[tilespmem:s22+$0x3A90] =	vst v3;
	v3 =	vmul.f32 v24, v23  }
0xae: {  	v30 =	vld [tilespmem:s22+$0x3B10];
	[tilespmem:s22+$0x3AA0] =	vst v2;
	v2 =	vmul.f32 v25, v23  }
0xaf: {  	v31 =	vld [tilespmem:s22+$0x3B20];
	[tilespmem:s22+$0x3AB0] =	vst v3;
	v3 =	vmul.f32 v26, v23  }
0xb0: {  	v32 =	vbroadcast v1, $0xC;
	v33 =	vld [tilespmem:s22+$0x3B30];
	[tilespmem:s22+$0x3AC0] =	vst v2;
	v2 =	vmul.f32 v27, v23  }
0xb1: {  	v34 =	vld [tilespmem:s22+$0x3B40];
	[tilespmem:s22+$0x3AD0] =	vst v3;
	v3 =	vmul.f32 v28, v23  }
0xb2: {  	v35 =	vld [tilespmem:s22+$0x3B50];
	[tilespmem:s22+$0x3AE0] =	vst v2;
	v2 =	vmul.f32 v29, v32  }
0xb3: {  	v36 =	vld [tilespmem:s22+$0x3B60];
	[tilespmem:s22+$0x3AF0] =	vst v3;
	v3 =	vmul.f32 v30, v32  }
0xb4: {  	v37 =	vld [tilespmem:s22+$0x3B70];
	[tilespmem:s22+$0x3B00] =	vst v2;
	v2 =	vmul.f32 v31, v32  }
0xb5: {  	v38 =	vld [tilespmem:s22+$0x3B80];
	[tilespmem:s22+$0x3B10] =	vst v3;
	v3 =	vmul.f32 v33, v32  }
0xb6: {  	v39 =	vld [tilespmem:s22+$0x3B90];
	[tilespmem:s22+$0x3B20] =	vst v2;
	v2 =	vmul.f32 v34, v32  }
0xb7: {  	v40 =	vld [tilespmem:s22+$0x3BA0];
	[tilespmem:s22+$0x3B30] =	vst v3;
	v3 =	vmul.f32 v35, v32  }
0xb8: {  	v41 =	vbroadcast v1, $0xD;
	v42 =	vld [tilespmem:s22+$0x3BB0];
	[tilespmem:s22+$0x3B40] =	vst v2;
	v2 =	vmul.f32 v36, v32  }
0xb9: {  	v43 =	vld [tilespmem:s22+$0x3BC0];
	[tilespmem:s22+$0x3B50] =	vst v3;
	v3 =	vmul.f32 v37, v32  }
0xba: {  	v44 =	vld [tilespmem:s22+$0x3BD0];
	[tilespmem:s22+$0x3B60] =	vst v2;
	v2 =	vmul.f32 v38, v41  }
0xbb: {  	v45 =	vld [tilespmem:s22+$0x3BE0];
	[tilespmem:s22+$0x3B70] =	vst v3;
	v3 =	vmul.f32 v39, v41  }
0xbc: {  	v46 =	vld [tilespmem:s22+$0x3BF0];
	[tilespmem:s22+$0x3B80] =	vst v2;
	v2 =	vmul.f32 v40, v41  }
0xbd: {  	v47 =	vld [tilespmem:s22+$0x3C00];
	[tilespmem:s22+$0x3B90] =	vst v3;
	v3 =	vmul.f32 v42, v41  }
0xbe: {  	v48 =	vld [tilespmem:s22+$0x3C10];
	[tilespmem:s22+$0x3BA0] =	vst v2;
	v2 =	vmul.f32 v43, v41  }
0xbf: {  	v49 =	vld [tilespmem:s22+$0x3C20];
	[tilespmem:s22+$0x3BB0] =	vst v3;
	v3 =	vmul.f32 v44, v41  }
0xc0: {  	v50 =	vbroadcast v1, $0xE;
	v51 =	vld [tilespmem:s22+$0x3C30];
	[tilespmem:s22+$0x3BC0] =	vst v2;
	v2 =	vmul.f32 v45, v41  }
0xc1: {  	v52 =	vld [tilespmem:s22+$0x3C40];
	[tilespmem:s22+$0x3BD0] =	vst v3;
	v3 =	vmul.f32 v46, v41  }
0xc2: {  	v53 =	vld [tilespmem:s22+$0x3C50];
	[tilespmem:s22+$0x3BE0] =	vst v2;
	v2 =	vmul.f32 v47, v50  }
0xc3: {  	v54 =	vld [tilespmem:s22+$0x3C60];
	[tilespmem:s22+$0x3BF0] =	vst v3;
	v3 =	vmul.f32 v48, v50  }
0xc4: {  	v55 =	vld [tilespmem:s22+$0x3C70];
	[tilespmem:s22+$0x3C00] =	vst v2;
	v2 =	vmul.f32 v49, v50  }
0xc5: {  	v56 =	vld [tilespmem:s22+$0x3C80];
	[tilespmem:s22+$0x3C10] =	vst v3;
	v3 =	vmul.f32 v51, v50  }
0xc6: {  	v57 =	vld [tilespmem:s22+$0x3C90];
	[tilespmem:s22+$0x3C20] =	vst v2;
	v2 =	vmul.f32 v52, v50  }
0xc7: {  	v58 =	vld [tilespmem:s22+$0x3CA0];
	[tilespmem:s22+$0x3C30] =	vst v3;
	v3 =	vmul.f32 v53, v50  }
0xc8: {  	v1 =	vbroadcast v1, $0xF;
	v59 =	vld [tilespmem:s22+$0x3CB0];
	[tilespmem:s22+$0x3C40] =	vst v2;
	v2 =	vmul.f32 v54, v50  }
0xc9: {  	v60 =	vld [tilespmem:s22+$0x3CC0];
	[tilespmem:s22+$0x3C50] =	vst v3;
	v3 =	vmul.f32 v55, v50  }
0xca: {  	v61 =	vld [tilespmem:s22+$0x3CD0];
	[tilespmem:s22+$0x3C60] =	vst v2;
	v2 =	vmul.f32 v56, v1  }
0xcb: {  	v62 =	vld [tilespmem:s22+$0x3CE0];
	[tilespmem:s22+$0x3C70] =	vst v3;
	v3 =	vmul.f32 v57, v1  }
0xcc: {  	v63 =	vld [tilespmem:s22+$0x3CF0];
	[tilespmem:s22+$0x3C80] =	vst v2;
	v2 =	vmul.f32 v58, v1  }
0xcd: {  	[tilespmem:s22+$0x3C90] =	vst v3;
	v3 =	vmul.f32 v59, v1  }
0xce: {  	p0 =	sne.s32 s21, $0xF;
	[tilespmem:s22+$0x3CA0] =	vst v2;
	v2 =	vmul.f32 v60, v1  }
.Ltmp2:
0xcf: {  	[tilespmem:s22+$0x3CB0] =	vst v3;
	v3 =	vmul.f32 v61, v1;
	(pc) =	sbr.rel @p0 .LBB2_7-.Ltmp2, $4  }
0xd0: {  	[tilespmem:s22+$0x3CC0] =	vst v2;
	v2 =	vmul.f32 v62, v1  }
0xd1: {  	[tilespmem:s22+$0x3CD0] =	vst v3;
	v1 =	vmul.f32 v63, v1  }
0xd2: {  	[tilespmem:s22+$0x3CE0] =	vst v2  }
0xd3: {  	s21 =	sadd.s32 $0x1, s21;
	[tilespmem:s22+$0x3CF0] =	vst v1  }
0xd4: {  	s17 =	sshll.u32 s17, $0xF;
	p0 =	slt.u32 s18, $0x19  }
.Ltmp3:
0xd5: {  	s17 =	sadd.s32 s6, s17;
	(pc) =	sbr.rel @p0 .LBB2_4-.Ltmp3, $4  }
0xd6: {  	s19 =	sshll.u32 s19, $0x7;
	s17 =	sshrl.u32 s17, $0x3  }
0xd7: {  	s19 =	sadd.s32 $0x3500, s19;
	s17 =	sadd.s32 s3, s17  }
0xd8: {  	[hbm4b:s17+s4] =	stream.linear.scatter [tilespmem:s19], [sflag:$0x2], $0x8000, $0x38;
	[tilespmem:$0x13500] =	vst v63  }
0xd9: {  	s17 =	smov.u32 s18  }
0xda: {  	s16 =	sadd.s32 $0x1, s16  }
0xdb: {  	p0 =	sne.s32 s16, s7  }
.Ltmp4:
0xdc: {  	_ = 	snop;
	(pc) =	sbr.rel @p0 .LBB2_1-.Ltmp4, $4  }
0xdd: {  	_ = 	snop  }
0xde: {  	_ =	swait.ge [sflag:s15], $0x8000  }
0xdf: {  	[sflag:s15] =	ssyncset.done $0x0  }
0xe0: {  	[sflag:s15] =	ssyncadd.s32 $0xFFFF8000  }
0xe1: {  	_ =	sfence.sel $0x180000  }
0xe2: {  	[bflag:$0x0] =	sbarrier.arrive $0xFFFF  }
0xe3: {  	p0 =	sne.s32 s0, $0x0;
	_ =	strace $0x90000047  }
0xe4: {  	s0 =	sadd.s32 @!p0 $0x100000, s1;
	[bflag:$0x2] =	sbarrier.arrive $0xFFFF  }
0xe5: {  	[sflag:s0] =	ssyncadd.tile.s32 @!p0 $0x1;
	_ =	shalt  }
.Lfunc_end2:
_tile_overlayer_lowered:
.L_overlay_start_2:
0xe6: {  	(tag) =	ssettag $0x2  }
0xe7: {  	s0 =	rddreg [dreg:$0x0];
	s2 =	stileid.u32  }
0xe8: {  	s1 =	rddreg [dreg:$0x1];
	p0 =	sne.s32 s2, $0x0  }
0xe9: {  	s3 =	rddreg [dreg:$0x2];
	[bflag:$0x3] =	sbarrier.arrive $0xFFFF;
	s2 =	simm.s32 @!p0 $0x1C03  }
0xea: {  	[timem:s3], [sflag:s2] =	dma.local @!p0 [hbm:s0], s1  }
0xeb: {  	s0 =	simm.s32 @!p0 $0x3  }
0xec: {  	_ =	swait.ge @!p0 [sflag:s0], s1  }
0xed: {  	s1 =	ssub.s32 @!p0 $0x0, s1;
	[sflag:s0] =	ssyncset.done @!p0 $0x0  }
0xee: {  	[sflag:s0] =	ssyncadd.s32 @!p0 s1  }
0xef: {  	[bflag:$0x3] =	sbarrier.arrive $0xFFFF  }
0xf0: {  	_ =	shalt  }

// kernel: sparse-core-data-format-call.cloned.1.call-start
scs
called_computation_lowered:
.L_overlay_start_0:
0x0: {  	s2 =	sld [smem:$0x3FD9]  }
0x1: {  	s3 =	sld [smem:$0x3FFE];
	_ =	sdelay $0x1  }
0x2: {  	s1 =	srdreg.scid  }
0x3: {  	s0 =	sand.u32 $0x1, s1  }
0x4: {  	s18 =	sshll.u32 s0, $0xA;
	s2 =	sadd.s32 s3, s2  }
0x5: {  	s2 =	sadd.s32 s2, s18  }
0x6: {  	[smem:$0x3FC6] =	sst s2  }
0x7: {  	_ = 	snop  }
0x8: {  	s2 =	sld [smem:$0x3FD0];
	(tm) =	ssettm $0x1  }
0x9: {  	s19 =	sld [smem:$0x3FFB];
	_ =	sdelay $0x3  }
0xa: {  	_ =	strace s19  }
0xb: {  	s3 =	sld [smem:$0x3FFC];
	_ =	sdelay $0x3  }
0xc: {  	_ =	strace s3  }
0xd: {  	s3 =	sld [smem:$0x3FFD];
	_ =	sdelay $0x3  }
0xe: {  	_ =	strace s3  }
0xf: {  	_ =	strace $0x8FFFFFFF  }
0x10: {  	s20 =	sld [smem:$0x3FDB];
	_ =	sdelay $0x1  }
0x11: {  	s4 =	simm.s32 $_scs_section_size  }
0x12: {  	s5 =	simm.s32 $_size__tile_overlayer_lowered;
	s6 =	simm.s32 $_tile_overlayer_lowered  }
0x13: {  	s23 =	simm.s32 $0x1BFF;
	s22 =	sshll.u32 s6, $0x1;
	s3 =	sadd.s32 s4, s20  }
0x14: {  	s7 =	simm.s32 $0x0;
	s21 =	sshll.u32 s5, $0x1;
	s5 =	sadd.s32 s22, s3  }
0x15: {  	[timem:s7], [sflag:s23] =	dma.local [hbm:s5], s21  }
0x16: {  	_ =	swait.ge [sflag:s23], s21  }
0x17: {  	s4 =	ssub.s32 $0x0, s21;
	[sflag:s23] =	ssyncset.done $0x0  }
0x18: {  	[sflag:s23] =	ssyncadd.s32 s4;
	_ =	sdelay $0x1  }
0x19: {  	s24 =	simm.s32 $0x1B8B  }
0x1a: {  	_ =	swait.ge [sflag:s24], $0x1  }
0x1b: {  	[sflag:s24] =	ssyncset.done $0x0  }
0x1c: {  	s26 =	simm.s32 $0x1B8E;
	s25 =	sld [smem:$0x3FFE];
	[sflag:s24] =	ssyncadd.s32 $0xFFFFFFFF  }
0x1d: {  	s27 =	simm.s32 $execute0_lowered;
	[smem:$0x3FD2] =	sst s26  }
0x1e: {  	s5 =	sshll.u32 s27, $0x1;
	_ =	strace $0x80000049;
	[dreg:$0x1] =	wrdreg $0xFFFFFFFF  }
0x1f: {  	s28 =	simm.s32 $_size_execute0_lowered;
	s3 =	sadd.s32 s3, s5;
	[dreg:$0x0] =	wrdreg $0x0  }
0x20: {  	s5 =	sshll.u32 s28, $0x1;
	[dreg:$0x2] =	wrdreg s3  }
0x21: {  	[dreg:$0x3] =	wrdreg s5  }
0x22: {  	[dreg:$0x4] =	wrdreg $0xC0  }
0x23: {  	_ =	task [dreg:s7], $0x5FFFF  }
0x24: {  	[dreg:$0x1] =	wrdreg $0xFFFFFFFF  }
0x25: {  	[dreg:$0x0] =	wrdreg $0x60  }
0x26: {  	[dreg:$0x2] =	wrdreg s25  }
0x27: {  	[dreg:$0x3] =	wrdreg s2  }
0x28: {  	[dreg:$0x4] =	wrdreg $0x9  }
0x29: {  	_ =	task.clear_ibuf [dreg:s7], $0x5FFFF;
	_ =	strace $0x90000049  }
0x2a: {  	s29 =	simm.s32 $0x9;
	_ =	strace $0x8000004B  }
0x2b: {  	_ =	swait.ge [sflag:s29], $0x1  }
0x2c: {  	[sflag:s29] =	ssyncadd.s32 $0xFFFFFFFF  }
0x2d: {  	_ =	strace $0x9000004B  }
0x2e: {  	_ =	sfence  }
0x2f: {  	s30 =	sld [smem:$0x0];
	_ =	sdelay $0x2  }
0x30: {  	s31 =	sshll.u32 s1, $0xD;
	s1 =	sshrl.u32 s1, $0x2  }
0x31: {  	s3 =	sand.u32 $0x4000, s31;
	s1 =	sadd.s32 s1, s30  }
0x32: {  	s0 =	sor.u32 s3, s0;
	s1 =	sshll.u32 s1, $0x11  }
0x33: {  	s0 =	sor.u32 s1, s0  }
0x34: {  	s0 =	sadd.s32 $0x8F2B, s0  }
0x35: {  	[sflag:s0] =	ssyncadd.remote.s32 $0x1  }
0x36: {  	_ =	sfence.sel $0xFFFF  }
0x37: {  	[dreg:$0x0] =	wrdreg $0xFFFFFFFF;
	(pc) =	sbr.abs _section_cstart, $3  }
0x38: {  	[dreg:$0x1] =	wrdreg $0xFFFFFFFF  }
0x39: {  	_ =	task.clear_ibuf [dreg:s7], $0x2FFFF;
	_ =	strace $0x9FFFFFFF  }
0x3a: {  	(tm) =	ssettm $0x7FFFFFFF  }
0x3b: {  	_ =	shalt  }
tec
execute0_lowered:
.L_overlay_start_1:
0x0: {  	(tag) =	ssettag $0x1  }
0x1: {  	s0 =	srdreg.scid  }
0x2: {  	s1 =	sshll.u32 s0, $0x4  }
0x3: {  	s0 =	stileid.u32;
	s1 =	sand.u32 $0x10, s1  }
0x4: {  	s1 =	sor.u32 s0, s1  }
0x5: {  	s6 =	rddreg [dreg:$0x0];
	s4 =	simm.s32 $0x1;
	s2 =	sshll.u32 s1, $0x6  }
0x6: {  	s7 =	simm.s32 $0x2;
	s13 =	simm.s32 $0x0;
	s1 =	ssub.s32 $0x1000, s2  }
0x7: {  	s8 =	simm.s32 $0x2000;
	s9 =	simm.s32 $0x80000;
	s3 =	sand.u32 $0x7C0, s1  }
0x8: {  	s14 =	simm.s32 $0x0;
	s5 =	sshrl.u32 s1, $0xB;
	p0 =	sne.s32 s3, $0x0  }
.Ltmp0:
0x9: {  	s1 =	rddreg [dreg:$0x2];
	s4 =	simm.s32 @!p0 $0x0;
	(pc) =	sbr.rel .LBB1_1-.Ltmp0, $4  }
0xa: {  	s10 =	simm.s32 $0x0;
	s3 =	rddreg [dreg:$0x1];
	s5 =	sadd.s32 s4, s5  }
0xb: {  	_ =	strace $0x8000004A;
	s4 =	simm.s32 $0x1;
	s5 =	smul.u32 $0x19, s5  }
0xc: {  	s12 =	simm.s32 $0x0;
	s6 =	sadd.s32 $0x800, s6;
	[sflag:s4] =	ssyncpa.u1 $0x0  }
0xd: {  	s11 =	smov.u32 s2;
	[sflag:s7] =	ssyncpa.u1 $0x0;
	s7 =	sadd.s32 $0x1, s5  }
.LBB1_7:
0xe: {  	s15 =	sadd.s32 $0x2, s10  }
0xf: {  	s13 =	sadd.s32 $0x800, s11;
	s17 =	smov.u32 s11;
	p1 =	sgt.s32 s15, $0x31  }
0x10: {  	s17 =	smov.u32 @p1 s13  }
0x11: {  	s15 =	simm.s32 @p1 $0x0;
	p1 =	sgt.s32 s17, $0xFFF  }
0x12: {  	s17 =	smov.u32 @p1 s2;
	p1 =	sne.s32 s12, s7  }
.Ltmp1:
0x13: {  	p0 =	slt.u32 s12, $0x2;
	(pc) =	sbr.rel @!p1 .LBB1_8-.Ltmp1, $4  }
0x14: {  	s16 =	simm.s32 @!p0 $0x2  }
0x15: {  	s14 =	smov.u32 s11;
	_ =	swait.ge @!p0 [sflag:s16], $0x4000  }
0x16: {  	s13 =	smov.u32 s10;
	[sflag:s16] =	ssyncset.done @!p0 $0x0;
	s10 =	smov.u32 s15  }
0x17: {  	s12 =	sadd.s32 $0x1, s12;
	[sflag:s16] =	ssyncadd.s32 @!p0 $0xFFFFC000;
	s11 =	smov.u32 s17  }
.LBB1_1:
0x18: {  	p0 =	sge.u32 s12, s5  }
0x19: {  	s15 =	sand.u32 @!p0 $0x1FFFFFF, s10  }
0x1a: {  	s16 =	smulhi.u32 @!p0 $0x4924925, s15;
	_ =	sdelay $0x1  }
0x1b: {  	s16 =	smul.u32 @!p0 $0x38, s16  }
0x1c: {  	s17 =	sxor.u32 @!p0 $0xFFFFFFFF, s12;
	s18 =	smul.u32 @!p0 $0x380, s11  }
0x1d: {  	s31 =	sadd.s32 $0xFFFFFFFF, s12;
	s17 =	sshll.u32 @!p0 s17, $0xE;
	s15 =	ssub.s32 @!p0 s15, s16  }
0x1e: {  	s16 =	sand.u32 @!p0 $0x4000, s17;
	s17 =	sadd.s32 @!p0 s6, s18;
	s15 =	sshll.u32 @!p0 s15, $0x4  }
0x1f: {  	s18 =	simm.s32 @!p0 $0x1C00;
	s15 =	sadd.s32 @!p0 s15, s17;
	s17 =	simm.s32 @!p0 $0x100  }
0x20: {  	[tilespmem:s16], [sflag:$0x1] =	stream.strided.gather @!p0 [hbm4b:s15+s17], $0x4000, s18, s17, $0x38;
	[tilespmem:$0x10000] =	vst v63  }
0x21: {  	p0 =	sge.u32 s31, s5  }
.Ltmp2:
0x22: {  	_ = 	snop;
	(pc) =	sbr.rel @p0 .LBB1_7-.Ltmp2, $1  }
0x23: {  	_ =	sdelay $0x3  }
0x24: {  	_ =	swait.ge [sflag:s4], $0x4000;
	s15 =	sshll.u32 s12, $0xE  }
0x25: {  	[sflag:s4] =	ssyncset.done $0x0;
	s16 =	sand.u32 $0x4000, s15  }
0x26: {  	s17 =	simm.s32 $0x0;
	[sflag:s4] =	ssyncadd.s32 $0xFFFFC000;
	s15 =	sor.u32 $0x8000, s16  }
.LBB1_3:
0x27: {  	s18 =	sshll.u32 s17, $0x8  }
0x28: {  	s18 =	sand.u32 $0x3FFFFF00, s18  }
0x29: {  	s19 =	sshll.u32 s17, $0x7;
	s18 =	sadd.s32 s18, s16  }
0x2a: {  	s19 =	sand.u32 $0x3FFFFF80, s19;
	v0 =	vmov s18  }
0x2b: {  	s19 =	sadd.s32 s19, s15  }
0x2c: {  	p0 =	por $0x1, $0x1;
	v1 =	vmov s19;
	s18 =	simm.s32 $0x0  }
.LBB1_4:
0x2d: {  	s19 =	sshll.u32 s18, $0x7  }
0x2e: {  	s19 =	sand.u32 $0x3FFFFF80, s19  }
0x2f: {  	v2 =	vld.idx.msk [tilespmem:v0+s19+$0x0 ss:$0x1], $0xffff  }
0x30: {  	v3 =	vld.idx.msk [tilespmem:v0+s19+$0x10 ss:$0x1], $0xffff  }
0x31: {  	v4 =	vld.idx.msk [tilespmem:v0+s19+$0x20 ss:$0x1], $0xffff  }
0x32: {  	s31 =	sshll.u32 s18, $0xD;
	v5 =	vld.idx.msk [tilespmem:v0+s19+$0x30 ss:$0x1], $0xffff  }
0x33: {  	s18 =	sand.u32 $0x3FFFE000, s31;
	v6 =	vld.idx.msk [tilespmem:v0+s19+$0x40 ss:$0x1], $0xffff  }
0x34: {  	v63 =	vld.idx.msk [tilespmem:v0+s19+$0x70 ss:$0x1], $0xffff;
	[tilespmem:v1+s18+$0x0 ss:$0x1] =	vst.idx.msk $0xffff, v2  }
0x35: {  	v2 =	vld.idx.msk [tilespmem:v0+s19+$0x50 ss:$0x1], $0xffff;
	[tilespmem:v1+s18+$0x10 ss:$0x1] =	vst.idx.msk $0xffff, v3  }
0x36: {  	p1 =	por p0, p0;
	v3 =	vld.idx.msk [tilespmem:v0+s19+$0x60 ss:$0x1], $0xffff;
	[tilespmem:v1+s18+$0x20 ss:$0x1] =	vst.idx.msk $0xffff, v4  }
.Ltmp3:
0x37: {  	[tilespmem:v1+s18+$0x30 ss:$0x1] =	vst.idx.msk $0xffff, v5;
	(pc) =	sbr.rel @p1 .LBB1_4-.Ltmp3, $4  }
0x38: {  	[tilespmem:v1+s18+$0x40 ss:$0x1] =	vst.idx.msk $0xffff, v6  }
0x39: {  	[tilespmem:v1+s18+$0x70 ss:$0x1] =	vst.idx.msk $0xffff, v63  }
0x3a: {  	[tilespmem:v1+s18+$0x50 ss:$0x1] =	vst.idx.msk $0xffff, v2  }
0x3b: {  	p0 =	por $0x0, $0x0;
	[tilespmem:v1+s18+$0x60 ss:$0x1] =	vst.idx.msk $0xffff, v3;
	s18 =	simm.s32 $0x1  }
0x3c: {  	s17 =	sadd.s32 $0x1, s17  }
0x3d: {  	p0 =	sne.s32 s17, $0x40  }
.Ltmp4:
0x3e: {  	_ = 	snop;
	(pc) =	sbr.rel @p0 .LBB1_3-.Ltmp4, $1  }
0x3f: {  	_ =	sdelay $0x3  }
.Ltmp5:
0x40: {  	s14 =	sshll.u32 s14, $0x4;
	(pc) =	sbr.rel .LBB1_7-.Ltmp5, $4  }
0x41: {  	s14 =	sand.u32 $0xFFF0, s14  }
0x42: {  	s13 =	sshll.u32 s13, $0x10;
	s14 =	sadd.s32 s3, s14  }
0x43: {  	s13 =	sadd.s32 s13, s14  }
0x44: {  	[hbm4b:s13+s8] =	stream.strided.scatter [tilespmem:s15], [sflag:$0x2], $0x4000, s9, s8, $0x38;
	[tilespmem:$0x10000] =	vst v63  }
.LBB1_8:
0x45: {  	_ =	sfence.sel $0x180000  }
0x46: {  	s2 =	simm.s32 $0x1;
	[bflag:$0x0] =	sbarrier.arrive $0xFFFF  }
0x47: {  	s31 =	simm.s32 $0x2;
	[sflag:s2] =	ssyncpa.u1 $0x1  }
0x48: {  	[sflag:s31] =	ssyncpa.u1 $0x1  }
0x49: {  	p0 =	sne.s32 s0, $0x0;
	_ =	strace $0x9000004A  }
0x4a: {  	s0 =	sadd.s32 @!p0 $0x100000, s1;
	[bflag:$0x2] =	sbarrier.arrive $0xFFFF  }
0x4b: {  	[sflag:s0] =	ssyncadd.tile.s32 @!p0 $0x1;
	_ =	shalt  }
.Lfunc_end1:
_tile_overlayer_lowered:
.L_overlay_start_2:
0x4c: {  	(tag) =	ssettag $0x2  }
0x4d: {  	s0 =	rddreg [dreg:$0x0];
	s2 =	stileid.u32  }
0x4e: {  	s1 =	rddreg [dreg:$0x1];
	p0 =	sne.s32 s2, $0x0  }
0x4f: {  	s3 =	rddreg [dreg:$0x2];
	[bflag:$0x3] =	sbarrier.arrive $0xFFFF;
	s2 =	simm.s32 @!p0 $0x1C01  }
0x50: {  	[timem:s3], [sflag:s2] =	dma.local @!p0 [hbm:s0], s1  }
0x51: {  	s0 =	simm.s32 @!p0 $0x1  }
0x52: {  	_ =	swait.ge @!p0 [sflag:s0], s1  }
0x53: {  	s1 =	ssub.s32 @!p0 $0x0, s1;
	[sflag:s0] =	ssyncset.done @!p0 $0x0  }
0x54: {  	[sflag:s0] =	ssyncadd.s32 @!p0 s1  }
0x55: {  	[bflag:$0x3] =	sbarrier.arrive $0xFFFF  }
0x56: {  	_ =	shalt  }

</sc_bundles>
